<compile_context>
chip_gen: v7x
topology: tpu7x:2x2x1
jax: 0.10.2.dev20260603
libtpu: 0.0.44.dev20260713+nightly
codegen_flags: <defaults>
</compile_context>

<pallas_src>
import functools

import jax
import jax.numpy as jnp
from jax import lax
from jax.experimental import pallas as pl
from jax.experimental.pallas import tpu as pltpu
from jax.experimental.pallas import tpu_sc as plsc

N = 10000
E = 320000
D = 128
NC = 2
NS = 16
NW = NC * NS
CH = 128
NFULL = 78
EW = NFULL * CH
ETAIL = E - NW * EW
NP = 10112
RT = NP // NS

_QMIN, _QMAX = -128.0, 127.0


def _mesh():
    return plsc.VectorSubcoreMesh(
        core_axis_name="c", subcore_axis_name="s", num_cores=NC,
        num_subcores=NS)


NR = 80


def _rowminmax_body(x_ref, mn_ref, mx_ref):
    pad = jnp.zeros((NR * 128 - N,), jnp.float32)
    mn = jnp.min(x_ref[...], axis=1)
    mx = jnp.max(x_ref[...], axis=1)
    mn_ref[...] = jnp.concatenate([mn, pad]).reshape(NR, 128)
    mx_ref[...] = jnp.concatenate([mx, pad]).reshape(NR, 128)


def _rowminmax(x):
    return pl.pallas_call(
        _rowminmax_body,
        out_shape=(
            jax.ShapeDtypeStruct((NR, 128), jnp.float32),
            jax.ShapeDtypeStruct((NR, 128), jnp.float32),
        ),
    )(x)


def _msg_minmax_body(rmin_hbm, rmax_hbm, ei_hbm, omin_hbm, omax_hbm,
                     rmin_v, rmax_v, idx_v, idt_v, tmn_v, tmx_v):
    c = lax.axis_index("c")
    s = lax.axis_index("s")
    wid = s * NC + c
    pltpu.sync_copy(rmin_hbm, rmin_v)
    pltpu.sync_copy(rmax_hbm, rmax_v)
    pltpu.sync_copy(ei_hbm.at[0, pl.ds(wid * EW, EW)], idx_v)
    pltpu.sync_copy(
        ei_hbm.at[0, pl.ds(NW * EW + (wid % 4) * CH, CH)], idt_v)

    def red(idx, carry):
        amn, amx = carry
        vr = lax.shift_right_logical(idx, 7)
        vc = lax.bitwise_and(idx, 127)
        vmn = plsc.load_gather(rmin_v, [vr, vc])
        vmx = plsc.load_gather(rmax_v, [vr, vc])
        return jnp.minimum(amn, vmn), jnp.maximum(amx, vmx)

    def body(i, carry):
        return red(idx_v[pl.ds(i * 16, 16)], carry)

    def bodyt(i, carry):
        return red(idt_v[pl.ds(i * 16, 16)], carry)

    init = (jnp.full((16,), jnp.inf, jnp.float32),
            jnp.full((16,), -jnp.inf, jnp.float32))
    carry = lax.fori_loop(0, EW // 16, body, init)
    amn, amx = lax.fori_loop(0, CH // 16, bodyt, carry)
    tmn_v[...] = amn
    tmx_v[...] = amx
    pltpu.sync_copy(tmn_v, omin_hbm.at[wid])
    pltpu.sync_copy(tmx_v, omax_hbm.at[wid])


def _msg_minmax(rmin, rmax, ei):
    return pl.kernel(
        _msg_minmax_body,
        out_type=(
            jax.ShapeDtypeStruct((NW, 16), jnp.float32),
            jax.ShapeDtypeStruct((NW, 16), jnp.float32),
        ),
        mesh=_mesh(),
        compiler_params=pltpu.CompilerParams(needs_layout_passes=False),
        scratch_types=[
            pltpu.VMEM((NR, 128), jnp.float32),
            pltpu.VMEM((NR, 128), jnp.float32),
            pltpu.VMEM((EW,), jnp.int32),
            pltpu.VMEM((CH,), jnp.int32),
            pltpu.VMEM((16,), jnp.float32),
            pltpu.VMEM((16,), jnp.float32),
        ],
    )(rmin, rmax, ei)


def _quant_x_body(x_ref, omin_ref, omax_ref, qx_ref):
    mn = jnp.minimum(jnp.min(omin_ref[...]), 0.0)
    mx = jnp.maximum(jnp.max(omax_ref[...]), 0.0)
    scale = jnp.maximum((mx - mn) / (_QMAX - _QMIN), 1e-8)
    zp = _QMIN - jnp.round(mn / scale)
    q = jnp.clip(jnp.round(x_ref[...] / scale) + zp, _QMIN, _QMAX)
    qx_ref[...] = (q - zp) * scale


def _quant_x(x, omin, omax):
    return pl.pallas_call(
        _quant_x_body,
        out_shape=jax.ShapeDtypeStruct((N, D), jnp.float32),
    )(x, omin, omax)


def _scatter_body(qx_hbm, ei_hbm, zer_hbm, out0_hbm, out1_hbm,
                  acc, srcb, dstb, rows, sg, ss, si, di, st):
    c = lax.axis_index("c")
    s = lax.axis_index("s")
    wid = s * NC + c
    ebase = wid * EW

    def start_idx(k, kk2):
        off = ebase + k * CH
        pltpu.async_copy(ei_hbm.at[0, pl.ds(off, CH)], srcb[kk2 % 3],
                         si[kk2 % 3])
        pltpu.async_copy(ei_hbm.at[1, pl.ds(off, CH)], dstb[kk2 % 4],
                         di[kk2 % 4])

    def wait_idx(kk2):
        pltpu.make_async_copy(ei_hbm.at[0, pl.ds(0, CH)], srcb[kk2 % 3],
                              si[kk2 % 3]).wait()
        pltpu.make_async_copy(ei_hbm.at[0, pl.ds(0, CH)], dstb[kk2 % 4],
                              di[kk2 % 4]).wait()

    H = CH // 2

    def start_gather(b, js):
        pltpu.async_copy(qx_hbm.at[srcb[js].at[pl.ds(0, H)]],
                         rows[b].at[pl.ds(0, H)], sg[b])
        pltpu.async_copy(qx_hbm.at[srcb[js].at[pl.ds(H, H)]],
                         rows[b].at[pl.ds(H, H)], sg[b])

    def wait_gather(b):
        pltpu.make_async_copy(qx_hbm.at[pl.ds(0, CH)], rows[b], sg[b]).wait()

    def start_scatter(b, jd):
        pltpu.async_copy(rows[b], acc.at[dstb[jd]], ss[b], add=True)

    def wait_scatter(b):
        pltpu.make_async_copy(qx_hbm.at[pl.ds(0, CH)], rows[b], ss[b]).wait()

    def step(k, kk, has_wait=True, has_idx=True, has_gather=True):
        b = kk % 3
        if has_wait:
            wait_scatter((kk + 1) % 3)
        if has_idx:
            start_idx(k + 2, kk + 2)
        if has_gather:
            wait_idx(kk + 1)
            start_gather((kk + 1) % 3, (kk + 1) % 3)
        wait_gather(b)
        start_scatter(b, kk % 4)

    pltpu.async_copy(zer_hbm, acc.at[pl.ds(s * RT, RT)], st)
    start_idx(0, 0)
    start_idx(1, 1)
    wait_idx(0)
    start_gather(0, 0)
    pltpu.make_async_copy(zer_hbm, acc.at[pl.ds(s * RT, RT)], st).wait()
    plsc.subcore_barrier()
    step(0, 0, has_wait=False)
    step(1, 1, has_wait=False)

    def body(g, carry):
        k0 = 2 + g * 12
        for i in range(12):
            step(k0 + i, 2 + i)
        return carry

    lax.fori_loop(0, 6, body, 0)

    for k in (74, 75, 76, 77):
        step(k, k, has_idx=(k + 2 < NFULL), has_gather=(k + 1 < NFULL))
    wait_scatter((NFULL - 2) % 3)
    wait_scatter((NFULL - 1) % 3)

    @pl.when(wid < 4)
    def _():
        toff = NW * EW + wid * CH
        pltpu.sync_copy(ei_hbm.at[0, pl.ds(toff, CH)], srcb[0])
        pltpu.sync_copy(ei_hbm.at[1, pl.ds(toff, CH)], dstb[0])
        pltpu.async_copy(qx_hbm.at[srcb[0]], rows[0], st).wait()
        pltpu.sync_copy(rows[0], acc.at[dstb[0]], add=True)

    plsc.subcore_barrier()

    @pl.when(c == 0)
    def _():
        pltpu.sync_copy(acc.at[pl.ds(s * RT, RT)],
                        out0_hbm.at[pl.ds(s * RT, RT)])

    @pl.when(c == 1)
    def _():
        pltpu.sync_copy(acc.at[pl.ds(s * RT, RT)],
                        out1_hbm.at[pl.ds(s * RT, RT)])


def _scatter_agg(qx, ei, zer):
    return pl.kernel(
        _scatter_body,
        out_type=(
            jax.ShapeDtypeStruct((NP, D), jnp.float32),
            jax.ShapeDtypeStruct((NP, D), jnp.float32),
        ),
        mesh=_mesh(),
        scratch_types=[
            pltpu.VMEM_SHARED((NP, D), jnp.float32),
            [pltpu.VMEM((CH,), jnp.int32) for _ in range(3)],
            [pltpu.VMEM((CH,), jnp.int32) for _ in range(4)],
            [pltpu.VMEM((CH, D), jnp.float32) for _ in range(3)],
            [pltpu.SemaphoreType.DMA for _ in range(3)],
            [pltpu.SemaphoreType.DMA for _ in range(3)],
            [pltpu.SemaphoreType.DMA for _ in range(3)],
            [pltpu.SemaphoreType.DMA for _ in range(4)],
            pltpu.SemaphoreType.DMA,
        ],
    )(qx, ei, zer)


_BLK = 2000
_NBLK = N // _BLK


def _qparams(mn, mx):
    scale = jnp.maximum((mx - mn) / (_QMAX - _QMIN), 1e-8)
    zp = _QMIN - jnp.round(mn / scale)
    return scale, zp


def _fq(v, scale, zp):
    q = jnp.clip(jnp.round(v / scale) + zp, _QMIN, _QMAX)
    return (q - zp) * scale


def _finish_body(a0_ref, a1_ref, o_ref, smn, smx):
    p = pl.program_id(0)
    i = pl.program_id(1)
    t = a0_ref[...] + a1_ref[...]

    @pl.when((p == 0) & (i == 0))
    def _():
        smn[0] = jnp.min(t)
        smx[0] = jnp.max(t)

    @pl.when((p == 0) & (i > 0))
    def _():
        smn[0] = jnp.minimum(smn[0], jnp.min(t))
        smx[0] = jnp.maximum(smx[0], jnp.max(t))

    @pl.when(p == 1)
    def _():
        mn_s = smn[0]
        mx_s = smx[0]
        mn2 = jnp.minimum(mn_s, 0.0)
        mx2 = jnp.maximum(mx_s, 0.0)
        sc2, zp2 = _qparams(mn2, mx2)
        dq2 = _fq(t, sc2, zp2)
        mn3 = jnp.minimum(_fq(mn_s, sc2, zp2), 0.0)
        mx3 = jnp.maximum(_fq(mx_s, sc2, zp2), 0.0)
        sc3, zp3 = _qparams(mn3, mx3)
        o_ref[...] = _fq(dq2, sc3, zp3)


def _finish(a0, a1):
    return pl.pallas_call(
        _finish_body,
        grid=(2, _NBLK),
        in_specs=[
            pl.BlockSpec((_BLK, D), lambda p, i: (i, 0)),
            pl.BlockSpec((_BLK, D), lambda p, i: (i, 0)),
        ],
        out_specs=pl.BlockSpec((_BLK, D), lambda p, i: (i, 0)),
        out_shape=jax.ShapeDtypeStruct((N, D), jnp.float32),
        scratch_shapes=[
            pltpu.SMEM((1,), jnp.float32),
            pltpu.SMEM((1,), jnp.float32),
        ],
    )(a0, a1)


def kernel(x, edge_index):
    ei = edge_index.astype(jnp.int32)
    x = x.astype(jnp.float32)

    rmin, rmax = _rowminmax(x)
    omin, omax = _msg_minmax(rmin, rmax, ei)
    qx = _quant_x(x, omin, omax)
    zer = jnp.zeros((RT, D), jnp.float32)
    a0, a1 = _scatter_agg(qx, ei, zer)
    return _finish(a0, a1)

# --- scband reference (transcript-rebuilt; emitter-appended) ---
"""Pipeline reference for scband-message-passing-quant-9088150798427 (READ-ONLY COPY).

The authoritative reference and input builder live on the scoring server;
editing this copy changes nothing except your own understanding.
"""

import jax, jax.numpy as jnp
import numpy as np

N_NODES = 10000
N_EDGES = 320000
D_FEAT = 128


def _fake_quant_int8(x, signed=True, eps=1e-8):
    # IntegerQuantizer('INT8', ste=True, sign_input=True): dynamic min/max affine
    # fake quantization with straight-through estimator.
    bits = 8
    if signed:
        qmin = -(2 ** (bits - 1))
        qmax = 2 ** (bits - 1) - 1
    else:
        qmin = 0
        qmax = 2 ** bits - 1
    mn = jnp.minimum(jnp.min(x), 0.0)
    mx = jnp.maximum(jnp.max(x), 0.0)
    scale = (mx - mn) / float(qmax - qmin)
    scale = jnp.maximum(scale, eps)
    zero_point = qmin - jnp.round(mn / scale)
    q = jnp.clip(jnp.round(x / scale) + zero_point, qmin, qmax)
    dq = (q - zero_point) * scale
    # straight-through estimator: identity gradient
    return x + jax.lax.stop_gradient(dq - x)


def setup_inputs(seed: int = 0) -> dict:
    key = jax.random.key(seed)
    k1, k2 = jax.random.split(key)
    x = jax.random.normal(k1, (N_NODES, D_FEAT), dtype=jnp.float32)
    edge_index = jax.random.randint(k2, (2, N_EDGES), 0, N_NODES, dtype=jnp.int64)
    return {"x": x, "edge_index": edge_index}


def reference(x, edge_index):
    # flow='source_to_target': i=1 (dst), j=0 (src)
    src = edge_index[0]
    dst = edge_index[1]
    # message(x_j) = x_j, then message_quantizer
    msg = jnp.take(x, src, axis=0)
    msg = _fake_quant_int8(msg)
    # aggregate: scatter-add into dst nodes, then aggr_quantizer
    agg = jnp.zeros((x.shape[0], x.shape[1]), dtype=x.dtype).at[dst].add(msg)
    agg = _fake_quant_int8(agg)
    # update(inputs) = inputs, then update_quantizer
    out = _fake_quant_int8(agg)
    return out

if __name__ == "__main__":
    import jax
    _d = setup_inputs()
    print(jax.jit(kernel)(*tuple(_d.values())))

</pallas_src>

<mosaic_0001>
#map = affine_map<(d0, d1) -> (0, 0)>
module attributes {stable_mosaic.version = 14 : i64} {
  func.func @_scatter_body(%arg0: i32, %arg1: i32, %arg2: memref<10000x128xf32, #tpu.memory_space<hbm>>, %arg3: memref<2x320000xi32, #tpu.memory_space<hbm>>, %arg4: memref<632x128xf32, #tpu.memory_space<hbm>>, %arg5: memref<10112x128xf32, #tpu.memory_space<hbm>>, %arg6: memref<10112x128xf32, #tpu.memory_space<hbm>>, %arg7: memref<10112x128xf32, #tpu.memory_space<vmem_shared>>, %arg8: memref<128xi32, #tpu.memory_space<vmem>>, %arg9: memref<128xi32, #tpu.memory_space<vmem>>, %arg10: memref<128xi32, #tpu.memory_space<vmem>>, %arg11: memref<128xi32, #tpu.memory_space<vmem>>, %arg12: memref<128xi32, #tpu.memory_space<vmem>>, %arg13: memref<128xi32, #tpu.memory_space<vmem>>, %arg14: memref<128xi32, #tpu.memory_space<vmem>>, %arg15: memref<128x128xf32, #tpu.memory_space<vmem>>, %arg16: memref<128x128xf32, #tpu.memory_space<vmem>>, %arg17: memref<128x128xf32, #tpu.memory_space<vmem>>, %arg18: memref<!tpu.dma_semaphore, #tpu.memory_space<semaphore_mem>>, %arg19: memref<!tpu.dma_semaphore, #tpu.memory_space<semaphore_mem>>, %arg20: memref<!tpu.dma_semaphore, #tpu.memory_space<semaphore_mem>>, %arg21: memref<!tpu.dma_semaphore, #tpu.memory_space<semaphore_mem>>, %arg22: memref<!tpu.dma_semaphore, #tpu.memory_space<semaphore_mem>>, %arg23: memref<!tpu.dma_semaphore, #tpu.memory_space<semaphore_mem>>, %arg24: memref<!tpu.dma_semaphore, #tpu.memory_space<semaphore_mem>>, %arg25: memref<!tpu.dma_semaphore, #tpu.memory_space<semaphore_mem>>, %arg26: memref<!tpu.dma_semaphore, #tpu.memory_space<semaphore_mem>>, %arg27: memref<!tpu.dma_semaphore, #tpu.memory_space<semaphore_mem>>, %arg28: memref<!tpu.dma_semaphore, #tpu.memory_space<semaphore_mem>>, %arg29: memref<!tpu.dma_semaphore, #tpu.memory_space<semaphore_mem>>, %arg30: memref<!tpu.dma_semaphore, #tpu.memory_space<semaphore_mem>>, %arg31: memref<!tpu.dma_semaphore, #tpu.memory_space<semaphore_mem>>) attributes {dimension_semantics = [#tpu.dimension_semantics<core_parallel>, #tpu.dimension_semantics<subcore_parallel>], iteration_bounds = array<i64: 2, 16>, scalar_prefetch = 0 : i64, scratch_operands = 25 : i64, tpu.core_type = #tpu.core_type<sc_vector_subcore>, window_params = [{transform_indices = #map}, {transform_indices = #map}, {transform_indices = #map}, {transform_indices = #map}, {transform_indices = #map}]} {
    %mul3A = arith.constant 2 : i32
    %mul3A_0 = arith.muli %arg1, %mul3A : i32
    %add3A = arith.addi %mul3A_0, %arg0 : i32
    %mul3A_1 = arith.constant 9984 : i32
    %mul3A_2 = arith.muli %add3A, %mul3A_1 : i32
    %mul3A_3 = arith.constant 632 : i32
    %mul3A_4 = arith.muli %arg1, %mul3A_3 : i32
    %dma_start3A = arith.constant 0 : i32
    %dma_start3A_5 = tpu.memref_slice %arg7[%mul3A_4, %dma_start3A] : memref<10112x128xf32, #tpu.memory_space<vmem_shared>> -> memref<632x128xf32, #tpu.memory_space<vmem_shared>>
    tpu.enqueue_dma source(%arg4 : memref<632x128xf32, #tpu.memory_space<hbm>>) target(%dma_start3A_5 : memref<632x128xf32, #tpu.memory_space<vmem_shared>>) target_semaphore(%arg31 : memref<!tpu.dma_semaphore, #tpu.memory_space<semaphore_mem>>)
    %add3A_6 = arith.constant 0 : i32
    %add3A_7 = arith.addi %mul3A_2, %add3A_6 : i32
    %dma_start3A_8 = arith.constant 0 : i32
    %dma_start3A_9 = tpu.memref_slice %arg3[%dma_start3A_8, %add3A_7] : memref<2x320000xi32, #tpu.memory_space<hbm>> -> memref<1x128xi32, #tpu.memory_space<hbm>>
    %dma_start3A_10 = tpu.memref_squeeze %dma_start3A_9 : memref<1x128xi32, #tpu.memory_space<hbm>> -> memref<128xi32, #tpu.memory_space<hbm>>
    %dma_start3A_11 = tpu.memref_slice %arg3[%dma_start3A_8, %add3A_7] : memref<2x320000xi32, #tpu.memory_space<hbm>> -> memref<1x128xi32, #tpu.memory_space<hbm>>
    %dma_start3A_12 = tpu.memref_squeeze %dma_start3A_11 : memref<1x128xi32, #tpu.memory_space<hbm>> -> memref<128xi32, #tpu.memory_space<hbm>>
    tpu.enqueue_dma source(%dma_start3A_12 : memref<128xi32, #tpu.memory_space<hbm>>) target(%arg8 : memref<128xi32, #tpu.memory_space<vmem>>) target_semaphore(%arg24 : memref<!tpu.dma_semaphore, #tpu.memory_space<semaphore_mem>>)
    %dma_start3A_13 = arith.constant 1 : i32
    %dma_start3A_14 = tpu.memref_slice %arg3[%dma_start3A_13, %add3A_7] : memref<2x320000xi32, #tpu.memory_space<hbm>> -> memref<1x128xi32, #tpu.memory_space<hbm>>
    %dma_start3A_15 = tpu.memref_squeeze %dma_start3A_14 : memref<1x128xi32, #tpu.memory_space<hbm>> -> memref<128xi32, #tpu.memory_space<hbm>>
    %dma_start3A_16 = tpu.memref_slice %arg3[%dma_start3A_13, %add3A_7] : memref<2x320000xi32, #tpu.memory_space<hbm>> -> memref<1x128xi32, #tpu.memory_space<hbm>>
    %dma_start3A_17 = tpu.memref_squeeze %dma_start3A_16 : memref<1x128xi32, #tpu.memory_space<hbm>> -> memref<128xi32, #tpu.memory_space<hbm>>
    tpu.enqueue_dma source(%dma_start3A_17 : memref<128xi32, #tpu.memory_space<hbm>>) target(%arg11 : memref<128xi32, #tpu.memory_space<vmem>>) target_semaphore(%arg27 : memref<!tpu.dma_semaphore, #tpu.memory_space<semaphore_mem>>)
    %add3A_18 = arith.constant 128 : i32
    %add3A_19 = arith.addi %mul3A_2, %add3A_18 : i32
    %dma_start3A_20 = arith.constant 0 : i32
    %dma_start3A_21 = tpu.memref_slice %arg3[%dma_start3A_20, %add3A_19] : memref<2x320000xi32, #tpu.memory_space<hbm>> -> memref<1x128xi32, #tpu.memory_space<hbm>>
    %dma_start3A_22 = tpu.memref_squeeze %dma_start3A_21 : memref<1x128xi32, #tpu.memory_space<hbm>> -> memref<128xi32, #tpu.memory_space<hbm>>
    %dma_start3A_23 = tpu.memref_slice %arg3[%dma_start3A_20, %add3A_19] : memref<2x320000xi32, #tpu.memory_space<hbm>> -> memref<1x128xi32, #tpu.memory_space<hbm>>
    %dma_start3A_24 = tpu.memref_squeeze %dma_start3A_23 : memref<1x128xi32, #tpu.memory_space<hbm>> -> memref<128xi32, #tpu.memory_space<hbm>>
    tpu.enqueue_dma source(%dma_start3A_24 : memref<128xi32, #tpu.memory_space<hbm>>) target(%arg9 : memref<128xi32, #tpu.memory_space<vmem>>) target_semaphore(%arg25 : memref<!tpu.dma_semaphore, #tpu.memory_space<semaphore_mem>>)
    %dma_start3A_25 = arith.constant 1 : i32
    %dma_start3A_26 = tpu.memref_slice %arg3[%dma_start3A_25, %add3A_19] : memref<2x320000xi32, #tpu.memory_space<hbm>> -> memref<1x128xi32, #tpu.memory_space<hbm>>
    %dma_start3A_27 = tpu.memref_squeeze %dma_start3A_26 : memref<1x128xi32, #tpu.memory_space<hbm>> -> memref<128xi32, #tpu.memory_space<hbm>>
    %dma_start3A_28 = tpu.memref_slice %arg3[%dma_start3A_25, %add3A_19] : memref<2x320000xi32, #tpu.memory_space<hbm>> -> memref<1x128xi32, #tpu.memory_space<hbm>>
    %dma_start3A_29 = tpu.memref_squeeze %dma_start3A_28 : memref<1x128xi32, #tpu.memory_space<hbm>> -> memref<128xi32, #tpu.memory_space<hbm>>
    tpu.enqueue_dma source(%dma_start3A_29 : memref<128xi32, #tpu.memory_space<hbm>>) target(%arg12 : memref<128xi32, #tpu.memory_space<vmem>>) target_semaphore(%arg28 : memref<!tpu.dma_semaphore, #tpu.memory_space<semaphore_mem>>)
    %dma_wait3A = arith.constant 0 : i32
    %dma_wait3A_30 = arith.constant 0 : i32
    %dma_wait3A_31 = tpu.memref_slice %arg3[%dma_wait3A, %dma_wait3A_30] : memref<2x320000xi32, #tpu.memory_space<hbm>> -> memref<1x128xi32, #tpu.memory_space<hbm>>
    %dma_wait3A_32 = tpu.memref_squeeze %dma_wait3A_31 : memref<1x128xi32, #tpu.memory_space<hbm>> -> memref<128xi32, #tpu.memory_space<hbm>>
    %dma_wait3A_33 = arith.constant 0 : i32
    %dma_wait3A_34 = tpu.memref_slice %arg3[%dma_wait3A, %dma_wait3A_33] : memref<2x320000xi32, #tpu.memory_space<hbm>> -> memref<1x128xi32, #tpu.memory_space<hbm>>
    %dma_wait3A_35 = tpu.memref_squeeze %dma_wait3A_34 : memref<1x128xi32, #tpu.memory_space<hbm>> -> memref<128xi32, #tpu.memory_space<hbm>>
    tpu.wait_dma2 semaphore(%arg24 : memref<!tpu.dma_semaphore, #tpu.memory_space<semaphore_mem>>) src(%dma_wait3A_35 : memref<128xi32, #tpu.memory_space<hbm>>) dst(%arg8 : memref<128xi32, #tpu.memory_space<vmem>>)
    %dma_wait3A_36 = arith.constant 0 : i32
    %dma_wait3A_37 = arith.constant 0 : i32
    %dma_wait3A_38 = tpu.memref_slice %arg3[%dma_wait3A_36, %dma_wait3A_37] : memref<2x320000xi32, #tpu.memory_space<hbm>> -> memref<1x128xi32, #tpu.memory_space<hbm>>
    %dma_wait3A_39 = tpu.memref_squeeze %dma_wait3A_38 : memref<1x128xi32, #tpu.memory_space<hbm>> -> memref<128xi32, #tpu.memory_space<hbm>>
    %dma_wait3A_40 = arith.constant 0 : i32
    %dma_wait3A_41 = tpu.memref_slice %arg3[%dma_wait3A_36, %dma_wait3A_40] : memref<2x320000xi32, #tpu.memory_space<hbm>> -> memref<1x128xi32, #tpu.memory_space<hbm>>
    %dma_wait3A_42 = tpu.memref_squeeze %dma_wait3A_41 : memref<1x128xi32, #tpu.memory_space<hbm>> -> memref<128xi32, #tpu.memory_space<hbm>>
    tpu.wait_dma2 semaphore(%arg27 : memref<!tpu.dma_semaphore, #tpu.memory_space<semaphore_mem>>) src(%dma_wait3A_42 : memref<128xi32, #tpu.memory_space<hbm>>) dst(%arg11 : memref<128xi32, #tpu.memory_space<vmem>>)
    %dma_start3A_43 = arith.constant 0 : i32
    %dma_start3A_44 = arith.constant 0 : i32
    %dma_start3A_45 = tpu.memref_slice %arg15[%dma_start3A_43, %dma_start3A_44] : memref<128x128xf32, #tpu.memory_space<vmem>> -> memref<64x128xf32, #tpu.memory_space<vmem>>
    %dma_start3A_46 = arith.constant 0 : i32
    %dma_start3A_47 = tpu.memref_slice %arg8[%dma_start3A_46] : memref<128xi32, #tpu.memory_space<vmem>> -> memref<64xi32, #tpu.memory_space<vmem>>
    %dma_start3A_48 = arith.constant 0 : i32
    %dma_start3A_49 = arith.constant 0 : i32
    %dma_start3A_50 = tpu.memref_slice %arg2[%dma_start3A_48, %dma_start3A_49] : memref<10000x128xf32, #tpu.memory_space<hbm>> -> memref<10000x128xf32, #tpu.memory_space<hbm>>
    tpu.enqueue_indirect_dma source(%dma_start3A_50 : memref<10000x128xf32, #tpu.memory_space<hbm>>) target(%dma_start3A_45 : memref<64x128xf32, #tpu.memory_space<vmem>>) offsets(%dma_start3A_47 : memref<64xi32, #tpu.memory_space<vmem>>) semaphore(%arg18 : memref<!tpu.dma_semaphore, #tpu.memory_space<semaphore_mem>>)
    %dma_start3A_51 = arith.constant 64 : i32
    %dma_start3A_52 = arith.constant 0 : i32
    %dma_start3A_53 = tpu.memref_slice %arg15[%dma_start3A_51, %dma_start3A_52] : memref<128x128xf32, #tpu.memory_space<vmem>> -> memref<64x128xf32, #tpu.memory_space<vmem>>
    %dma_start3A_54 = arith.constant 64 : i32
    %dma_start3A_55 = tpu.memref_slice %arg8[%dma_start3A_54] : memref<128xi32, #tpu.memory_space<vmem>> -> memref<64xi32, #tpu.memory_space<vmem>>
    %dma_start3A_56 = arith.constant 0 : i32
    %dma_start3A_57 = arith.constant 0 : i32
    %dma_start3A_58 = tpu.memref_slice %arg2[%dma_start3A_56, %dma_start3A_57] : memref<10000x128xf32, #tpu.memory_space<hbm>> -> memref<10000x128xf32, #tpu.memory_space<hbm>>
    tpu.enqueue_indirect_dma source(%dma_start3A_58 : memref<10000x128xf32, #tpu.memory_space<hbm>>) target(%dma_start3A_53 : memref<64x128xf32, #tpu.memory_space<vmem>>) offsets(%dma_start3A_55 : memref<64xi32, #tpu.memory_space<vmem>>) semaphore(%arg18 : memref<!tpu.dma_semaphore, #tpu.memory_space<semaphore_mem>>)
    %mul3A_59 = arith.constant 632 : i32
    %mul3A_60 = arith.muli %arg1, %mul3A_59 : i32
    %dma_wait3A_61 = arith.constant 0 : i32
    %dma_wait3A_62 = tpu.memref_slice %arg7[%mul3A_60, %dma_wait3A_61] : memref<10112x128xf32, #tpu.memory_space<vmem_shared>> -> memref<632x128xf32, #tpu.memory_space<vmem_shared>>
    tpu.wait_dma2 semaphore(%arg31 : memref<!tpu.dma_semaphore, #tpu.memory_space<semaphore_mem>>) src(%arg4 : memref<632x128xf32, #tpu.memory_space<hbm>>) dst(%dma_wait3A_62 : memref<632x128xf32, #tpu.memory_space<vmem_shared>>)
    %barrier3A = arith.constant 0 : index
    tpu.barrier barrier_id(%barrier3A)
    %add3A_63 = arith.constant 256 : i32
    %add3A_64 = arith.addi %mul3A_2, %add3A_63 : i32
    %dma_start3A_65 = arith.constant 0 : i32
    %dma_start3A_66 = tpu.memref_slice %arg3[%dma_start3A_65, %add3A_64] : memref<2x320000xi32, #tpu.memory_space<hbm>> -> memref<1x128xi32, #tpu.memory_space<hbm>>
    %dma_start3A_67 = tpu.memref_squeeze %dma_start3A_66 : memref<1x128xi32, #tpu.memory_space<hbm>> -> memref<128xi32, #tpu.memory_space<hbm>>
    %dma_start3A_68 = tpu.memref_slice %arg3[%dma_start3A_65, %add3A_64] : memref<2x320000xi32, #tpu.memory_space<hbm>> -> memref<1x128xi32, #tpu.memory_space<hbm>>
    %dma_start3A_69 = tpu.memref_squeeze %dma_start3A_68 : memref<1x128xi32, #tpu.memory_space<hbm>> -> memref<128xi32, #tpu.memory_space<hbm>>
    tpu.enqueue_dma source(%dma_start3A_69 : memref<128xi32, #tpu.memory_space<hbm>>) target(%arg10 : memref<128xi32, #tpu.memory_space<vmem>>) target_semaphore(%arg26 : memref<!tpu.dma_semaphore, #tpu.memory_space<semaphore_mem>>)
    %dma_start3A_70 = arith.constant 1 : i32
    %dma_start3A_71 = tpu.memref_slice %arg3[%dma_start3A_70, %add3A_64] : memref<2x320000xi32, #tpu.memory_space<hbm>> -> memref<1x128xi32, #tpu.memory_space<hbm>>
    %dma_start3A_72 = tpu.memref_squeeze %dma_start3A_71 : memref<1x128xi32, #tpu.memory_space<hbm>> -> memref<128xi32, #tpu.memory_space<hbm>>
    %dma_start3A_73 = tpu.memref_slice %arg3[%dma_start3A_70, %add3A_64] : memref<2x320000xi32, #tpu.memory_space<hbm>> -> memref<1x128xi32, #tpu.memory_space<hbm>>
    %dma_start3A_74 = tpu.memref_squeeze %dma_start3A_73 : memref<1x128xi32, #tpu.memory_space<hbm>> -> memref<128xi32, #tpu.memory_space<hbm>>
    tpu.enqueue_dma source(%dma_start3A_74 : memref<128xi32, #tpu.memory_space<hbm>>) target(%arg13 : memref<128xi32, #tpu.memory_space<vmem>>) target_semaphore(%arg29 : memref<!tpu.dma_semaphore, #tpu.memory_space<semaphore_mem>>)
    %dma_wait3A_75 = arith.constant 0 : i32
    %dma_wait3A_76 = arith.constant 0 : i32
    %dma_wait3A_77 = tpu.memref_slice %arg3[%dma_wait3A_75, %dma_wait3A_76] : memref<2x320000xi32, #tpu.memory_space<hbm>> -> memref<1x128xi32, #tpu.memory_space<hbm>>
    %dma_wait3A_78 = tpu.memref_squeeze %dma_wait3A_77 : memref<1x128xi32, #tpu.memory_space<hbm>> -> memref<128xi32, #tpu.memory_space<hbm>>
    %dma_wait3A_79 = arith.constant 0 : i32
    %dma_wait3A_80 = tpu.memref_slice %arg3[%dma_wait3A_75, %dma_wait3A_79] : memref<2x320000xi32, #tpu.memory_space<hbm>> -> memref<1x128xi32, #tpu.memory_space<hbm>>
    %dma_wait3A_81 = tpu.memref_squeeze %dma_wait3A_80 : memref<1x128xi32, #tpu.memory_space<hbm>> -> memref<128xi32, #tpu.memory_space<hbm>>
    tpu.wait_dma2 semaphore(%arg25 : memref<!tpu.dma_semaphore, #tpu.memory_space<semaphore_mem>>) src(%dma_wait3A_81 : memref<128xi32, #tpu.memory_space<hbm>>) dst(%arg9 : memref<128xi32, #tpu.memory_space<vmem>>)
    %dma_wait3A_82 = arith.constant 0 : i32
    %dma_wait3A_83 = arith.constant 0 : i32
    %dma_wait3A_84 = tpu.memref_slice %arg3[%dma_wait3A_82, %dma_wait3A_83] : memref<2x320000xi32, #tpu.memory_space<hbm>> -> memref<1x128xi32, #tpu.memory_space<hbm>>
    %dma_wait3A_85 = tpu.memref_squeeze %dma_wait3A_84 : memref<1x128xi32, #tpu.memory_space<hbm>> -> memref<128xi32, #tpu.memory_space<hbm>>
    %dma_wait3A_86 = arith.constant 0 : i32
    %dma_wait3A_87 = tpu.memref_slice %arg3[%dma_wait3A_82, %dma_wait3A_86] : memref<2x320000xi32, #tpu.memory_space<hbm>> -> memref<1x128xi32, #tpu.memory_space<hbm>>
    %dma_wait3A_88 = tpu.memref_squeeze %dma_wait3A_87 : memref<1x128xi32, #tpu.memory_space<hbm>> -> memref<128xi32, #tpu.memory_space<hbm>>
    tpu.wait_dma2 semaphore(%arg28 : memref<!tpu.dma_semaphore, #tpu.memory_space<semaphore_mem>>) src(%dma_wait3A_88 : memref<128xi32, #tpu.memory_space<hbm>>) dst(%arg12 : memref<128xi32, #tpu.memory_space<vmem>>)
    %dma_start3A_89 = arith.constant 0 : i32
    %dma_start3A_90 = arith.constant 0 : i32
    %dma_start3A_91 = tpu.memref_slice %arg16[%dma_start3A_89, %dma_start3A_90] : memref<128x128xf32, #tpu.memory_space<vmem>> -> memref<64x128xf32, #tpu.memory_space<vmem>>
    %dma_start3A_92 = arith.constant 0 : i32
    %dma_start3A_93 = tpu.memref_slice %arg9[%dma_start3A_92] : memref<128xi32, #tpu.memory_space<vmem>> -> memref<64xi32, #tpu.memory_space<vmem>>
    %dma_start3A_94 = arith.constant 0 : i32
    %dma_start3A_95 = arith.constant 0 : i32
    %dma_start3A_96 = tpu.memref_slice %arg2[%dma_start3A_94, %dma_start3A_95] : memref<10000x128xf32, #tpu.memory_space<hbm>> -> memref<10000x128xf32, #tpu.memory_space<hbm>>
    tpu.enqueue_indirect_dma source(%dma_start3A_96 : memref<10000x128xf32, #tpu.memory_space<hbm>>) target(%dma_start3A_91 : memref<64x128xf32, #tpu.memory_space<vmem>>) offsets(%dma_start3A_93 : memref<64xi32, #tpu.memory_space<vmem>>) semaphore(%arg19 : memref<!tpu.dma_semaphore, #tpu.memory_space<semaphore_mem>>)
    %dma_start3A_97 = arith.constant 64 : i32
    %dma_start3A_98 = arith.constant 0 : i32
    %dma_start3A_99 = tpu.memref_slice %arg16[%dma_start3A_97, %dma_start3A_98] : memref<128x128xf32, #tpu.memory_space<vmem>> -> memref<64x128xf32, #tpu.memory_space<vmem>>
    %dma_start3A_100 = arith.constant 64 : i32
    %dma_start3A_101 = tpu.memref_slice %arg9[%dma_start3A_100] : memref<128xi32, #tpu.memory_space<vmem>> -> memref<64xi32, #tpu.memory_space<vmem>>
    %dma_start3A_102 = arith.constant 0 : i32
    %dma_start3A_103 = arith.constant 0 : i32
    %dma_start3A_104 = tpu.memref_slice %arg2[%dma_start3A_102, %dma_start3A_103] : memref<10000x128xf32, #tpu.memory_space<hbm>> -> memref<10000x128xf32, #tpu.memory_space<hbm>>
    tpu.enqueue_indirect_dma source(%dma_start3A_104 : memref<10000x128xf32, #tpu.memory_space<hbm>>) target(%dma_start3A_99 : memref<64x128xf32, #tpu.memory_space<vmem>>) offsets(%dma_start3A_101 : memref<64xi32, #tpu.memory_space<vmem>>) semaphore(%arg19 : memref<!tpu.dma_semaphore, #tpu.memory_space<semaphore_mem>>)
    %dma_wait3A_105 = arith.constant 0 : i32
    %dma_wait3A_106 = arith.constant 0 : i32
    %dma_wait3A_107 = tpu.memref_slice %arg2[%dma_wait3A_105, %dma_wait3A_106] : memref<10000x128xf32, #tpu.memory_space<hbm>> -> memref<128x128xf32, #tpu.memory_space<hbm>>
    %dma_wait3A_108 = arith.constant 0 : i32
    %dma_wait3A_109 = arith.constant 0 : i32
    %dma_wait3A_110 = tpu.memref_slice %arg2[%dma_wait3A_108, %dma_wait3A_109] : memref<10000x128xf32, #tpu.memory_space<hbm>> -> memref<128x128xf32, #tpu.memory_space<hbm>>
    tpu.wait_dma2 semaphore(%arg18 : memref<!tpu.dma_semaphore, #tpu.memory_space<semaphore_mem>>) src(%dma_wait3A_110 : memref<128x128xf32, #tpu.memory_space<hbm>>) dst(%arg15 : memref<128x128xf32, #tpu.memory_space<vmem>>)
    %dma_start3A_111 = arith.constant 0 : i32
    %dma_start3A_112 = arith.constant 0 : i32
    %dma_start3A_113 = tpu.memref_slice %arg7[%dma_start3A_111, %dma_start3A_112] : memref<10112x128xf32, #tpu.memory_space<vmem_shared>> -> memref<10112x128xf32, #tpu.memory_space<vmem_shared>>
    tpu.enqueue_indirect_dma source(%arg15 : memref<128x128xf32, #tpu.memory_space<vmem>>) target(%dma_start3A_113 : memref<10112x128xf32, #tpu.memory_space<vmem_shared>>) offsets(%arg11 : memref<128xi32, #tpu.memory_space<vmem>>) semaphore(%arg21 : memref<!tpu.dma_semaphore, #tpu.memory_space<semaphore_mem>>) {add = true}
    %add3A_114 = arith.constant 384 : i32
    %add3A_115 = arith.addi %mul3A_2, %add3A_114 : i32
    %dma_start3A_116 = arith.constant 0 : i32
    %dma_start3A_117 = tpu.memref_slice %arg3[%dma_start3A_116, %add3A_115] : memref<2x320000xi32, #tpu.memory_space<hbm>> -> memref<1x128xi32, #tpu.memory_space<hbm>>
    %dma_start3A_118 = tpu.memref_squeeze %dma_start3A_117 : memref<1x128xi32, #tpu.memory_space<hbm>> -> memref<128xi32, #tpu.memory_space<hbm>>
    %dma_start3A_119 = tpu.memref_slice %arg3[%dma_start3A_116, %add3A_115] : memref<2x320000xi32, #tpu.memory_space<hbm>> -> memref<1x128xi32, #tpu.memory_space<hbm>>
    %dma_start3A_120 = tpu.memref_squeeze %dma_start3A_119 : memref<1x128xi32, #tpu.memory_space<hbm>> -> memref<128xi32, #tpu.memory_space<hbm>>
    tpu.enqueue_dma source(%dma_start3A_120 : memref<128xi32, #tpu.memory_space<hbm>>) target(%arg8 : memref<128xi32, #tpu.memory_space<vmem>>) target_semaphore(%arg24 : memref<!tpu.dma_semaphore, #tpu.memory_space<semaphore_mem>>)
    %dma_start3A_121 = arith.constant 1 : i32
    %dma_start3A_122 = tpu.memref_slice %arg3[%dma_start3A_121, %add3A_115] : memref<2x320000xi32, #tpu.memory_space<hbm>> -> memref<1x128xi32, #tpu.memory_space<hbm>>
    %dma_start3A_123 = tpu.memref_squeeze %dma_start3A_122 : memref<1x128xi32, #tpu.memory_space<hbm>> -> memref<128xi32, #tpu.memory_space<hbm>>
    %dma_start3A_124 = tpu.memref_slice %arg3[%dma_start3A_121, %add3A_115] : memref<2x320000xi32, #tpu.memory_space<hbm>> -> memref<1x128xi32, #tpu.memory_space<hbm>>
    %dma_start3A_125 = tpu.memref_squeeze %dma_start3A_124 : memref<1x128xi32, #tpu.memory_space<hbm>> -> memref<128xi32, #tpu.memory_space<hbm>>
    tpu.enqueue_dma source(%dma_start3A_125 : memref<128xi32, #tpu.memory_space<hbm>>) target(%arg14 : memref<128xi32, #tpu.memory_space<vmem>>) target_semaphore(%arg30 : memref<!tpu.dma_semaphore, #tpu.memory_space<semaphore_mem>>)
    %dma_wait3A_126 = arith.constant 0 : i32
    %dma_wait3A_127 = arith.constant 0 : i32
    %dma_wait3A_128 = tpu.memref_slice %arg3[%dma_wait3A_126, %dma_wait3A_127] : memref<2x320000xi32, #tpu.memory_space<hbm>> -> memref<1x128xi32, #tpu.memory_space<hbm>>
    %dma_wait3A_129 = tpu.memref_squeeze %dma_wait3A_128 : memref<1x128xi32, #tpu.memory_space<hbm>> -> memref<128xi32, #tpu.memory_space<hbm>>
    %dma_wait3A_130 = arith.constant 0 : i32
    %dma_wait3A_131 = tpu.memref_slice %arg3[%dma_wait3A_126, %dma_wait3A_130] : memref<2x320000xi32, #tpu.memory_space<hbm>> -> memref<1x128xi32, #tpu.memory_space<hbm>>
    %dma_wait3A_132 = tpu.memref_squeeze %dma_wait3A_131 : memref<1x128xi32, #tpu.memory_space<hbm>> -> memref<128xi32, #tpu.memory_space<hbm>>
    tpu.wait_dma2 semaphore(%arg26 : memref<!tpu.dma_semaphore, #tpu.memory_space<semaphore_mem>>) src(%dma_wait3A_132 : memref<128xi32, #tpu.memory_space<hbm>>) dst(%arg10 : memref<128xi32, #tpu.memory_space<vmem>>)
    %dma_wait3A_133 = arith.constant 0 : i32
    %dma_wait3A_134 = arith.constant 0 : i32
    %dma_wait3A_135 = tpu.memref_slice %arg3[%dma_wait3A_133, %dma_wait3A_134] : memref<2x320000xi32, #tpu.memory_space<hbm>> -> memref<1x128xi32, #tpu.memory_space<hbm>>
    %dma_wait3A_136 = tpu.memref_squeeze %dma_wait3A_135 : memref<1x128xi32, #tpu.memory_space<hbm>> -> memref<128xi32, #tpu.memory_space<hbm>>
    %dma_wait3A_137 = arith.constant 0 : i32
    %dma_wait3A_138 = tpu.memref_slice %arg3[%dma_wait3A_133, %dma_wait3A_137] : memref<2x320000xi32, #tpu.memory_space<hbm>> -> memref<1x128xi32, #tpu.memory_space<hbm>>
    %dma_wait3A_139 = tpu.memref_squeeze %dma_wait3A_138 : memref<1x128xi32, #tpu.memory_space<hbm>> -> memref<128xi32, #tpu.memory_space<hbm>>
    tpu.wait_dma2 semaphore(%arg29 : memref<!tpu.dma_semaphore, #tpu.memory_space<semaphore_mem>>) src(%dma_wait3A_139 : memref<128xi32, #tpu.memory_space<hbm>>) dst(%arg13 : memref<128xi32, #tpu.memory_space<vmem>>)
    %dma_start3A_140 = arith.constant 0 : i32
    %dma_start3A_141 = arith.constant 0 : i32
    %dma_start3A_142 = tpu.memref_slice %arg17[%dma_start3A_140, %dma_start3A_141] : memref<128x128xf32, #tpu.memory_space<vmem>> -> memref<64x128xf32, #tpu.memory_space<vmem>>
    %dma_start3A_143 = arith.constant 0 : i32
    %dma_start3A_144 = tpu.memref_slice %arg10[%dma_start3A_143] : memref<128xi32, #tpu.memory_space<vmem>> -> memref<64xi32, #tpu.memory_space<vmem>>
    %dma_start3A_145 = arith.constant 0 : i32
    %dma_start3A_146 = arith.constant 0 : i32
    %dma_start3A_147 = tpu.memref_slice %arg2[%dma_start3A_145, %dma_start3A_146] : memref<10000x128xf32, #tpu.memory_space<hbm>> -> memref<10000x128xf32, #tpu.memory_space<hbm>>
    tpu.enqueue_indirect_dma source(%dma_start3A_147 : memref<10000x128xf32, #tpu.memory_space<hbm>>) target(%dma_start3A_142 : memref<64x128xf32, #tpu.memory_space<vmem>>) offsets(%dma_start3A_144 : memref<64xi32, #tpu.memory_space<vmem>>) semaphore(%arg20 : memref<!tpu.dma_semaphore, #tpu.memory_space<semaphore_mem>>)
    %dma_start3A_148 = arith.constant 64 : i32
    %dma_start3A_149 = arith.constant 0 : i32
    %dma_start3A_150 = tpu.memref_slice %arg17[%dma_start3A_148, %dma_start3A_149] : memref<128x128xf32, #tpu.memory_space<vmem>> -> memref<64x128xf32, #tpu.memory_space<vmem>>
    %dma_start3A_151 = arith.constant 64 : i32
    %dma_start3A_152 = tpu.memref_slice %arg10[%dma_start3A_151] : memref<128xi32, #tpu.memory_space<vmem>> -> memref<64xi32, #tpu.memory_space<vmem>>
    %dma_start3A_153 = arith.constant 0 : i32
    %dma_start3A_154 = arith.constant 0 : i32
    %dma_start3A_155 = tpu.memref_slice %arg2[%dma_start3A_153, %dma_start3A_154] : memref<10000x128xf32, #tpu.memory_space<hbm>> -> memref<10000x128xf32, #tpu.memory_space<hbm>>
    tpu.enqueue_indirect_dma source(%dma_start3A_155 : memref<10000x128xf32, #tpu.memory_space<hbm>>) target(%dma_start3A_150 : memref<64x128xf32, #tpu.memory_space<vmem>>) offsets(%dma_start3A_152 : memref<64xi32, #tpu.memory_space<vmem>>) semaphore(%arg20 : memref<!tpu.dma_semaphore, #tpu.memory_space<semaphore_mem>>)
    %dma_wait3A_156 = arith.constant 0 : i32
    %dma_wait3A_157 = arith.constant 0 : i32
    %dma_wait3A_158 = tpu.memref_slice %arg2[%dma_wait3A_156, %dma_wait3A_157] : memref<10000x128xf32, #tpu.memory_space<hbm>> -> memref<128x128xf32, #tpu.memory_space<hbm>>
    %dma_wait3A_159 = arith.constant 0 : i32
    %dma_wait3A_160 = arith.constant 0 : i32
    %dma_wait3A_161 = tpu.memref_slice %arg2[%dma_wait3A_159, %dma_wait3A_160] : memref<10000x128xf32, #tpu.memory_space<hbm>> -> memref<128x128xf32, #tpu.memory_space<hbm>>
    tpu.wait_dma2 semaphore(%arg19 : memref<!tpu.dma_semaphore, #tpu.memory_space<semaphore_mem>>) src(%dma_wait3A_161 : memref<128x128xf32, #tpu.memory_space<hbm>>) dst(%arg16 : memref<128x128xf32, #tpu.memory_space<vmem>>)
    %dma_start3A_162 = arith.constant 0 : i32
    %dma_start3A_163 = arith.constant 0 : i32
    %dma_start3A_164 = tpu.memref_slice %arg7[%dma_start3A_162, %dma_start3A_163] : memref<10112x128xf32, #tpu.memory_space<vmem_shared>> -> memref<10112x128xf32, #tpu.memory_space<vmem_shared>>
    tpu.enqueue_indirect_dma source(%arg16 : memref<128x128xf32, #tpu.memory_space<vmem>>) target(%dma_start3A_164 : memref<10112x128xf32, #tpu.memory_space<vmem_shared>>) offsets(%arg12 : memref<128xi32, #tpu.memory_space<vmem>>) semaphore(%arg22 : memref<!tpu.dma_semaphore, #tpu.memory_space<semaphore_mem>>) {add = true}
    %scan3A = arith.constant 0 : i32
    %scan3A_165 = arith.constant 0 : i32
    %scan3A_166 = arith.constant 6 : i32
    %scan3A_167 = arith.addi %scan3A_165, %scan3A_166 : i32
    %scan3A_168 = arith.constant 1 : i32
    scf.for %scan3A_368 = %scan3A_165 to %scan3A_167 step %scan3A_168  : i32 {
      %mul3A_369 = arith.constant 12 : i32
      %mul3A_370 = arith.muli %scan3A_368, %mul3A_369 : i32
      %add3A_371 = arith.constant 2 : i32
      %add3A_372 = arith.addi %add3A_371, %mul3A_370 : i32
      %add3A_373 = arith.constant 0 : i32
      %add3A_374 = arith.addi %add3A_372, %add3A_373 : i32
      %dma_wait3A_375 = arith.constant 0 : i32
      %dma_wait3A_376 = arith.constant 0 : i32
      %dma_wait3A_377 = tpu.memref_slice %arg2[%dma_wait3A_375, %dma_wait3A_376] : memref<10000x128xf32, #tpu.memory_space<hbm>> -> memref<128x128xf32, #tpu.memory_space<hbm>>
      %dma_wait3A_378 = arith.constant 0 : i32
      %dma_wait3A_379 = arith.constant 0 : i32
      %dma_wait3A_380 = tpu.memref_slice %arg2[%dma_wait3A_378, %dma_wait3A_379] : memref<10000x128xf32, #tpu.memory_space<hbm>> -> memref<128x128xf32, #tpu.memory_space<hbm>>
      tpu.wait_dma2 semaphore(%arg21 : memref<!tpu.dma_semaphore, #tpu.memory_space<semaphore_mem>>) src(%dma_wait3A_380 : memref<128x128xf32, #tpu.memory_space<hbm>>) dst(%arg15 : memref<128x128xf32, #tpu.memory_space<vmem>>)
      %add3A_381 = arith.constant 2 : i32
      %add3A_382 = arith.addi %add3A_374, %add3A_381 : i32
      %mul3A_383 = arith.constant 128 : i32
      %mul3A_384 = arith.muli %add3A_382, %mul3A_383 : i32
      %add3A_385 = arith.addi %mul3A_2, %mul3A_384 : i32
      %dma_start3A_386 = arith.constant 0 : i32
      %dma_start3A_387 = tpu.memref_slice %arg3[%dma_start3A_386, %add3A_385] : memref<2x320000xi32, #tpu.memory_space<hbm>> -> memref<1x128xi32, #tpu.memory_space<hbm>>
      %dma_start3A_388 = tpu.memref_squeeze %dma_start3A_387 : memref<1x128xi32, #tpu.memory_space<hbm>> -> memref<128xi32, #tpu.memory_space<hbm>>
      %dma_start3A_389 = tpu.memref_slice %arg3[%dma_start3A_386, %add3A_385] : memref<2x320000xi32, #tpu.memory_space<hbm>> -> memref<1x128xi32, #tpu.memory_space<hbm>>
      %dma_start3A_390 = tpu.memref_squeeze %dma_start3A_389 : memref<1x128xi32, #tpu.memory_space<hbm>> -> memref<128xi32, #tpu.memory_space<hbm>>
      tpu.enqueue_dma source(%dma_start3A_390 : memref<128xi32, #tpu.memory_space<hbm>>) target(%arg9 : memref<128xi32, #tpu.memory_space<vmem>>) target_semaphore(%arg25 : memref<!tpu.dma_semaphore, #tpu.memory_space<semaphore_mem>>)
      %dma_start3A_391 = arith.constant 1 : i32
      %dma_start3A_392 = tpu.memref_slice %arg3[%dma_start3A_391, %add3A_385] : memref<2x320000xi32, #tpu.memory_space<hbm>> -> memref<1x128xi32, #tpu.memory_space<hbm>>
      %dma_start3A_393 = tpu.memref_squeeze %dma_start3A_392 : memref<1x128xi32, #tpu.memory_space<hbm>> -> memref<128xi32, #tpu.memory_space<hbm>>
      %dma_start3A_394 = tpu.memref_slice %arg3[%dma_start3A_391, %add3A_385] : memref<2x320000xi32, #tpu.memory_space<hbm>> -> memref<1x128xi32, #tpu.memory_space<hbm>>
      %dma_start3A_395 = tpu.memref_squeeze %dma_start3A_394 : memref<1x128xi32, #tpu.memory_space<hbm>> -> memref<128xi32, #tpu.memory_space<hbm>>
      tpu.enqueue_dma source(%dma_start3A_395 : memref<128xi32, #tpu.memory_space<hbm>>) target(%arg11 : memref<128xi32, #tpu.memory_space<vmem>>) target_semaphore(%arg27 : memref<!tpu.dma_semaphore, #tpu.memory_space<semaphore_mem>>)
      %dma_wait3A_396 = arith.constant 0 : i32
      %dma_wait3A_397 = arith.constant 0 : i32
      %dma_wait3A_398 = tpu.memref_slice %arg3[%dma_wait3A_396, %dma_wait3A_397] : memref<2x320000xi32, #tpu.memory_space<hbm>> -> memref<1x128xi32, #tpu.memory_space<hbm>>
      %dma_wait3A_399 = tpu.memref_squeeze %dma_wait3A_398 : memref<1x128xi32, #tpu.memory_space<hbm>> -> memref<128xi32, #tpu.memory_space<hbm>>
      %dma_wait3A_400 = arith.constant 0 : i32
      %dma_wait3A_401 = tpu.memref_slice %arg3[%dma_wait3A_396, %dma_wait3A_400] : memref<2x320000xi32, #tpu.memory_space<hbm>> -> memref<1x128xi32, #tpu.memory_space<hbm>>
      %dma_wait3A_402 = tpu.memref_squeeze %dma_wait3A_401 : memref<1x128xi32, #tpu.memory_space<hbm>> -> memref<128xi32, #tpu.memory_space<hbm>>
      tpu.wait_dma2 semaphore(%arg24 : memref<!tpu.dma_semaphore, #tpu.memory_space<semaphore_mem>>) src(%dma_wait3A_402 : memref<128xi32, #tpu.memory_space<hbm>>) dst(%arg8 : memref<128xi32, #tpu.memory_space<vmem>>)
      %dma_wait3A_403 = arith.constant 0 : i32
      %dma_wait3A_404 = arith.constant 0 : i32
      %dma_wait3A_405 = tpu.memref_slice %arg3[%dma_wait3A_403, %dma_wait3A_404] : memref<2x320000xi32, #tpu.memory_space<hbm>> -> memref<1x128xi32, #tpu.memory_space<hbm>>
      %dma_wait3A_406 = tpu.memref_squeeze %dma_wait3A_405 : memref<1x128xi32, #tpu.memory_space<hbm>> -> memref<128xi32, #tpu.memory_space<hbm>>
      %dma_wait3A_407 = arith.constant 0 : i32
      %dma_wait3A_408 = tpu.memref_slice %arg3[%dma_wait3A_403, %dma_wait3A_407] : memref<2x320000xi32, #tpu.memory_space<hbm>> -> memref<1x128xi32, #tpu.memory_space<hbm>>
      %dma_wait3A_409 = tpu.memref_squeeze %dma_wait3A_408 : memref<1x128xi32, #tpu.memory_space<hbm>> -> memref<128xi32, #tpu.memory_space<hbm>>
      tpu.wait_dma2 semaphore(%arg30 : memref<!tpu.dma_semaphore, #tpu.memory_space<semaphore_mem>>) src(%dma_wait3A_409 : memref<128xi32, #tpu.memory_space<hbm>>) dst(%arg14 : memref<128xi32, #tpu.memory_space<vmem>>)
      %dma_start3A_410 = arith.constant 0 : i32
      %dma_start3A_411 = arith.constant 0 : i32
      %dma_start3A_412 = tpu.memref_slice %arg15[%dma_start3A_410, %dma_start3A_411] : memref<128x128xf32, #tpu.memory_space<vmem>> -> memref<64x128xf32, #tpu.memory_space<vmem>>
      %dma_start3A_413 = arith.constant 0 : i32
      %dma_start3A_414 = tpu.memref_slice %arg8[%dma_start3A_413] : memref<128xi32, #tpu.memory_space<vmem>> -> memref<64xi32, #tpu.memory_space<vmem>>
      %dma_start3A_415 = arith.constant 0 : i32
      %dma_start3A_416 = arith.constant 0 : i32
      %dma_start3A_417 = tpu.memref_slice %arg2[%dma_start3A_415, %dma_start3A_416] : memref<10000x128xf32, #tpu.memory_space<hbm>> -> memref<10000x128xf32, #tpu.memory_space<hbm>>
      tpu.enqueue_indirect_dma source(%dma_start3A_417 : memref<10000x128xf32, #tpu.memory_space<hbm>>) target(%dma_start3A_412 : memref<64x128xf32, #tpu.memory_space<vmem>>) offsets(%dma_start3A_414 : memref<64xi32, #tpu.memory_space<vmem>>) semaphore(%arg18 : memref<!tpu.dma_semaphore, #tpu.memory_space<semaphore_mem>>)
      %dma_start3A_418 = arith.constant 64 : i32
      %dma_start3A_419 = arith.constant 0 : i32
      %dma_start3A_420 = tpu.memref_slice %arg15[%dma_start3A_418, %dma_start3A_419] : memref<128x128xf32, #tpu.memory_space<vmem>> -> memref<64x128xf32, #tpu.memory_space<vmem>>
      %dma_start3A_421 = arith.constant 64 : i32
      %dma_start3A_422 = tpu.memref_slice %arg8[%dma_start3A_421] : memref<128xi32, #tpu.memory_space<vmem>> -> memref<64xi32, #tpu.memory_space<vmem>>
      %dma_start3A_423 = arith.constant 0 : i32
      %dma_start3A_424 = arith.constant 0 : i32
      %dma_start3A_425 = tpu.memref_slice %arg2[%dma_start3A_423, %dma_start3A_424] : memref<10000x128xf32, #tpu.memory_space<hbm>> -> memref<10000x128xf32, #tpu.memory_space<hbm>>
      tpu.enqueue_indirect_dma source(%dma_start3A_425 : memref<10000x128xf32, #tpu.memory_space<hbm>>) target(%dma_start3A_420 : memref<64x128xf32, #tpu.memory_space<vmem>>) offsets(%dma_start3A_422 : memref<64xi32, #tpu.memory_space<vmem>>) semaphore(%arg18 : memref<!tpu.dma_semaphore, #tpu.memory_space<semaphore_mem>>)
      %dma_wait3A_426 = arith.constant 0 : i32
      %dma_wait3A_427 = arith.constant 0 : i32
      %dma_wait3A_428 = tpu.memref_slice %arg2[%dma_wait3A_426, %dma_wait3A_427] : memref<10000x128xf32, #tpu.memory_space<hbm>> -> memref<128x128xf32, #tpu.memory_space<hbm>>
      %dma_wait3A_429 = arith.constant 0 : i32
      %dma_wait3A_430 = arith.constant 0 : i32
      %dma_wait3A_431 = tpu.memref_slice %arg2[%dma_wait3A_429, %dma_wait3A_430] : memref<10000x128xf32, #tpu.memory_space<hbm>> -> memref<128x128xf32, #tpu.memory_space<hbm>>
      tpu.wait_dma2 semaphore(%arg20 : memref<!tpu.dma_semaphore, #tpu.memory_space<semaphore_mem>>) src(%dma_wait3A_431 : memref<128x128xf32, #tpu.memory_space<hbm>>) dst(%arg17 : memref<128x128xf32, #tpu.memory_space<vmem>>)
      %dma_start3A_432 = arith.constant 0 : i32
      %dma_start3A_433 = arith.constant 0 : i32
      %dma_start3A_434 = tpu.memref_slice %arg7[%dma_start3A_432, %dma_start3A_433] : memref<10112x128xf32, #tpu.memory_space<vmem_shared>> -> memref<10112x128xf32, #tpu.memory_space<vmem_shared>>
      tpu.enqueue_indirect_dma source(%arg17 : memref<128x128xf32, #tpu.memory_space<vmem>>) target(%dma_start3A_434 : memref<10112x128xf32, #tpu.memory_space<vmem_shared>>) offsets(%arg13 : memref<128xi32, #tpu.memory_space<vmem>>) semaphore(%arg23 : memref<!tpu.dma_semaphore, #tpu.memory_space<semaphore_mem>>) {add = true}
      %add3A_435 = arith.constant 1 : i32
      %add3A_436 = arith.addi %add3A_372, %add3A_435 : i32
      %dma_wait3A_437 = arith.constant 0 : i32
      %dma_wait3A_438 = arith.constant 0 : i32
      %dma_wait3A_439 = tpu.memref_slice %arg2[%dma_wait3A_437, %dma_wait3A_438] : memref<10000x128xf32, #tpu.memory_space<hbm>> -> memref<128x128xf32, #tpu.memory_space<hbm>>
      %dma_wait3A_440 = arith.constant 0 : i32
      %dma_wait3A_441 = arith.constant 0 : i32
      %dma_wait3A_442 = tpu.memref_slice %arg2[%dma_wait3A_440, %dma_wait3A_441] : memref<10000x128xf32, #tpu.memory_space<hbm>> -> memref<128x128xf32, #tpu.memory_space<hbm>>
      tpu.wait_dma2 semaphore(%arg22 : memref<!tpu.dma_semaphore, #tpu.memory_space<semaphore_mem>>) src(%dma_wait3A_442 : memref<128x128xf32, #tpu.memory_space<hbm>>) dst(%arg16 : memref<128x128xf32, #tpu.memory_space<vmem>>)
      %add3A_443 = arith.constant 2 : i32
      %add3A_444 = arith.addi %add3A_436, %add3A_443 : i32
      %mul3A_445 = arith.constant 128 : i32
      %mul3A_446 = arith.muli %add3A_444, %mul3A_445 : i32
      %add3A_447 = arith.addi %mul3A_2, %mul3A_446 : i32
      %dma_start3A_448 = arith.constant 0 : i32
      %dma_start3A_449 = tpu.memref_slice %arg3[%dma_start3A_448, %add3A_447] : memref<2x320000xi32, #tpu.memory_space<hbm>> -> memref<1x128xi32, #tpu.memory_space<hbm>>
      %dma_start3A_450 = tpu.memref_squeeze %dma_start3A_449 : memref<1x128xi32, #tpu.memory_space<hbm>> -> memref<128xi32, #tpu.memory_space<hbm>>
      %dma_start3A_451 = tpu.memref_slice %arg3[%dma_start3A_448, %add3A_447] : memref<2x320000xi32, #tpu.memory_space<hbm>> -> memref<1x128xi32, #tpu.memory_space<hbm>>
      %dma_start3A_452 = tpu.memref_squeeze %dma_start3A_451 : memref<1x128xi32, #tpu.memory_space<hbm>> -> memref<128xi32, #tpu.memory_space<hbm>>
      tpu.enqueue_dma source(%dma_start3A_452 : memref<128xi32, #tpu.memory_space<hbm>>) target(%arg10 : memref<128xi32, #tpu.memory_space<vmem>>) target_semaphore(%arg26 : memref<!tpu.dma_semaphore, #tpu.memory_space<semaphore_mem>>)
      %dma_start3A_453 = arith.constant 1 : i32
      %dma_start3A_454 = tpu.memref_slice %arg3[%dma_start3A_453, %add3A_447] : memref<2x320000xi32, #tpu.memory_space<hbm>> -> memref<1x128xi32, #tpu.memory_space<hbm>>
      %dma_start3A_455 = tpu.memref_squeeze %dma_start3A_454 : memref<1x128xi32, #tpu.memory_space<hbm>> -> memref<128xi32, #tpu.memory_space<hbm>>
      %dma_start3A_456 = tpu.memref_slice %arg3[%dma_start3A_453, %add3A_447] : memref<2x320000xi32, #tpu.memory_space<hbm>> -> memref<1x128xi32, #tpu.memory_space<hbm>>
      %dma_start3A_457 = tpu.memref_squeeze %dma_start3A_456 : memref<1x128xi32, #tpu.memory_space<hbm>> -> memref<128xi32, #tpu.memory_space<hbm>>
      tpu.enqueue_dma source(%dma_start3A_457 : memref<128xi32, #tpu.memory_space<hbm>>) target(%arg12 : memref<128xi32, #tpu.memory_space<vmem>>) target_semaphore(%arg28 : memref<!tpu.dma_semaphore, #tpu.memory_space<semaphore_mem>>)
      %dma_wait3A_458 = arith.constant 0 : i32
      %dma_wait3A_459 = arith.constant 0 : i32
      %dma_wait3A_460 = tpu.memref_slice %arg3[%dma_wait3A_458, %dma_wait3A_459] : memref<2x320000xi32, #tpu.memory_space<hbm>> -> memref<1x128xi32, #tpu.memory_space<hbm>>
      %dma_wait3A_461 = tpu.memref_squeeze %dma_wait3A_460 : memref<1x128xi32, #tpu.memory_space<hbm>> -> memref<128xi32, #tpu.memory_space<hbm>>
      %dma_wait3A_462 = arith.constant 0 : i32
      %dma_wait3A_463 = tpu.memref_slice %arg3[%dma_wait3A_458, %dma_wait3A_462] : memref<2x320000xi32, #tpu.memory_space<hbm>> -> memref<1x128xi32, #tpu.memory_space<hbm>>
      %dma_wait3A_464 = tpu.memref_squeeze %dma_wait3A_463 : memref<1x128xi32, #tpu.memory_space<hbm>> -> memref<128xi32, #tpu.memory_space<hbm>>
      tpu.wait_dma2 semaphore(%arg25 : memref<!tpu.dma_semaphore, #tpu.memory_space<semaphore_mem>>) src(%dma_wait3A_464 : memref<128xi32, #tpu.memory_space<hbm>>) dst(%arg9 : memref<128xi32, #tpu.memory_space<vmem>>)
      %dma_wait3A_465 = arith.constant 0 : i32
      %dma_wait3A_466 = arith.constant 0 : i32
      %dma_wait3A_467 = tpu.memref_slice %arg3[%dma_wait3A_465, %dma_wait3A_466] : memref<2x320000xi32, #tpu.memory_space<hbm>> -> memref<1x128xi32, #tpu.memory_space<hbm>>
      %dma_wait3A_468 = tpu.memref_squeeze %dma_wait3A_467 : memref<1x128xi32, #tpu.memory_space<hbm>> -> memref<128xi32, #tpu.memory_space<hbm>>
      %dma_wait3A_469 = arith.constant 0 : i32
      %dma_wait3A_470 = tpu.memref_slice %arg3[%dma_wait3A_465, %dma_wait3A_469] : memref<2x320000xi32, #tpu.memory_space<hbm>> -> memref<1x128xi32, #tpu.memory_space<hbm>>
      %dma_wait3A_471 = tpu.memref_squeeze %dma_wait3A_470 : memref<1x128xi32, #tpu.memory_space<hbm>> -> memref<128xi32, #tpu.memory_space<hbm>>
      tpu.wait_dma2 semaphore(%arg27 : memref<!tpu.dma_semaphore, #tpu.memory_space<semaphore_mem>>) src(%dma_wait3A_471 : memref<128xi32, #tpu.memory_space<hbm>>) dst(%arg11 : memref<128xi32, #tpu.memory_space<vmem>>)
      %dma_start3A_472 = arith.constant 0 : i32
      %dma_start3A_473 = arith.constant 0 : i32
      %dma_start3A_474 = tpu.memref_slice %arg16[%dma_start3A_472, %dma_start3A_473] : memref<128x128xf32, #tpu.memory_space<vmem>> -> memref<64x128xf32, #tpu.memory_space<vmem>>
      %dma_start3A_475 = arith.constant 0 : i32
      %dma_start3A_476 = tpu.memref_slice %arg9[%dma_start3A_475] : memref<128xi32, #tpu.memory_space<vmem>> -> memref<64xi32, #tpu.memory_space<vmem>>
      %dma_start3A_477 = arith.constant 0 : i32
      %dma_start3A_478 = arith.constant 0 : i32
      %dma_start3A_479 = tpu.memref_slice %arg2[%dma_start3A_477, %dma_start3A_478] : memref<10000x128xf32, #tpu.memory_space<hbm>> -> memref<10000x128xf32, #tpu.memory_space<hbm>>
      tpu.enqueue_indirect_dma source(%dma_start3A_479 : memref<10000x128xf32, #tpu.memory_space<hbm>>) target(%dma_start3A_474 : memref<64x128xf32, #tpu.memory_space<vmem>>) offsets(%dma_start3A_476 : memref<64xi32, #tpu.memory_space<vmem>>) semaphore(%arg19 : memref<!tpu.dma_semaphore, #tpu.memory_space<semaphore_mem>>)
      %dma_start3A_480 = arith.constant 64 : i32
      %dma_start3A_481 = arith.constant 0 : i32
      %dma_start3A_482 = tpu.memref_slice %arg16[%dma_start3A_480, %dma_start3A_481] : memref<128x128xf32, #tpu.memory_space<vmem>> -> memref<64x128xf32, #tpu.memory_space<vmem>>
      %dma_start3A_483 = arith.constant 64 : i32
      %dma_start3A_484 = tpu.memref_slice %arg9[%dma_start3A_483] : memref<128xi32, #tpu.memory_space<vmem>> -> memref<64xi32, #tpu.memory_space<vmem>>
      %dma_start3A_485 = arith.constant 0 : i32
      %dma_start3A_486 = arith.constant 0 : i32
      %dma_start3A_487 = tpu.memref_slice %arg2[%dma_start3A_485, %dma_start3A_486] : memref<10000x128xf32, #tpu.memory_space<hbm>> -> memref<10000x128xf32, #tpu.memory_space<hbm>>
      tpu.enqueue_indirect_dma source(%dma_start3A_487 : memref<10000x128xf32, #tpu.memory_space<hbm>>) target(%dma_start3A_482 : memref<64x128xf32, #tpu.memory_space<vmem>>) offsets(%dma_start3A_484 : memref<64xi32, #tpu.memory_space<vmem>>) semaphore(%arg19 : memref<!tpu.dma_semaphore, #tpu.memory_space<semaphore_mem>>)
      %dma_wait3A_488 = arith.constant 0 : i32
      %dma_wait3A_489 = arith.constant 0 : i32
      %dma_wait3A_490 = tpu.memref_slice %arg2[%dma_wait3A_488, %dma_wait3A_489] : memref<10000x128xf32, #tpu.memory_space<hbm>> -> memref<128x128xf32, #tpu.memory_space<hbm>>
      %dma_wait3A_491 = arith.constant 0 : i32
      %dma_wait3A_492 = arith.constant 0 : i32
      %dma_wait3A_493 = tpu.memref_slice %arg2[%dma_wait3A_491, %dma_wait3A_492] : memref<10000x128xf32, #tpu.memory_space<hbm>> -> memref<128x128xf32, #tpu.memory_space<hbm>>
      tpu.wait_dma2 semaphore(%arg18 : memref<!tpu.dma_semaphore, #tpu.memory_space<semaphore_mem>>) src(%dma_wait3A_493 : memref<128x128xf32, #tpu.memory_space<hbm>>) dst(%arg15 : memref<128x128xf32, #tpu.memory_space<vmem>>)
      %dma_start3A_494 = arith.constant 0 : i32
      %dma_start3A_495 = arith.constant 0 : i32
      %dma_start3A_496 = tpu.memref_slice %arg7[%dma_start3A_494, %dma_start3A_495] : memref<10112x128xf32, #tpu.memory_space<vmem_shared>> -> memref<10112x128xf32, #tpu.memory_space<vmem_shared>>
      tpu.enqueue_indirect_dma source(%arg15 : memref<128x128xf32, #tpu.memory_space<vmem>>) target(%dma_start3A_496 : memref<10112x128xf32, #tpu.memory_space<vmem_shared>>) offsets(%arg14 : memref<128xi32, #tpu.memory_space<vmem>>) semaphore(%arg21 : memref<!tpu.dma_semaphore, #tpu.memory_space<semaphore_mem>>) {add = true}
      %add3A_497 = arith.constant 2 : i32
      %add3A_498 = arith.addi %add3A_372, %add3A_497 : i32
      %dma_wait3A_499 = arith.constant 0 : i32
      %dma_wait3A_500 = arith.constant 0 : i32
      %dma_wait3A_501 = tpu.memref_slice %arg2[%dma_wait3A_499, %dma_wait3A_500] : memref<10000x128xf32, #tpu.memory_space<hbm>> -> memref<128x128xf32, #tpu.memory_space<hbm>>
      %dma_wait3A_502 = arith.constant 0 : i32
      %dma_wait3A_503 = arith.constant 0 : i32
      %dma_wait3A_504 = tpu.memref_slice %arg2[%dma_wait3A_502, %dma_wait3A_503] : memref<10000x128xf32, #tpu.memory_space<hbm>> -> memref<128x128xf32, #tpu.memory_space<hbm>>
      tpu.wait_dma2 semaphore(%arg23 : memref<!tpu.dma_semaphore, #tpu.memory_space<semaphore_mem>>) src(%dma_wait3A_504 : memref<128x128xf32, #tpu.memory_space<hbm>>) dst(%arg17 : memref<128x128xf32, #tpu.memory_space<vmem>>)
      %add3A_505 = arith.constant 2 : i32
      %add3A_506 = arith.addi %add3A_498, %add3A_505 : i32
      %mul3A_507 = arith.constant 128 : i32
      %mul3A_508 = arith.muli %add3A_506, %mul3A_507 : i32
      %add3A_509 = arith.addi %mul3A_2, %mul3A_508 : i32
      %dma_start3A_510 = arith.constant 0 : i32
      %dma_start3A_511 = tpu.memref_slice %arg3[%dma_start3A_510, %add3A_509] : memref<2x320000xi32, #tpu.memory_space<hbm>> -> memref<1x128xi32, #tpu.memory_space<hbm>>
      %dma_start3A_512 = tpu.memref_squeeze %dma_start3A_511 : memref<1x128xi32, #tpu.memory_space<hbm>> -> memref<128xi32, #tpu.memory_space<hbm>>
      %dma_start3A_513 = tpu.memref_slice %arg3[%dma_start3A_510, %add3A_509] : memref<2x320000xi32, #tpu.memory_space<hbm>> -> memref<1x128xi32, #tpu.memory_space<hbm>>
      %dma_start3A_514 = tpu.memref_squeeze %dma_start3A_513 : memref<1x128xi32, #tpu.memory_space<hbm>> -> memref<128xi32, #tpu.memory_space<hbm>>
      tpu.enqueue_dma source(%dma_start3A_514 : memref<128xi32, #tpu.memory_space<hbm>>) target(%arg8 : memref<128xi32, #tpu.memory_space<vmem>>) target_semaphore(%arg24 : memref<!tpu.dma_semaphore, #tpu.memory_space<semaphore_mem>>)
      %dma_start3A_515 = arith.constant 1 : i32
      %dma_start3A_516 = tpu.memref_slice %arg3[%dma_start3A_515, %add3A_509] : memref<2x320000xi32, #tpu.memory_space<hbm>> -> memref<1x128xi32, #tpu.memory_space<hbm>>
      %dma_start3A_517 = tpu.memref_squeeze %dma_start3A_516 : memref<1x128xi32, #tpu.memory_space<hbm>> -> memref<128xi32, #tpu.memory_space<hbm>>
      %dma_start3A_518 = tpu.memref_slice %arg3[%dma_start3A_515, %add3A_509] : memref<2x320000xi32, #tpu.memory_space<hbm>> -> memref<1x128xi32, #tpu.memory_space<hbm>>
      %dma_start3A_519 = tpu.memref_squeeze %dma_start3A_518 : memref<1x128xi32, #tpu.memory_space<hbm>> -> memref<128xi32, #tpu.memory_space<hbm>>
      tpu.enqueue_dma source(%dma_start3A_519 : memref<128xi32, #tpu.memory_space<hbm>>) target(%arg13 : memref<128xi32, #tpu.memory_space<vmem>>) target_semaphore(%arg29 : memref<!tpu.dma_semaphore, #tpu.memory_space<semaphore_mem>>)
      %dma_wait3A_520 = arith.constant 0 : i32
      %dma_wait3A_521 = arith.constant 0 : i32
      %dma_wait3A_522 = tpu.memref_slice %arg3[%dma_wait3A_520, %dma_wait3A_521] : memref<2x320000xi32, #tpu.memory_space<hbm>> -> memref<1x128xi32, #tpu.memory_space<hbm>>
      %dma_wait3A_523 = tpu.memref_squeeze %dma_wait3A_522 : memref<1x128xi32, #tpu.memory_space<hbm>> -> memref<128xi32, #tpu.memory_space<hbm>>
      %dma_wait3A_524 = arith.constant 0 : i32
      %dma_wait3A_525 = tpu.memref_slice %arg3[%dma_wait3A_520, %dma_wait3A_524] : memref<2x320000xi32, #tpu.memory_space<hbm>> -> memref<1x128xi32, #tpu.memory_space<hbm>>
      %dma_wait3A_526 = tpu.memref_squeeze %dma_wait3A_525 : memref<1x128xi32, #tpu.memory_space<hbm>> -> memref<128xi32, #tpu.memory_space<hbm>>
      tpu.wait_dma2 semaphore(%arg26 : memref<!tpu.dma_semaphore, #tpu.memory_space<semaphore_mem>>) src(%dma_wait3A_526 : memref<128xi32, #tpu.memory_space<hbm>>) dst(%arg10 : memref<128xi32, #tpu.memory_space<vmem>>)
      %dma_wait3A_527 = arith.constant 0 : i32
      %dma_wait3A_528 = arith.constant 0 : i32
      %dma_wait3A_529 = tpu.memref_slice %arg3[%dma_wait3A_527, %dma_wait3A_528] : memref<2x320000xi32, #tpu.memory_space<hbm>> -> memref<1x128xi32, #tpu.memory_space<hbm>>
      %dma_wait3A_530 = tpu.memref_squeeze %dma_wait3A_529 : memref<1x128xi32, #tpu.memory_space<hbm>> -> memref<128xi32, #tpu.memory_space<hbm>>
      %dma_wait3A_531 = arith.constant 0 : i32
      %dma_wait3A_532 = tpu.memref_slice %arg3[%dma_wait3A_527, %dma_wait3A_531] : memref<2x320000xi32, #tpu.memory_space<hbm>> -> memref<1x128xi32, #tpu.memory_space<hbm>>
      %dma_wait3A_533 = tpu.memref_squeeze %dma_wait3A_532 : memref<1x128xi32, #tpu.memory_space<hbm>> -> memref<128xi32, #tpu.memory_space<hbm>>
      tpu.wait_dma2 semaphore(%arg28 : memref<!tpu.dma_semaphore, #tpu.memory_space<semaphore_mem>>) src(%dma_wait3A_533 : memref<128xi32, #tpu.memory_space<hbm>>) dst(%arg12 : memref<128xi32, #tpu.memory_space<vmem>>)
      %dma_start3A_534 = arith.constant 0 : i32
      %dma_start3A_535 = arith.constant 0 : i32
      %dma_start3A_536 = tpu.memref_slice %arg17[%dma_start3A_534, %dma_start3A_535] : memref<128x128xf32, #tpu.memory_space<vmem>> -> memref<64x128xf32, #tpu.memory_space<vmem>>
      %dma_start3A_537 = arith.constant 0 : i32
      %dma_start3A_538 = tpu.memref_slice %arg10[%dma_start3A_537] : memref<128xi32, #tpu.memory_space<vmem>> -> memref<64xi32, #tpu.memory_space<vmem>>
      %dma_start3A_539 = arith.constant 0 : i32
      %dma_start3A_540 = arith.constant 0 : i32
      %dma_start3A_541 = tpu.memref_slice %arg2[%dma_start3A_539, %dma_start3A_540] : memref<10000x128xf32, #tpu.memory_space<hbm>> -> memref<10000x128xf32, #tpu.memory_space<hbm>>
      tpu.enqueue_indirect_dma source(%dma_start3A_541 : memref<10000x128xf32, #tpu.memory_space<hbm>>) target(%dma_start3A_536 : memref<64x128xf32, #tpu.memory_space<vmem>>) offsets(%dma_start3A_538 : memref<64xi32, #tpu.memory_space<vmem>>) semaphore(%arg20 : memref<!tpu.dma_semaphore, #tpu.memory_space<semaphore_mem>>)
      %dma_start3A_542 = arith.constant 64 : i32
      %dma_start3A_543 = arith.constant 0 : i32
      %dma_start3A_544 = tpu.memref_slice %arg17[%dma_start3A_542, %dma_start3A_543] : memref<128x128xf32, #tpu.memory_space<vmem>> -> memref<64x128xf32, #tpu.memory_space<vmem>>
      %dma_start3A_545 = arith.constant 64 : i32
      %dma_start3A_546 = tpu.memref_slice %arg10[%dma_start3A_545] : memref<128xi32, #tpu.memory_space<vmem>> -> memref<64xi32, #tpu.memory_space<vmem>>
      %dma_start3A_547 = arith.constant 0 : i32
      %dma_start3A_548 = arith.constant 0 : i32
      %dma_start3A_549 = tpu.memref_slice %arg2[%dma_start3A_547, %dma_start3A_548] : memref<10000x128xf32, #tpu.memory_space<hbm>> -> memref<10000x128xf32, #tpu.memory_space<hbm>>
      tpu.enqueue_indirect_dma source(%dma_start3A_549 : memref<10000x128xf32, #tpu.memory_space<hbm>>) target(%dma_start3A_544 : memref<64x128xf32, #tpu.memory_space<vmem>>) offsets(%dma_start3A_546 : memref<64xi32, #tpu.memory_space<vmem>>) semaphore(%arg20 : memref<!tpu.dma_semaphore, #tpu.memory_space<semaphore_mem>>)
      %dma_wait3A_550 = arith.constant 0 : i32
      %dma_wait3A_551 = arith.constant 0 : i32
      %dma_wait3A_552 = tpu.memref_slice %arg2[%dma_wait3A_550, %dma_wait3A_551] : memref<10000x128xf32, #tpu.memory_space<hbm>> -> memref<128x128xf32, #tpu.memory_space<hbm>>
      %dma_wait3A_553 = arith.constant 0 : i32
      %dma_wait3A_554 = arith.constant 0 : i32
      %dma_wait3A_555 = tpu.memref_slice %arg2[%dma_wait3A_553, %dma_wait3A_554] : memref<10000x128xf32, #tpu.memory_space<hbm>> -> memref<128x128xf32, #tpu.memory_space<hbm>>
      tpu.wait_dma2 semaphore(%arg19 : memref<!tpu.dma_semaphore, #tpu.memory_space<semaphore_mem>>) src(%dma_wait3A_555 : memref<128x128xf32, #tpu.memory_space<hbm>>) dst(%arg16 : memref<128x128xf32, #tpu.memory_space<vmem>>)
      %dma_start3A_556 = arith.constant 0 : i32
      %dma_start3A_557 = arith.constant 0 : i32
      %dma_start3A_558 = tpu.memref_slice %arg7[%dma_start3A_556, %dma_start3A_557] : memref<10112x128xf32, #tpu.memory_space<vmem_shared>> -> memref<10112x128xf32, #tpu.memory_space<vmem_shared>>
      tpu.enqueue_indirect_dma source(%arg16 : memref<128x128xf32, #tpu.memory_space<vmem>>) target(%dma_start3A_558 : memref<10112x128xf32, #tpu.memory_space<vmem_shared>>) offsets(%arg11 : memref<128xi32, #tpu.memory_space<vmem>>) semaphore(%arg22 : memref<!tpu.dma_semaphore, #tpu.memory_space<semaphore_mem>>) {add = true}
      %add3A_559 = arith.constant 3 : i32
      %add3A_560 = arith.addi %add3A_372, %add3A_559 : i32
      %dma_wait3A_561 = arith.constant 0 : i32
      %dma_wait3A_562 = arith.constant 0 : i32
      %dma_wait3A_563 = tpu.memref_slice %arg2[%dma_wait3A_561, %dma_wait3A_562] : memref<10000x128xf32, #tpu.memory_space<hbm>> -> memref<128x128xf32, #tpu.memory_space<hbm>>
      %dma_wait3A_564 = arith.constant 0 : i32
      %dma_wait3A_565 = arith.constant 0 : i32
      %dma_wait3A_566 = tpu.memref_slice %arg2[%dma_wait3A_564, %dma_wait3A_565] : memref<10000x128xf32, #tpu.memory_space<hbm>> -> memref<128x128xf32, #tpu.memory_space<hbm>>
      tpu.wait_dma2 semaphore(%arg21 : memref<!tpu.dma_semaphore, #tpu.memory_space<semaphore_mem>>) src(%dma_wait3A_566 : memref<128x128xf32, #tpu.memory_space<hbm>>) dst(%arg15 : memref<128x128xf32, #tpu.memory_space<vmem>>)
      %add3A_567 = arith.constant 2 : i32
      %add3A_568 = arith.addi %add3A_560, %add3A_567 : i32
      %mul3A_569 = arith.constant 128 : i32
      %mul3A_570 = arith.muli %add3A_568, %mul3A_569 : i32
      %add3A_571 = arith.addi %mul3A_2, %mul3A_570 : i32
      %dma_start3A_572 = arith.constant 0 : i32
      %dma_start3A_573 = tpu.memref_slice %arg3[%dma_start3A_572, %add3A_571] : memref<2x320000xi32, #tpu.memory_space<hbm>> -> memref<1x128xi32, #tpu.memory_space<hbm>>
      %dma_start3A_574 = tpu.memref_squeeze %dma_start3A_573 : memref<1x128xi32, #tpu.memory_space<hbm>> -> memref<128xi32, #tpu.memory_space<hbm>>
      %dma_start3A_575 = tpu.memref_slice %arg3[%dma_start3A_572, %add3A_571] : memref<2x320000xi32, #tpu.memory_space<hbm>> -> memref<1x128xi32, #tpu.memory_space<hbm>>
      %dma_start3A_576 = tpu.memref_squeeze %dma_start3A_575 : memref<1x128xi32, #tpu.memory_space<hbm>> -> memref<128xi32, #tpu.memory_space<hbm>>
      tpu.enqueue_dma source(%dma_start3A_576 : memref<128xi32, #tpu.memory_space<hbm>>) target(%arg9 : memref<128xi32, #tpu.memory_space<vmem>>) target_semaphore(%arg25 : memref<!tpu.dma_semaphore, #tpu.memory_space<semaphore_mem>>)
      %dma_start3A_577 = arith.constant 1 : i32
      %dma_start3A_578 = tpu.memref_slice %arg3[%dma_start3A_577, %add3A_571] : memref<2x320000xi32, #tpu.memory_space<hbm>> -> memref<1x128xi32, #tpu.memory_space<hbm>>
      %dma_start3A_579 = tpu.memref_squeeze %dma_start3A_578 : memref<1x128xi32, #tpu.memory_space<hbm>> -> memref<128xi32, #tpu.memory_space<hbm>>
      %dma_start3A_580 = tpu.memref_slice %arg3[%dma_start3A_577, %add3A_571] : memref<2x320000xi32, #tpu.memory_space<hbm>> -> memref<1x128xi32, #tpu.memory_space<hbm>>
      %dma_start3A_581 = tpu.memref_squeeze %dma_start3A_580 : memref<1x128xi32, #tpu.memory_space<hbm>> -> memref<128xi32, #tpu.memory_space<hbm>>
      tpu.enqueue_dma source(%dma_start3A_581 : memref<128xi32, #tpu.memory_space<hbm>>) target(%arg14 : memref<128xi32, #tpu.memory_space<vmem>>) target_semaphore(%arg30 : memref<!tpu.dma_semaphore, #tpu.memory_space<semaphore_mem>>)
      %dma_wait3A_582 = arith.constant 0 : i32
      %dma_wait3A_583 = arith.constant 0 : i32
      %dma_wait3A_584 = tpu.memref_slice %arg3[%dma_wait3A_582, %dma_wait3A_583] : memref<2x320000xi32, #tpu.memory_space<hbm>> -> memref<1x128xi32, #tpu.memory_space<hbm>>
      %dma_wait3A_585 = tpu.memref_squeeze %dma_wait3A_584 : memref<1x128xi32, #tpu.memory_space<hbm>> -> memref<128xi32, #tpu.memory_space<hbm>>
      %dma_wait3A_586 = arith.constant 0 : i32
      %dma_wait3A_587 = tpu.memref_slice %arg3[%dma_wait3A_582, %dma_wait3A_586] : memref<2x320000xi32, #tpu.memory_space<hbm>> -> memref<1x128xi32, #tpu.memory_space<hbm>>
      %dma_wait3A_588 = tpu.memref_squeeze %dma_wait3A_587 : memref<1x128xi32, #tpu.memory_space<hbm>> -> memref<128xi32, #tpu.memory_space<hbm>>
      tpu.wait_dma2 semaphore(%arg24 : memref<!tpu.dma_semaphore, #tpu.memory_space<semaphore_mem>>) src(%dma_wait3A_588 : memref<128xi32, #tpu.memory_space<hbm>>) dst(%arg8 : memref<128xi32, #tpu.memory_space<vmem>>)
      %dma_wait3A_589 = arith.constant 0 : i32
      %dma_wait3A_590 = arith.constant 0 : i32
      %dma_wait3A_591 = tpu.memref_slice %arg3[%dma_wait3A_589, %dma_wait3A_590] : memref<2x320000xi32, #tpu.memory_space<hbm>> -> memref<1x128xi32, #tpu.memory_space<hbm>>
      %dma_wait3A_592 = tpu.memref_squeeze %dma_wait3A_591 : memref<1x128xi32, #tpu.memory_space<hbm>> -> memref<128xi32, #tpu.memory_space<hbm>>
      %dma_wait3A_593 = arith.constant 0 : i32
      %dma_wait3A_594 = tpu.memref_slice %arg3[%dma_wait3A_589, %dma_wait3A_593] : memref<2x320000xi32, #tpu.memory_space<hbm>> -> memref<1x128xi32, #tpu.memory_space<hbm>>
      %dma_wait3A_595 = tpu.memref_squeeze %dma_wait3A_594 : memref<1x128xi32, #tpu.memory_space<hbm>> -> memref<128xi32, #tpu.memory_space<hbm>>
      tpu.wait_dma2 semaphore(%arg29 : memref<!tpu.dma_semaphore, #tpu.memory_space<semaphore_mem>>) src(%dma_wait3A_595 : memref<128xi32, #tpu.memory_space<hbm>>) dst(%arg13 : memref<128xi32, #tpu.memory_space<vmem>>)
      %dma_start3A_596 = arith.constant 0 : i32
      %dma_start3A_597 = arith.constant 0 : i32
      %dma_start3A_598 = tpu.memref_slice %arg15[%dma_start3A_596, %dma_start3A_597] : memref<128x128xf32, #tpu.memory_space<vmem>> -> memref<64x128xf32, #tpu.memory_space<vmem>>
      %dma_start3A_599 = arith.constant 0 : i32
      %dma_start3A_600 = tpu.memref_slice %arg8[%dma_start3A_599] : memref<128xi32, #tpu.memory_space<vmem>> -> memref<64xi32, #tpu.memory_space<vmem>>
      %dma_start3A_601 = arith.constant 0 : i32
      %dma_start3A_602 = arith.constant 0 : i32
      %dma_start3A_603 = tpu.memref_slice %arg2[%dma_start3A_601, %dma_start3A_602] : memref<10000x128xf32, #tpu.memory_space<hbm>> -> memref<10000x128xf32, #tpu.memory_space<hbm>>
      tpu.enqueue_indirect_dma source(%dma_start3A_603 : memref<10000x128xf32, #tpu.memory_space<hbm>>) target(%dma_start3A_598 : memref<64x128xf32, #tpu.memory_space<vmem>>) offsets(%dma_start3A_600 : memref<64xi32, #tpu.memory_space<vmem>>) semaphore(%arg18 : memref<!tpu.dma_semaphore, #tpu.memory_space<semaphore_mem>>)
      %dma_start3A_604 = arith.constant 64 : i32
      %dma_start3A_605 = arith.constant 0 : i32
      %dma_start3A_606 = tpu.memref_slice %arg15[%dma_start3A_604, %dma_start3A_605] : memref<128x128xf32, #tpu.memory_space<vmem>> -> memref<64x128xf32, #tpu.memory_space<vmem>>
      %dma_start3A_607 = arith.constant 64 : i32
      %dma_start3A_608 = tpu.memref_slice %arg8[%dma_start3A_607] : memref<128xi32, #tpu.memory_space<vmem>> -> memref<64xi32, #tpu.memory_space<vmem>>
      %dma_start3A_609 = arith.constant 0 : i32
      %dma_start3A_610 = arith.constant 0 : i32
      %dma_start3A_611 = tpu.memref_slice %arg2[%dma_start3A_609, %dma_start3A_610] : memref<10000x128xf32, #tpu.memory_space<hbm>> -> memref<10000x128xf32, #tpu.memory_space<hbm>>
      tpu.enqueue_indirect_dma source(%dma_start3A_611 : memref<10000x128xf32, #tpu.memory_space<hbm>>) target(%dma_start3A_606 : memref<64x128xf32, #tpu.memory_space<vmem>>) offsets(%dma_start3A_608 : memref<64xi32, #tpu.memory_space<vmem>>) semaphore(%arg18 : memref<!tpu.dma_semaphore, #tpu.memory_space<semaphore_mem>>)
      %dma_wait3A_612 = arith.constant 0 : i32
      %dma_wait3A_613 = arith.constant 0 : i32
      %dma_wait3A_614 = tpu.memref_slice %arg2[%dma_wait3A_612, %dma_wait3A_613] : memref<10000x128xf32, #tpu.memory_space<hbm>> -> memref<128x128xf32, #tpu.memory_space<hbm>>
      %dma_wait3A_615 = arith.constant 0 : i32
      %dma_wait3A_616 = arith.constant 0 : i32
      %dma_wait3A_617 = tpu.memref_slice %arg2[%dma_wait3A_615, %dma_wait3A_616] : memref<10000x128xf32, #tpu.memory_space<hbm>> -> memref<128x128xf32, #tpu.memory_space<hbm>>
      tpu.wait_dma2 semaphore(%arg20 : memref<!tpu.dma_semaphore, #tpu.memory_space<semaphore_mem>>) src(%dma_wait3A_617 : memref<128x128xf32, #tpu.memory_space<hbm>>) dst(%arg17 : memref<128x128xf32, #tpu.memory_space<vmem>>)
      %dma_start3A_618 = arith.constant 0 : i32
      %dma_start3A_619 = arith.constant 0 : i32
      %dma_start3A_620 = tpu.memref_slice %arg7[%dma_start3A_618, %dma_start3A_619] : memref<10112x128xf32, #tpu.memory_space<vmem_shared>> -> memref<10112x128xf32, #tpu.memory_space<vmem_shared>>
      tpu.enqueue_indirect_dma source(%arg17 : memref<128x128xf32, #tpu.memory_space<vmem>>) target(%dma_start3A_620 : memref<10112x128xf32, #tpu.memory_space<vmem_shared>>) offsets(%arg12 : memref<128xi32, #tpu.memory_space<vmem>>) semaphore(%arg23 : memref<!tpu.dma_semaphore, #tpu.memory_space<semaphore_mem>>) {add = true}
      %add3A_621 = arith.constant 4 : i32
      %add3A_622 = arith.addi %add3A_372, %add3A_621 : i32
      %dma_wait3A_623 = arith.constant 0 : i32
      %dma_wait3A_624 = arith.constant 0 : i32
      %dma_wait3A_625 = tpu.memref_slice %arg2[%dma_wait3A_623, %dma_wait3A_624] : memref<10000x128xf32, #tpu.memory_space<hbm>> -> memref<128x128xf32, #tpu.memory_space<hbm>>
      %dma_wait3A_626 = arith.constant 0 : i32
      %dma_wait3A_627 = arith.constant 0 : i32
      %dma_wait3A_628 = tpu.memref_slice %arg2[%dma_wait3A_626, %dma_wait3A_627] : memref<10000x128xf32, #tpu.memory_space<hbm>> -> memref<128x128xf32, #tpu.memory_space<hbm>>
      tpu.wait_dma2 semaphore(%arg22 : memref<!tpu.dma_semaphore, #tpu.memory_space<semaphore_mem>>) src(%dma_wait3A_628 : memref<128x128xf32, #tpu.memory_space<hbm>>) dst(%arg16 : memref<128x128xf32, #tpu.memory_space<vmem>>)
      %add3A_629 = arith.constant 2 : i32
      %add3A_630 = arith.addi %add3A_622, %add3A_629 : i32
      %mul3A_631 = arith.constant 128 : i32
      %mul3A_632 = arith.muli %add3A_630, %mul3A_631 : i32
      %add3A_633 = arith.addi %mul3A_2, %mul3A_632 : i32
      %dma_start3A_634 = arith.constant 0 : i32
      %dma_start3A_635 = tpu.memref_slice %arg3[%dma_start3A_634, %add3A_633] : memref<2x320000xi32, #tpu.memory_space<hbm>> -> memref<1x128xi32, #tpu.memory_space<hbm>>
      %dma_start3A_636 = tpu.memref_squeeze %dma_start3A_635 : memref<1x128xi32, #tpu.memory_space<hbm>> -> memref<128xi32, #tpu.memory_space<hbm>>
      %dma_start3A_637 = tpu.memref_slice %arg3[%dma_start3A_634, %add3A_633] : memref<2x320000xi32, #tpu.memory_space<hbm>> -> memref<1x128xi32, #tpu.memory_space<hbm>>
      %dma_start3A_638 = tpu.memref_squeeze %dma_start3A_637 : memref<1x128xi32, #tpu.memory_space<hbm>> -> memref<128xi32, #tpu.memory_space<hbm>>
      tpu.enqueue_dma source(%dma_start3A_638 : memref<128xi32, #tpu.memory_space<hbm>>) target(%arg10 : memref<128xi32, #tpu.memory_space<vmem>>) target_semaphore(%arg26 : memref<!tpu.dma_semaphore, #tpu.memory_space<semaphore_mem>>)
      %dma_start3A_639 = arith.constant 1 : i32
      %dma_start3A_640 = tpu.memref_slice %arg3[%dma_start3A_639, %add3A_633] : memref<2x320000xi32, #tpu.memory_space<hbm>> -> memref<1x128xi32, #tpu.memory_space<hbm>>
      %dma_start3A_641 = tpu.memref_squeeze %dma_start3A_640 : memref<1x128xi32, #tpu.memory_space<hbm>> -> memref<128xi32, #tpu.memory_space<hbm>>
      %dma_start3A_642 = tpu.memref_slice %arg3[%dma_start3A_639, %add3A_633] : memref<2x320000xi32, #tpu.memory_space<hbm>> -> memref<1x128xi32, #tpu.memory_space<hbm>>
      %dma_start3A_643 = tpu.memref_squeeze %dma_start3A_642 : memref<1x128xi32, #tpu.memory_space<hbm>> -> memref<128xi32, #tpu.memory_space<hbm>>
      tpu.enqueue_dma source(%dma_start3A_643 : memref<128xi32, #tpu.memory_space<hbm>>) target(%arg11 : memref<128xi32, #tpu.memory_space<vmem>>) target_semaphore(%arg27 : memref<!tpu.dma_semaphore, #tpu.memory_space<semaphore_mem>>)
      %dma_wait3A_644 = arith.constant 0 : i32
      %dma_wait3A_645 = arith.constant 0 : i32
      %dma_wait3A_646 = tpu.memref_slice %arg3[%dma_wait3A_644, %dma_wait3A_645] : memref<2x320000xi32, #tpu.memory_space<hbm>> -> memref<1x128xi32, #tpu.memory_space<hbm>>
      %dma_wait3A_647 = tpu.memref_squeeze %dma_wait3A_646 : memref<1x128xi32, #tpu.memory_space<hbm>> -> memref<128xi32, #tpu.memory_space<hbm>>
      %dma_wait3A_648 = arith.constant 0 : i32
      %dma_wait3A_649 = tpu.memref_slice %arg3[%dma_wait3A_644, %dma_wait3A_648] : memref<2x320000xi32, #tpu.memory_space<hbm>> -> memref<1x128xi32, #tpu.memory_space<hbm>>
      %dma_wait3A_650 = tpu.memref_squeeze %dma_wait3A_649 : memref<1x128xi32, #tpu.memory_space<hbm>> -> memref<128xi32, #tpu.memory_space<hbm>>
      tpu.wait_dma2 semaphore(%arg25 : memref<!tpu.dma_semaphore, #tpu.memory_space<semaphore_mem>>) src(%dma_wait3A_650 : memref<128xi32, #tpu.memory_space<hbm>>) dst(%arg9 : memref<128xi32, #tpu.memory_space<vmem>>)
      %dma_wait3A_651 = arith.constant 0 : i32
      %dma_wait3A_652 = arith.constant 0 : i32
      %dma_wait3A_653 = tpu.memref_slice %arg3[%dma_wait3A_651, %dma_wait3A_652] : memref<2x320000xi32, #tpu.memory_space<hbm>> -> memref<1x128xi32, #tpu.memory_space<hbm>>
      %dma_wait3A_654 = tpu.memref_squeeze %dma_wait3A_653 : memref<1x128xi32, #tpu.memory_space<hbm>> -> memref<128xi32, #tpu.memory_space<hbm>>
      %dma_wait3A_655 = arith.constant 0 : i32
      %dma_wait3A_656 = tpu.memref_slice %arg3[%dma_wait3A_651, %dma_wait3A_655] : memref<2x320000xi32, #tpu.memory_space<hbm>> -> memref<1x128xi32, #tpu.memory_space<hbm>>
      %dma_wait3A_657 = tpu.memref_squeeze %dma_wait3A_656 : memref<1x128xi32, #tpu.memory_space<hbm>> -> memref<128xi32, #tpu.memory_space<hbm>>
      tpu.wait_dma2 semaphore(%arg30 : memref<!tpu.dma_semaphore, #tpu.memory_space<semaphore_mem>>) src(%dma_wait3A_657 : memref<128xi32, #tpu.memory_space<hbm>>) dst(%arg14 : memref<128xi32, #tpu.memory_space<vmem>>)
      %dma_start3A_658 = arith.constant 0 : i32
      %dma_start3A_659 = arith.constant 0 : i32
      %dma_start3A_660 = tpu.memref_slice %arg16[%dma_start3A_658, %dma_start3A_659] : memref<128x128xf32, #tpu.memory_space<vmem>> -> memref<64x128xf32, #tpu.memory_space<vmem>>
      %dma_start3A_661 = arith.constant 0 : i32
      %dma_start3A_662 = tpu.memref_slice %arg9[%dma_start3A_661] : memref<128xi32, #tpu.memory_space<vmem>> -> memref<64xi32, #tpu.memory_space<vmem>>
      %dma_start3A_663 = arith.constant 0 : i32
      %dma_start3A_664 = arith.constant 0 : i32
      %dma_start3A_665 = tpu.memref_slice %arg2[%dma_start3A_663, %dma_start3A_664] : memref<10000x128xf32, #tpu.memory_space<hbm>> -> memref<10000x128xf32, #tpu.memory_space<hbm>>
      tpu.enqueue_indirect_dma source(%dma_start3A_665 : memref<10000x128xf32, #tpu.memory_space<hbm>>) target(%dma_start3A_660 : memref<64x128xf32, #tpu.memory_space<vmem>>) offsets(%dma_start3A_662 : memref<64xi32, #tpu.memory_space<vmem>>) semaphore(%arg19 : memref<!tpu.dma_semaphore, #tpu.memory_space<semaphore_mem>>)
      %dma_start3A_666 = arith.constant 64 : i32
      %dma_start3A_667 = arith.constant 0 : i32
      %dma_start3A_668 = tpu.memref_slice %arg16[%dma_start3A_666, %dma_start3A_667] : memref<128x128xf32, #tpu.memory_space<vmem>> -> memref<64x128xf32, #tpu.memory_space<vmem>>
      %dma_start3A_669 = arith.constant 64 : i32
      %dma_start3A_670 = tpu.memref_slice %arg9[%dma_start3A_669] : memref<128xi32, #tpu.memory_space<vmem>> -> memref<64xi32, #tpu.memory_space<vmem>>
      %dma_start3A_671 = arith.constant 0 : i32
      %dma_start3A_672 = arith.constant 0 : i32
      %dma_start3A_673 = tpu.memref_slice %arg2[%dma_start3A_671, %dma_start3A_672] : memref<10000x128xf32, #tpu.memory_space<hbm>> -> memref<10000x128xf32, #tpu.memory_space<hbm>>
      tpu.enqueue_indirect_dma source(%dma_start3A_673 : memref<10000x128xf32, #tpu.memory_space<hbm>>) target(%dma_start3A_668 : memref<64x128xf32, #tpu.memory_space<vmem>>) offsets(%dma_start3A_670 : memref<64xi32, #tpu.memory_space<vmem>>) semaphore(%arg19 : memref<!tpu.dma_semaphore, #tpu.memory_space<semaphore_mem>>)
      %dma_wait3A_674 = arith.constant 0 : i32
      %dma_wait3A_675 = arith.constant 0 : i32
      %dma_wait3A_676 = tpu.memref_slice %arg2[%dma_wait3A_674, %dma_wait3A_675] : memref<10000x128xf32, #tpu.memory_space<hbm>> -> memref<128x128xf32, #tpu.memory_space<hbm>>
      %dma_wait3A_677 = arith.constant 0 : i32
      %dma_wait3A_678 = arith.constant 0 : i32
      %dma_wait3A_679 = tpu.memref_slice %arg2[%dma_wait3A_677, %dma_wait3A_678] : memref<10000x128xf32, #tpu.memory_space<hbm>> -> memref<128x128xf32, #tpu.memory_space<hbm>>
      tpu.wait_dma2 semaphore(%arg18 : memref<!tpu.dma_semaphore, #tpu.memory_space<semaphore_mem>>) src(%dma_wait3A_679 : memref<128x128xf32, #tpu.memory_space<hbm>>) dst(%arg15 : memref<128x128xf32, #tpu.memory_space<vmem>>)
      %dma_start3A_680 = arith.constant 0 : i32
      %dma_start3A_681 = arith.constant 0 : i32
      %dma_start3A_682 = tpu.memref_slice %arg7[%dma_start3A_680, %dma_start3A_681] : memref<10112x128xf32, #tpu.memory_space<vmem_shared>> -> memref<10112x128xf32, #tpu.memory_space<vmem_shared>>
      tpu.enqueue_indirect_dma source(%arg15 : memref<128x128xf32, #tpu.memory_space<vmem>>) target(%dma_start3A_682 : memref<10112x128xf32, #tpu.memory_space<vmem_shared>>) offsets(%arg13 : memref<128xi32, #tpu.memory_space<vmem>>) semaphore(%arg21 : memref<!tpu.dma_semaphore, #tpu.memory_space<semaphore_mem>>) {add = true}
      %add3A_683 = arith.constant 5 : i32
      %add3A_684 = arith.addi %add3A_372, %add3A_683 : i32
      %dma_wait3A_685 = arith.constant 0 : i32
      %dma_wait3A_686 = arith.constant 0 : i32
      %dma_wait3A_687 = tpu.memref_slice %arg2[%dma_wait3A_685, %dma_wait3A_686] : memref<10000x128xf32, #tpu.memory_space<hbm>> -> memref<128x128xf32, #tpu.memory_space<hbm>>
      %dma_wait3A_688 = arith.constant 0 : i32
      %dma_wait3A_689 = arith.constant 0 : i32
      %dma_wait3A_690 = tpu.memref_slice %arg2[%dma_wait3A_688, %dma_wait3A_689] : memref<10000x128xf32, #tpu.memory_space<hbm>> -> memref<128x128xf32, #tpu.memory_space<hbm>>
      tpu.wait_dma2 semaphore(%arg23 : memref<!tpu.dma_semaphore, #tpu.memory_space<semaphore_mem>>) src(%dma_wait3A_690 : memref<128x128xf32, #tpu.memory_space<hbm>>) dst(%arg17 : memref<128x128xf32, #tpu.memory_space<vmem>>)
      %add3A_691 = arith.constant 2 : i32
      %add3A_692 = arith.addi %add3A_684, %add3A_691 : i32
      %mul3A_693 = arith.constant 128 : i32
      %mul3A_694 = arith.muli %add3A_692, %mul3A_693 : i32
      %add3A_695 = arith.addi %mul3A_2, %mul3A_694 : i32
      %dma_start3A_696 = arith.constant 0 : i32
      %dma_start3A_697 = tpu.memref_slice %arg3[%dma_start3A_696, %add3A_695] : memref<2x320000xi32, #tpu.memory_space<hbm>> -> memref<1x128xi32, #tpu.memory_space<hbm>>
      %dma_start3A_698 = tpu.memref_squeeze %dma_start3A_697 : memref<1x128xi32, #tpu.memory_space<hbm>> -> memref<128xi32, #tpu.memory_space<hbm>>
      %dma_start3A_699 = tpu.memref_slice %arg3[%dma_start3A_696, %add3A_695] : memref<2x320000xi32, #tpu.memory_space<hbm>> -> memref<1x128xi32, #tpu.memory_space<hbm>>
      %dma_start3A_700 = tpu.memref_squeeze %dma_start3A_699 : memref<1x128xi32, #tpu.memory_space<hbm>> -> memref<128xi32, #tpu.memory_space<hbm>>
      tpu.enqueue_dma source(%dma_start3A_700 : memref<128xi32, #tpu.memory_space<hbm>>) target(%arg8 : memref<128xi32, #tpu.memory_space<vmem>>) target_semaphore(%arg24 : memref<!tpu.dma_semaphore, #tpu.memory_space<semaphore_mem>>)
      %dma_start3A_701 = arith.constant 1 : i32
      %dma_start3A_702 = tpu.memref_slice %arg3[%dma_start3A_701, %add3A_695] : memref<2x320000xi32, #tpu.memory_space<hbm>> -> memref<1x128xi32, #tpu.memory_space<hbm>>
      %dma_start3A_703 = tpu.memref_squeeze %dma_start3A_702 : memref<1x128xi32, #tpu.memory_space<hbm>> -> memref<128xi32, #tpu.memory_space<hbm>>
      %dma_start3A_704 = tpu.memref_slice %arg3[%dma_start3A_701, %add3A_695] : memref<2x320000xi32, #tpu.memory_space<hbm>> -> memref<1x128xi32, #tpu.memory_space<hbm>>
      %dma_start3A_705 = tpu.memref_squeeze %dma_start3A_704 : memref<1x128xi32, #tpu.memory_space<hbm>> -> memref<128xi32, #tpu.memory_space<hbm>>
      tpu.enqueue_dma source(%dma_start3A_705 : memref<128xi32, #tpu.memory_space<hbm>>) target(%arg12 : memref<128xi32, #tpu.memory_space<vmem>>) target_semaphore(%arg28 : memref<!tpu.dma_semaphore, #tpu.memory_space<semaphore_mem>>)
      %dma_wait3A_706 = arith.constant 0 : i32
      %dma_wait3A_707 = arith.constant 0 : i32
      %dma_wait3A_708 = tpu.memref_slice %arg3[%dma_wait3A_706, %dma_wait3A_707] : memref<2x320000xi32, #tpu.memory_space<hbm>> -> memref<1x128xi32, #tpu.memory_space<hbm>>
      %dma_wait3A_709 = tpu.memref_squeeze %dma_wait3A_708 : memref<1x128xi32, #tpu.memory_space<hbm>> -> memref<128xi32, #tpu.memory_space<hbm>>
      %dma_wait3A_710 = arith.constant 0 : i32
      %dma_wait3A_711 = tpu.memref_slice %arg3[%dma_wait3A_706, %dma_wait3A_710] : memref<2x320000xi32, #tpu.memory_space<hbm>> -> memref<1x128xi32, #tpu.memory_space<hbm>>
      %dma_wait3A_712 = tpu.memref_squeeze %dma_wait3A_711 : memref<1x128xi32, #tpu.memory_space<hbm>> -> memref<128xi32, #tpu.memory_space<hbm>>
      tpu.wait_dma2 semaphore(%arg26 : memref<!tpu.dma_semaphore, #tpu.memory_space<semaphore_mem>>) src(%dma_wait3A_712 : memref<128xi32, #tpu.memory_space<hbm>>) dst(%arg10 : memref<128xi32, #tpu.memory_space<vmem>>)
      %dma_wait3A_713 = arith.constant 0 : i32
      %dma_wait3A_714 = arith.constant 0 : i32
      %dma_wait3A_715 = tpu.memref_slice %arg3[%dma_wait3A_713, %dma_wait3A_714] : memref<2x320000xi32, #tpu.memory_space<hbm>> -> memref<1x128xi32, #tpu.memory_space<hbm>>
      %dma_wait3A_716 = tpu.memref_squeeze %dma_wait3A_715 : memref<1x128xi32, #tpu.memory_space<hbm>> -> memref<128xi32, #tpu.memory_space<hbm>>
      %dma_wait3A_717 = arith.constant 0 : i32
      %dma_wait3A_718 = tpu.memref_slice %arg3[%dma_wait3A_713, %dma_wait3A_717] : memref<2x320000xi32, #tpu.memory_space<hbm>> -> memref<1x128xi32, #tpu.memory_space<hbm>>
      %dma_wait3A_719 = tpu.memref_squeeze %dma_wait3A_718 : memref<1x128xi32, #tpu.memory_space<hbm>> -> memref<128xi32, #tpu.memory_space<hbm>>
      tpu.wait_dma2 semaphore(%arg27 : memref<!tpu.dma_semaphore, #tpu.memory_space<semaphore_mem>>) src(%dma_wait3A_719 : memref<128xi32, #tpu.memory_space<hbm>>) dst(%arg11 : memref<128xi32, #tpu.memory_space<vmem>>)
      %dma_start3A_720 = arith.constant 0 : i32
      %dma_start3A_721 = arith.constant 0 : i32
      %dma_start3A_722 = tpu.memref_slice %arg17[%dma_start3A_720, %dma_start3A_721] : memref<128x128xf32, #tpu.memory_space<vmem>> -> memref<64x128xf32, #tpu.memory_space<vmem>>
      %dma_start3A_723 = arith.constant 0 : i32
      %dma_start3A_724 = tpu.memref_slice %arg10[%dma_start3A_723] : memref<128xi32, #tpu.memory_space<vmem>> -> memref<64xi32, #tpu.memory_space<vmem>>
      %dma_start3A_725 = arith.constant 0 : i32
      %dma_start3A_726 = arith.constant 0 : i32
      %dma_start3A_727 = tpu.memref_slice %arg2[%dma_start3A_725, %dma_start3A_726] : memref<10000x128xf32, #tpu.memory_space<hbm>> -> memref<10000x128xf32, #tpu.memory_space<hbm>>
      tpu.enqueue_indirect_dma source(%dma_start3A_727 : memref<10000x128xf32, #tpu.memory_space<hbm>>) target(%dma_start3A_722 : memref<64x128xf32, #tpu.memory_space<vmem>>) offsets(%dma_start3A_724 : memref<64xi32, #tpu.memory_space<vmem>>) semaphore(%arg20 : memref<!tpu.dma_semaphore, #tpu.memory_space<semaphore_mem>>)
      %dma_start3A_728 = arith.constant 64 : i32
      %dma_start3A_729 = arith.constant 0 : i32
      %dma_start3A_730 = tpu.memref_slice %arg17[%dma_start3A_728, %dma_start3A_729] : memref<128x128xf32, #tpu.memory_space<vmem>> -> memref<64x128xf32, #tpu.memory_space<vmem>>
      %dma_start3A_731 = arith.constant 64 : i32
      %dma_start3A_732 = tpu.memref_slice %arg10[%dma_start3A_731] : memref<128xi32, #tpu.memory_space<vmem>> -> memref<64xi32, #tpu.memory_space<vmem>>
      %dma_start3A_733 = arith.constant 0 : i32
      %dma_start3A_734 = arith.constant 0 : i32
      %dma_start3A_735 = tpu.memref_slice %arg2[%dma_start3A_733, %dma_start3A_734] : memref<10000x128xf32, #tpu.memory_space<hbm>> -> memref<10000x128xf32, #tpu.memory_space<hbm>>
      tpu.enqueue_indirect_dma source(%dma_start3A_735 : memref<10000x128xf32, #tpu.memory_space<hbm>>) target(%dma_start3A_730 : memref<64x128xf32, #tpu.memory_space<vmem>>) offsets(%dma_start3A_732 : memref<64xi32, #tpu.memory_space<vmem>>) semaphore(%arg20 : memref<!tpu.dma_semaphore, #tpu.memory_space<semaphore_mem>>)
      %dma_wait3A_736 = arith.constant 0 : i32
      %dma_wait3A_737 = arith.constant 0 : i32
      %dma_wait3A_738 = tpu.memref_slice %arg2[%dma_wait3A_736, %dma_wait3A_737] : memref<10000x128xf32, #tpu.memory_space<hbm>> -> memref<128x128xf32, #tpu.memory_space<hbm>>
      %dma_wait3A_739 = arith.constant 0 : i32
      %dma_wait3A_740 = arith.constant 0 : i32
      %dma_wait3A_741 = tpu.memref_slice %arg2[%dma_wait3A_739, %dma_wait3A_740] : memref<10000x128xf32, #tpu.memory_space<hbm>> -> memref<128x128xf32, #tpu.memory_space<hbm>>
      tpu.wait_dma2 semaphore(%arg19 : memref<!tpu.dma_semaphore, #tpu.memory_space<semaphore_mem>>) src(%dma_wait3A_741 : memref<128x128xf32, #tpu.memory_space<hbm>>) dst(%arg16 : memref<128x128xf32, #tpu.memory_space<vmem>>)
      %dma_start3A_742 = arith.constant 0 : i32
      %dma_start3A_743 = arith.constant 0 : i32
      %dma_start3A_744 = tpu.memref_slice %arg7[%dma_start3A_742, %dma_start3A_743] : memref<10112x128xf32, #tpu.memory_space<vmem_shared>> -> memref<10112x128xf32, #tpu.memory_space<vmem_shared>>
      tpu.enqueue_indirect_dma source(%arg16 : memref<128x128xf32, #tpu.memory_space<vmem>>) target(%dma_start3A_744 : memref<10112x128xf32, #tpu.memory_space<vmem_shared>>) offsets(%arg14 : memref<128xi32, #tpu.memory_space<vmem>>) semaphore(%arg22 : memref<!tpu.dma_semaphore, #tpu.memory_space<semaphore_mem>>) {add = true}
      %add3A_745 = arith.constant 6 : i32
      %add3A_746 = arith.addi %add3A_372, %add3A_745 : i32
      %dma_wait3A_747 = arith.constant 0 : i32
      %dma_wait3A_748 = arith.constant 0 : i32
      %dma_wait3A_749 = tpu.memref_slice %arg2[%dma_wait3A_747, %dma_wait3A_748] : memref<10000x128xf32, #tpu.memory_space<hbm>> -> memref<128x128xf32, #tpu.memory_space<hbm>>
      %dma_wait3A_750 = arith.constant 0 : i32
      %dma_wait3A_751 = arith.constant 0 : i32
      %dma_wait3A_752 = tpu.memref_slice %arg2[%dma_wait3A_750, %dma_wait3A_751] : memref<10000x128xf32, #tpu.memory_space<hbm>> -> memref<128x128xf32, #tpu.memory_space<hbm>>
      tpu.wait_dma2 semaphore(%arg21 : memref<!tpu.dma_semaphore, #tpu.memory_space<semaphore_mem>>) src(%dma_wait3A_752 : memref<128x128xf32, #tpu.memory_space<hbm>>) dst(%arg15 : memref<128x128xf32, #tpu.memory_space<vmem>>)
      %add3A_753 = arith.constant 2 : i32
      %add3A_754 = arith.addi %add3A_746, %add3A_753 : i32
      %mul3A_755 = arith.constant 128 : i32
      %mul3A_756 = arith.muli %add3A_754, %mul3A_755 : i32
      %add3A_757 = arith.addi %mul3A_2, %mul3A_756 : i32
      %dma_start3A_758 = arith.constant 0 : i32
      %dma_start3A_759 = tpu.memref_slice %arg3[%dma_start3A_758, %add3A_757] : memref<2x320000xi32, #tpu.memory_space<hbm>> -> memref<1x128xi32, #tpu.memory_space<hbm>>
      %dma_start3A_760 = tpu.memref_squeeze %dma_start3A_759 : memref<1x128xi32, #tpu.memory_space<hbm>> -> memref<128xi32, #tpu.memory_space<hbm>>
      %dma_start3A_761 = tpu.memref_slice %arg3[%dma_start3A_758, %add3A_757] : memref<2x320000xi32, #tpu.memory_space<hbm>> -> memref<1x128xi32, #tpu.memory_space<hbm>>
      %dma_start3A_762 = tpu.memref_squeeze %dma_start3A_761 : memref<1x128xi32, #tpu.memory_space<hbm>> -> memref<128xi32, #tpu.memory_space<hbm>>
      tpu.enqueue_dma source(%dma_start3A_762 : memref<128xi32, #tpu.memory_space<hbm>>) target(%arg9 : memref<128xi32, #tpu.memory_space<vmem>>) target_semaphore(%arg25 : memref<!tpu.dma_semaphore, #tpu.memory_space<semaphore_mem>>)
      %dma_start3A_763 = arith.constant 1 : i32
      %dma_start3A_764 = tpu.memref_slice %arg3[%dma_start3A_763, %add3A_757] : memref<2x320000xi32, #tpu.memory_space<hbm>> -> memref<1x128xi32, #tpu.memory_space<hbm>>
      %dma_start3A_765 = tpu.memref_squeeze %dma_start3A_764 : memref<1x128xi32, #tpu.memory_space<hbm>> -> memref<128xi32, #tpu.memory_space<hbm>>
      %dma_start3A_766 = tpu.memref_slice %arg3[%dma_start3A_763, %add3A_757] : memref<2x320000xi32, #tpu.memory_space<hbm>> -> memref<1x128xi32, #tpu.memory_space<hbm>>
      %dma_start3A_767 = tpu.memref_squeeze %dma_start3A_766 : memref<1x128xi32, #tpu.memory_space<hbm>> -> memref<128xi32, #tpu.memory_space<hbm>>
      tpu.enqueue_dma source(%dma_start3A_767 : memref<128xi32, #tpu.memory_space<hbm>>) target(%arg13 : memref<128xi32, #tpu.memory_space<vmem>>) target_semaphore(%arg29 : memref<!tpu.dma_semaphore, #tpu.memory_space<semaphore_mem>>)
      %dma_wait3A_768 = arith.constant 0 : i32
      %dma_wait3A_769 = arith.constant 0 : i32
      %dma_wait3A_770 = tpu.memref_slice %arg3[%dma_wait3A_768, %dma_wait3A_769] : memref<2x320000xi32, #tpu.memory_space<hbm>> -> memref<1x128xi32, #tpu.memory_space<hbm>>
      %dma_wait3A_771 = tpu.memref_squeeze %dma_wait3A_770 : memref<1x128xi32, #tpu.memory_space<hbm>> -> memref<128xi32, #tpu.memory_space<hbm>>
      %dma_wait3A_772 = arith.constant 0 : i32
      %dma_wait3A_773 = tpu.memref_slice %arg3[%dma_wait3A_768, %dma_wait3A_772] : memref<2x320000xi32, #tpu.memory_space<hbm>> -> memref<1x128xi32, #tpu.memory_space<hbm>>
      %dma_wait3A_774 = tpu.memref_squeeze %dma_wait3A_773 : memref<1x128xi32, #tpu.memory_space<hbm>> -> memref<128xi32, #tpu.memory_space<hbm>>
      tpu.wait_dma2 semaphore(%arg24 : memref<!tpu.dma_semaphore, #tpu.memory_space<semaphore_mem>>) src(%dma_wait3A_774 : memref<128xi32, #tpu.memory_space<hbm>>) dst(%arg8 : memref<128xi32, #tpu.memory_space<vmem>>)
      %dma_wait3A_775 = arith.constant 0 : i32
      %dma_wait3A_776 = arith.constant 0 : i32
      %dma_wait3A_777 = tpu.memref_slice %arg3[%dma_wait3A_775, %dma_wait3A_776] : memref<2x320000xi32, #tpu.memory_space<hbm>> -> memref<1x128xi32, #tpu.memory_space<hbm>>
      %dma_wait3A_778 = tpu.memref_squeeze %dma_wait3A_777 : memref<1x128xi32, #tpu.memory_space<hbm>> -> memref<128xi32, #tpu.memory_space<hbm>>
      %dma_wait3A_779 = arith.constant 0 : i32
      %dma_wait3A_780 = tpu.memref_slice %arg3[%dma_wait3A_775, %dma_wait3A_779] : memref<2x320000xi32, #tpu.memory_space<hbm>> -> memref<1x128xi32, #tpu.memory_space<hbm>>
      %dma_wait3A_781 = tpu.memref_squeeze %dma_wait3A_780 : memref<1x128xi32, #tpu.memory_space<hbm>> -> memref<128xi32, #tpu.memory_space<hbm>>
      tpu.wait_dma2 semaphore(%arg28 : memref<!tpu.dma_semaphore, #tpu.memory_space<semaphore_mem>>) src(%dma_wait3A_781 : memref<128xi32, #tpu.memory_space<hbm>>) dst(%arg12 : memref<128xi32, #tpu.memory_space<vmem>>)
      %dma_start3A_782 = arith.constant 0 : i32
      %dma_start3A_783 = arith.constant 0 : i32
      %dma_start3A_784 = tpu.memref_slice %arg15[%dma_start3A_782, %dma_start3A_783] : memref<128x128xf32, #tpu.memory_space<vmem>> -> memref<64x128xf32, #tpu.memory_space<vmem>>
      %dma_start3A_785 = arith.constant 0 : i32
      %dma_start3A_786 = tpu.memref_slice %arg8[%dma_start3A_785] : memref<128xi32, #tpu.memory_space<vmem>> -> memref<64xi32, #tpu.memory_space<vmem>>
      %dma_start3A_787 = arith.constant 0 : i32
      %dma_start3A_788 = arith.constant 0 : i32
      %dma_start3A_789 = tpu.memref_slice %arg2[%dma_start3A_787, %dma_start3A_788] : memref<10000x128xf32, #tpu.memory_space<hbm>> -> memref<10000x128xf32, #tpu.memory_space<hbm>>
      tpu.enqueue_indirect_dma source(%dma_start3A_789 : memref<10000x128xf32, #tpu.memory_space<hbm>>) target(%dma_start3A_784 : memref<64x128xf32, #tpu.memory_space<vmem>>) offsets(%dma_start3A_786 : memref<64xi32, #tpu.memory_space<vmem>>) semaphore(%arg18 : memref<!tpu.dma_semaphore, #tpu.memory_space<semaphore_mem>>)
      %dma_start3A_790 = arith.constant 64 : i32
      %dma_start3A_791 = arith.constant 0 : i32
      %dma_start3A_792 = tpu.memref_slice %arg15[%dma_start3A_790, %dma_start3A_791] : memref<128x128xf32, #tpu.memory_space<vmem>> -> memref<64x128xf32, #tpu.memory_space<vmem>>
      %dma_start3A_793 = arith.constant 64 : i32
      %dma_start3A_794 = tpu.memref_slice %arg8[%dma_start3A_793] : memref<128xi32, #tpu.memory_space<vmem>> -> memref<64xi32, #tpu.memory_space<vmem>>
      %dma_start3A_795 = arith.constant 0 : i32
      %dma_start3A_796 = arith.constant 0 : i32
      %dma_start3A_797 = tpu.memref_slice %arg2[%dma_start3A_795, %dma_start3A_796] : memref<10000x128xf32, #tpu.memory_space<hbm>> -> memref<10000x128xf32, #tpu.memory_space<hbm>>
      tpu.enqueue_indirect_dma source(%dma_start3A_797 : memref<10000x128xf32, #tpu.memory_space<hbm>>) target(%dma_start3A_792 : memref<64x128xf32, #tpu.memory_space<vmem>>) offsets(%dma_start3A_794 : memref<64xi32, #tpu.memory_space<vmem>>) semaphore(%arg18 : memref<!tpu.dma_semaphore, #tpu.memory_space<semaphore_mem>>)
      %dma_wait3A_798 = arith.constant 0 : i32
      %dma_wait3A_799 = arith.constant 0 : i32
      %dma_wait3A_800 = tpu.memref_slice %arg2[%dma_wait3A_798, %dma_wait3A_799] : memref<10000x128xf32, #tpu.memory_space<hbm>> -> memref<128x128xf32, #tpu.memory_space<hbm>>
      %dma_wait3A_801 = arith.constant 0 : i32
      %dma_wait3A_802 = arith.constant 0 : i32
      %dma_wait3A_803 = tpu.memref_slice %arg2[%dma_wait3A_801, %dma_wait3A_802] : memref<10000x128xf32, #tpu.memory_space<hbm>> -> memref<128x128xf32, #tpu.memory_space<hbm>>
      tpu.wait_dma2 semaphore(%arg20 : memref<!tpu.dma_semaphore, #tpu.memory_space<semaphore_mem>>) src(%dma_wait3A_803 : memref<128x128xf32, #tpu.memory_space<hbm>>) dst(%arg17 : memref<128x128xf32, #tpu.memory_space<vmem>>)
      %dma_start3A_804 = arith.constant 0 : i32
      %dma_start3A_805 = arith.constant 0 : i32
      %dma_start3A_806 = tpu.memref_slice %arg7[%dma_start3A_804, %dma_start3A_805] : memref<10112x128xf32, #tpu.memory_space<vmem_shared>> -> memref<10112x128xf32, #tpu.memory_space<vmem_shared>>
      tpu.enqueue_indirect_dma source(%arg17 : memref<128x128xf32, #tpu.memory_space<vmem>>) target(%dma_start3A_806 : memref<10112x128xf32, #tpu.memory_space<vmem_shared>>) offsets(%arg11 : memref<128xi32, #tpu.memory_space<vmem>>) semaphore(%arg23 : memref<!tpu.dma_semaphore, #tpu.memory_space<semaphore_mem>>) {add = true}
      %add3A_807 = arith.constant 7 : i32
      %add3A_808 = arith.addi %add3A_372, %add3A_807 : i32
      %dma_wait3A_809 = arith.constant 0 : i32
      %dma_wait3A_810 = arith.constant 0 : i32
      %dma_wait3A_811 = tpu.memref_slice %arg2[%dma_wait3A_809, %dma_wait3A_810] : memref<10000x128xf32, #tpu.memory_space<hbm>> -> memref<128x128xf32, #tpu.memory_space<hbm>>
      %dma_wait3A_812 = arith.constant 0 : i32
      %dma_wait3A_813 = arith.constant 0 : i32
      %dma_wait3A_814 = tpu.memref_slice %arg2[%dma_wait3A_812, %dma_wait3A_813] : memref<10000x128xf32, #tpu.memory_space<hbm>> -> memref<128x128xf32, #tpu.memory_space<hbm>>
      tpu.wait_dma2 semaphore(%arg22 : memref<!tpu.dma_semaphore, #tpu.memory_space<semaphore_mem>>) src(%dma_wait3A_814 : memref<128x128xf32, #tpu.memory_space<hbm>>) dst(%arg16 : memref<128x128xf32, #tpu.memory_space<vmem>>)
      %add3A_815 = arith.constant 2 : i32
      %add3A_816 = arith.addi %add3A_808, %add3A_815 : i32
      %mul3A_817 = arith.constant 128 : i32
      %mul3A_818 = arith.muli %add3A_816, %mul3A_817 : i32
      %add3A_819 = arith.addi %mul3A_2, %mul3A_818 : i32
      %dma_start3A_820 = arith.constant 0 : i32
      %dma_start3A_821 = tpu.memref_slice %arg3[%dma_start3A_820, %add3A_819] : memref<2x320000xi32, #tpu.memory_space<hbm>> -> memref<1x128xi32, #tpu.memory_space<hbm>>
      %dma_start3A_822 = tpu.memref_squeeze %dma_start3A_821 : memref<1x128xi32, #tpu.memory_space<hbm>> -> memref<128xi32, #tpu.memory_space<hbm>>
      %dma_start3A_823 = tpu.memref_slice %arg3[%dma_start3A_820, %add3A_819] : memref<2x320000xi32, #tpu.memory_space<hbm>> -> memref<1x128xi32, #tpu.memory_space<hbm>>
      %dma_start3A_824 = tpu.memref_squeeze %dma_start3A_823 : memref<1x128xi32, #tpu.memory_space<hbm>> -> memref<128xi32, #tpu.memory_space<hbm>>
      tpu.enqueue_dma source(%dma_start3A_824 : memref<128xi32, #tpu.memory_space<hbm>>) target(%arg10 : memref<128xi32, #tpu.memory_space<vmem>>) target_semaphore(%arg26 : memref<!tpu.dma_semaphore, #tpu.memory_space<semaphore_mem>>)
      %dma_start3A_825 = arith.constant 1 : i32
      %dma_start3A_826 = tpu.memref_slice %arg3[%dma_start3A_825, %add3A_819] : memref<2x320000xi32, #tpu.memory_space<hbm>> -> memref<1x128xi32, #tpu.memory_space<hbm>>
      %dma_start3A_827 = tpu.memref_squeeze %dma_start3A_826 : memref<1x128xi32, #tpu.memory_space<hbm>> -> memref<128xi32, #tpu.memory_space<hbm>>
      %dma_start3A_828 = tpu.memref_slice %arg3[%dma_start3A_825, %add3A_819] : memref<2x320000xi32, #tpu.memory_space<hbm>> -> memref<1x128xi32, #tpu.memory_space<hbm>>
      %dma_start3A_829 = tpu.memref_squeeze %dma_start3A_828 : memref<1x128xi32, #tpu.memory_space<hbm>> -> memref<128xi32, #tpu.memory_space<hbm>>
      tpu.enqueue_dma source(%dma_start3A_829 : memref<128xi32, #tpu.memory_space<hbm>>) target(%arg14 : memref<128xi32, #tpu.memory_space<vmem>>) target_semaphore(%arg30 : memref<!tpu.dma_semaphore, #tpu.memory_space<semaphore_mem>>)
      %dma_wait3A_830 = arith.constant 0 : i32
      %dma_wait3A_831 = arith.constant 0 : i32
      %dma_wait3A_832 = tpu.memref_slice %arg3[%dma_wait3A_830, %dma_wait3A_831] : memref<2x320000xi32, #tpu.memory_space<hbm>> -> memref<1x128xi32, #tpu.memory_space<hbm>>
      %dma_wait3A_833 = tpu.memref_squeeze %dma_wait3A_832 : memref<1x128xi32, #tpu.memory_space<hbm>> -> memref<128xi32, #tpu.memory_space<hbm>>
      %dma_wait3A_834 = arith.constant 0 : i32
      %dma_wait3A_835 = tpu.memref_slice %arg3[%dma_wait3A_830, %dma_wait3A_834] : memref<2x320000xi32, #tpu.memory_space<hbm>> -> memref<1x128xi32, #tpu.memory_space<hbm>>
      %dma_wait3A_836 = tpu.memref_squeeze %dma_wait3A_835 : memref<1x128xi32, #tpu.memory_space<hbm>> -> memref<128xi32, #tpu.memory_space<hbm>>
      tpu.wait_dma2 semaphore(%arg25 : memref<!tpu.dma_semaphore, #tpu.memory_space<semaphore_mem>>) src(%dma_wait3A_836 : memref<128xi32, #tpu.memory_space<hbm>>) dst(%arg9 : memref<128xi32, #tpu.memory_space<vmem>>)
      %dma_wait3A_837 = arith.constant 0 : i32
      %dma_wait3A_838 = arith.constant 0 : i32
      %dma_wait3A_839 = tpu.memref_slice %arg3[%dma_wait3A_837, %dma_wait3A_838] : memref<2x320000xi32, #tpu.memory_space<hbm>> -> memref<1x128xi32, #tpu.memory_space<hbm>>
      %dma_wait3A_840 = tpu.memref_squeeze %dma_wait3A_839 : memref<1x128xi32, #tpu.memory_space<hbm>> -> memref<128xi32, #tpu.memory_space<hbm>>
      %dma_wait3A_841 = arith.constant 0 : i32
      %dma_wait3A_842 = tpu.memref_slice %arg3[%dma_wait3A_837, %dma_wait3A_841] : memref<2x320000xi32, #tpu.memory_space<hbm>> -> memref<1x128xi32, #tpu.memory_space<hbm>>
      %dma_wait3A_843 = tpu.memref_squeeze %dma_wait3A_842 : memref<1x128xi32, #tpu.memory_space<hbm>> -> memref<128xi32, #tpu.memory_space<hbm>>
      tpu.wait_dma2 semaphore(%arg29 : memref<!tpu.dma_semaphore, #tpu.memory_space<semaphore_mem>>) src(%dma_wait3A_843 : memref<128xi32, #tpu.memory_space<hbm>>) dst(%arg13 : memref<128xi32, #tpu.memory_space<vmem>>)
      %dma_start3A_844 = arith.constant 0 : i32
      %dma_start3A_845 = arith.constant 0 : i32
      %dma_start3A_846 = tpu.memref_slice %arg16[%dma_start3A_844, %dma_start3A_845] : memref<128x128xf32, #tpu.memory_space<vmem>> -> memref<64x128xf32, #tpu.memory_space<vmem>>
      %dma_start3A_847 = arith.constant 0 : i32
      %dma_start3A_848 = tpu.memref_slice %arg9[%dma_start3A_847] : memref<128xi32, #tpu.memory_space<vmem>> -> memref<64xi32, #tpu.memory_space<vmem>>
      %dma_start3A_849 = arith.constant 0 : i32
      %dma_start3A_850 = arith.constant 0 : i32
      %dma_start3A_851 = tpu.memref_slice %arg2[%dma_start3A_849, %dma_start3A_850] : memref<10000x128xf32, #tpu.memory_space<hbm>> -> memref<10000x128xf32, #tpu.memory_space<hbm>>
      tpu.enqueue_indirect_dma source(%dma_start3A_851 : memref<10000x128xf32, #tpu.memory_space<hbm>>) target(%dma_start3A_846 : memref<64x128xf32, #tpu.memory_space<vmem>>) offsets(%dma_start3A_848 : memref<64xi32, #tpu.memory_space<vmem>>) semaphore(%arg19 : memref<!tpu.dma_semaphore, #tpu.memory_space<semaphore_mem>>)
      %dma_start3A_852 = arith.constant 64 : i32
      %dma_start3A_853 = arith.constant 0 : i32
      %dma_start3A_854 = tpu.memref_slice %arg16[%dma_start3A_852, %dma_start3A_853] : memref<128x128xf32, #tpu.memory_space<vmem>> -> memref<64x128xf32, #tpu.memory_space<vmem>>
      %dma_start3A_855 = arith.constant 64 : i32
      %dma_start3A_856 = tpu.memref_slice %arg9[%dma_start3A_855] : memref<128xi32, #tpu.memory_space<vmem>> -> memref<64xi32, #tpu.memory_space<vmem>>
      %dma_start3A_857 = arith.constant 0 : i32
      %dma_start3A_858 = arith.constant 0 : i32
      %dma_start3A_859 = tpu.memref_slice %arg2[%dma_start3A_857, %dma_start3A_858] : memref<10000x128xf32, #tpu.memory_space<hbm>> -> memref<10000x128xf32, #tpu.memory_space<hbm>>
      tpu.enqueue_indirect_dma source(%dma_start3A_859 : memref<10000x128xf32, #tpu.memory_space<hbm>>) target(%dma_start3A_854 : memref<64x128xf32, #tpu.memory_space<vmem>>) offsets(%dma_start3A_856 : memref<64xi32, #tpu.memory_space<vmem>>) semaphore(%arg19 : memref<!tpu.dma_semaphore, #tpu.memory_space<semaphore_mem>>)
      %dma_wait3A_860 = arith.constant 0 : i32
      %dma_wait3A_861 = arith.constant 0 : i32
      %dma_wait3A_862 = tpu.memref_slice %arg2[%dma_wait3A_860, %dma_wait3A_861] : memref<10000x128xf32, #tpu.memory_space<hbm>> -> memref<128x128xf32, #tpu.memory_space<hbm>>
      %dma_wait3A_863 = arith.constant 0 : i32
      %dma_wait3A_864 = arith.constant 0 : i32
      %dma_wait3A_865 = tpu.memref_slice %arg2[%dma_wait3A_863, %dma_wait3A_864] : memref<10000x128xf32, #tpu.memory_space<hbm>> -> memref<128x128xf32, #tpu.memory_space<hbm>>
      tpu.wait_dma2 semaphore(%arg18 : memref<!tpu.dma_semaphore, #tpu.memory_space<semaphore_mem>>) src(%dma_wait3A_865 : memref<128x128xf32, #tpu.memory_space<hbm>>) dst(%arg15 : memref<128x128xf32, #tpu.memory_space<vmem>>)
      %dma_start3A_866 = arith.constant 0 : i32
      %dma_start3A_867 = arith.constant 0 : i32
      %dma_start3A_868 = tpu.memref_slice %arg7[%dma_start3A_866, %dma_start3A_867] : memref<10112x128xf32, #tpu.memory_space<vmem_shared>> -> memref<10112x128xf32, #tpu.memory_space<vmem_shared>>
      tpu.enqueue_indirect_dma source(%arg15 : memref<128x128xf32, #tpu.memory_space<vmem>>) target(%dma_start3A_868 : memref<10112x128xf32, #tpu.memory_space<vmem_shared>>) offsets(%arg12 : memref<128xi32, #tpu.memory_space<vmem>>) semaphore(%arg21 : memref<!tpu.dma_semaphore, #tpu.memory_space<semaphore_mem>>) {add = true}
      %add3A_869 = arith.constant 8 : i32
      %add3A_870 = arith.addi %add3A_372, %add3A_869 : i32
      %dma_wait3A_871 = arith.constant 0 : i32
      %dma_wait3A_872 = arith.constant 0 : i32
      %dma_wait3A_873 = tpu.memref_slice %arg2[%dma_wait3A_871, %dma_wait3A_872] : memref<10000x128xf32, #tpu.memory_space<hbm>> -> memref<128x128xf32, #tpu.memory_space<hbm>>
      %dma_wait3A_874 = arith.constant 0 : i32
      %dma_wait3A_875 = arith.constant 0 : i32
      %dma_wait3A_876 = tpu.memref_slice %arg2[%dma_wait3A_874, %dma_wait3A_875] : memref<10000x128xf32, #tpu.memory_space<hbm>> -> memref<128x128xf32, #tpu.memory_space<hbm>>
      tpu.wait_dma2 semaphore(%arg23 : memref<!tpu.dma_semaphore, #tpu.memory_space<semaphore_mem>>) src(%dma_wait3A_876 : memref<128x128xf32, #tpu.memory_space<hbm>>) dst(%arg17 : memref<128x128xf32, #tpu.memory_space<vmem>>)
      %add3A_877 = arith.constant 2 : i32
      %add3A_878 = arith.addi %add3A_870, %add3A_877 : i32
      %mul3A_879 = arith.constant 128 : i32
      %mul3A_880 = arith.muli %add3A_878, %mul3A_879 : i32
      %add3A_881 = arith.addi %mul3A_2, %mul3A_880 : i32
      %dma_start3A_882 = arith.constant 0 : i32
      %dma_start3A_883 = tpu.memref_slice %arg3[%dma_start3A_882, %add3A_881] : memref<2x320000xi32, #tpu.memory_space<hbm>> -> memref<1x128xi32, #tpu.memory_space<hbm>>
      %dma_start3A_884 = tpu.memref_squeeze %dma_start3A_883 : memref<1x128xi32, #tpu.memory_space<hbm>> -> memref<128xi32, #tpu.memory_space<hbm>>
      %dma_start3A_885 = tpu.memref_slice %arg3[%dma_start3A_882, %add3A_881] : memref<2x320000xi32, #tpu.memory_space<hbm>> -> memref<1x128xi32, #tpu.memory_space<hbm>>
      %dma_start3A_886 = tpu.memref_squeeze %dma_start3A_885 : memref<1x128xi32, #tpu.memory_space<hbm>> -> memref<128xi32, #tpu.memory_space<hbm>>
      tpu.enqueue_dma source(%dma_start3A_886 : memref<128xi32, #tpu.memory_space<hbm>>) target(%arg8 : memref<128xi32, #tpu.memory_space<vmem>>) target_semaphore(%arg24 : memref<!tpu.dma_semaphore, #tpu.memory_space<semaphore_mem>>)
      %dma_start3A_887 = arith.constant 1 : i32
      %dma_start3A_888 = tpu.memref_slice %arg3[%dma_start3A_887, %add3A_881] : memref<2x320000xi32, #tpu.memory_space<hbm>> -> memref<1x128xi32, #tpu.memory_space<hbm>>
      %dma_start3A_889 = tpu.memref_squeeze %dma_start3A_888 : memref<1x128xi32, #tpu.memory_space<hbm>> -> memref<128xi32, #tpu.memory_space<hbm>>
      %dma_start3A_890 = tpu.memref_slice %arg3[%dma_start3A_887, %add3A_881] : memref<2x320000xi32, #tpu.memory_space<hbm>> -> memref<1x128xi32, #tpu.memory_space<hbm>>
      %dma_start3A_891 = tpu.memref_squeeze %dma_start3A_890 : memref<1x128xi32, #tpu.memory_space<hbm>> -> memref<128xi32, #tpu.memory_space<hbm>>
      tpu.enqueue_dma source(%dma_start3A_891 : memref<128xi32, #tpu.memory_space<hbm>>) target(%arg11 : memref<128xi32, #tpu.memory_space<vmem>>) target_semaphore(%arg27 : memref<!tpu.dma_semaphore, #tpu.memory_space<semaphore_mem>>)
      %dma_wait3A_892 = arith.constant 0 : i32
      %dma_wait3A_893 = arith.constant 0 : i32
      %dma_wait3A_894 = tpu.memref_slice %arg3[%dma_wait3A_892, %dma_wait3A_893] : memref<2x320000xi32, #tpu.memory_space<hbm>> -> memref<1x128xi32, #tpu.memory_space<hbm>>
      %dma_wait3A_895 = tpu.memref_squeeze %dma_wait3A_894 : memref<1x128xi32, #tpu.memory_space<hbm>> -> memref<128xi32, #tpu.memory_space<hbm>>
      %dma_wait3A_896 = arith.constant 0 : i32
      %dma_wait3A_897 = tpu.memref_slice %arg3[%dma_wait3A_892, %dma_wait3A_896] : memref<2x320000xi32, #tpu.memory_space<hbm>> -> memref<1x128xi32, #tpu.memory_space<hbm>>
      %dma_wait3A_898 = tpu.memref_squeeze %dma_wait3A_897 : memref<1x128xi32, #tpu.memory_space<hbm>> -> memref<128xi32, #tpu.memory_space<hbm>>
      tpu.wait_dma2 semaphore(%arg26 : memref<!tpu.dma_semaphore, #tpu.memory_space<semaphore_mem>>) src(%dma_wait3A_898 : memref<128xi32, #tpu.memory_space<hbm>>) dst(%arg10 : memref<128xi32, #tpu.memory_space<vmem>>)
      %dma_wait3A_899 = arith.constant 0 : i32
      %dma_wait3A_900 = arith.constant 0 : i32
      %dma_wait3A_901 = tpu.memref_slice %arg3[%dma_wait3A_899, %dma_wait3A_900] : memref<2x320000xi32, #tpu.memory_space<hbm>> -> memref<1x128xi32, #tpu.memory_space<hbm>>
      %dma_wait3A_902 = tpu.memref_squeeze %dma_wait3A_901 : memref<1x128xi32, #tpu.memory_space<hbm>> -> memref<128xi32, #tpu.memory_space<hbm>>
      %dma_wait3A_903 = arith.constant 0 : i32
      %dma_wait3A_904 = tpu.memref_slice %arg3[%dma_wait3A_899, %dma_wait3A_903] : memref<2x320000xi32, #tpu.memory_space<hbm>> -> memref<1x128xi32, #tpu.memory_space<hbm>>
      %dma_wait3A_905 = tpu.memref_squeeze %dma_wait3A_904 : memref<1x128xi32, #tpu.memory_space<hbm>> -> memref<128xi32, #tpu.memory_space<hbm>>
      tpu.wait_dma2 semaphore(%arg30 : memref<!tpu.dma_semaphore, #tpu.memory_space<semaphore_mem>>) src(%dma_wait3A_905 : memref<128xi32, #tpu.memory_space<hbm>>) dst(%arg14 : memref<128xi32, #tpu.memory_space<vmem>>)
      %dma_start3A_906 = arith.constant 0 : i32
      %dma_start3A_907 = arith.constant 0 : i32
      %dma_start3A_908 = tpu.memref_slice %arg17[%dma_start3A_906, %dma_start3A_907] : memref<128x128xf32, #tpu.memory_space<vmem>> -> memref<64x128xf32, #tpu.memory_space<vmem>>
      %dma_start3A_909 = arith.constant 0 : i32
      %dma_start3A_910 = tpu.memref_slice %arg10[%dma_start3A_909] : memref<128xi32, #tpu.memory_space<vmem>> -> memref<64xi32, #tpu.memory_space<vmem>>
      %dma_start3A_911 = arith.constant 0 : i32
      %dma_start3A_912 = arith.constant 0 : i32
      %dma_start3A_913 = tpu.memref_slice %arg2[%dma_start3A_911, %dma_start3A_912] : memref<10000x128xf32, #tpu.memory_space<hbm>> -> memref<10000x128xf32, #tpu.memory_space<hbm>>
      tpu.enqueue_indirect_dma source(%dma_start3A_913 : memref<10000x128xf32, #tpu.memory_space<hbm>>) target(%dma_start3A_908 : memref<64x128xf32, #tpu.memory_space<vmem>>) offsets(%dma_start3A_910 : memref<64xi32, #tpu.memory_space<vmem>>) semaphore(%arg20 : memref<!tpu.dma_semaphore, #tpu.memory_space<semaphore_mem>>)
      %dma_start3A_914 = arith.constant 64 : i32
      %dma_start3A_915 = arith.constant 0 : i32
      %dma_start3A_916 = tpu.memref_slice %arg17[%dma_start3A_914, %dma_start3A_915] : memref<128x128xf32, #tpu.memory_space<vmem>> -> memref<64x128xf32, #tpu.memory_space<vmem>>
      %dma_start3A_917 = arith.constant 64 : i32
      %dma_start3A_918 = tpu.memref_slice %arg10[%dma_start3A_917] : memref<128xi32, #tpu.memory_space<vmem>> -> memref<64xi32, #tpu.memory_space<vmem>>
      %dma_start3A_919 = arith.constant 0 : i32
      %dma_start3A_920 = arith.constant 0 : i32
      %dma_start3A_921 = tpu.memref_slice %arg2[%dma_start3A_919, %dma_start3A_920] : memref<10000x128xf32, #tpu.memory_space<hbm>> -> memref<10000x128xf32, #tpu.memory_space<hbm>>
      tpu.enqueue_indirect_dma source(%dma_start3A_921 : memref<10000x128xf32, #tpu.memory_space<hbm>>) target(%dma_start3A_916 : memref<64x128xf32, #tpu.memory_space<vmem>>) offsets(%dma_start3A_918 : memref<64xi32, #tpu.memory_space<vmem>>) semaphore(%arg20 : memref<!tpu.dma_semaphore, #tpu.memory_space<semaphore_mem>>)
      %dma_wait3A_922 = arith.constant 0 : i32
      %dma_wait3A_923 = arith.constant 0 : i32
      %dma_wait3A_924 = tpu.memref_slice %arg2[%dma_wait3A_922, %dma_wait3A_923] : memref<10000x128xf32, #tpu.memory_space<hbm>> -> memref<128x128xf32, #tpu.memory_space<hbm>>
      %dma_wait3A_925 = arith.constant 0 : i32
      %dma_wait3A_926 = arith.constant 0 : i32
      %dma_wait3A_927 = tpu.memref_slice %arg2[%dma_wait3A_925, %dma_wait3A_926] : memref<10000x128xf32, #tpu.memory_space<hbm>> -> memref<128x128xf32, #tpu.memory_space<hbm>>
      tpu.wait_dma2 semaphore(%arg19 : memref<!tpu.dma_semaphore, #tpu.memory_space<semaphore_mem>>) src(%dma_wait3A_927 : memref<128x128xf32, #tpu.memory_space<hbm>>) dst(%arg16 : memref<128x128xf32, #tpu.memory_space<vmem>>)
      %dma_start3A_928 = arith.constant 0 : i32
      %dma_start3A_929 = arith.constant 0 : i32
      %dma_start3A_930 = tpu.memref_slice %arg7[%dma_start3A_928, %dma_start3A_929] : memref<10112x128xf32, #tpu.memory_space<vmem_shared>> -> memref<10112x128xf32, #tpu.memory_space<vmem_shared>>
      tpu.enqueue_indirect_dma source(%arg16 : memref<128x128xf32, #tpu.memory_space<vmem>>) target(%dma_start3A_930 : memref<10112x128xf32, #tpu.memory_space<vmem_shared>>) offsets(%arg13 : memref<128xi32, #tpu.memory_space<vmem>>) semaphore(%arg22 : memref<!tpu.dma_semaphore, #tpu.memory_space<semaphore_mem>>) {add = true}
      %add3A_931 = arith.constant 9 : i32
      %add3A_932 = arith.addi %add3A_372, %add3A_931 : i32
      %dma_wait3A_933 = arith.constant 0 : i32
      %dma_wait3A_934 = arith.constant 0 : i32
      %dma_wait3A_935 = tpu.memref_slice %arg2[%dma_wait3A_933, %dma_wait3A_934] : memref<10000x128xf32, #tpu.memory_space<hbm>> -> memref<128x128xf32, #tpu.memory_space<hbm>>
      %dma_wait3A_936 = arith.constant 0 : i32
      %dma_wait3A_937 = arith.constant 0 : i32
      %dma_wait3A_938 = tpu.memref_slice %arg2[%dma_wait3A_936, %dma_wait3A_937] : memref<10000x128xf32, #tpu.memory_space<hbm>> -> memref<128x128xf32, #tpu.memory_space<hbm>>
      tpu.wait_dma2 semaphore(%arg21 : memref<!tpu.dma_semaphore, #tpu.memory_space<semaphore_mem>>) src(%dma_wait3A_938 : memref<128x128xf32, #tpu.memory_space<hbm>>) dst(%arg15 : memref<128x128xf32, #tpu.memory_space<vmem>>)
      %add3A_939 = arith.constant 2 : i32
      %add3A_940 = arith.addi %add3A_932, %add3A_939 : i32
      %mul3A_941 = arith.constant 128 : i32
      %mul3A_942 = arith.muli %add3A_940, %mul3A_941 : i32
      %add3A_943 = arith.addi %mul3A_2, %mul3A_942 : i32
      %dma_start3A_944 = arith.constant 0 : i32
      %dma_start3A_945 = tpu.memref_slice %arg3[%dma_start3A_944, %add3A_943] : memref<2x320000xi32, #tpu.memory_space<hbm>> -> memref<1x128xi32, #tpu.memory_space<hbm>>
      %dma_start3A_946 = tpu.memref_squeeze %dma_start3A_945 : memref<1x128xi32, #tpu.memory_space<hbm>> -> memref<128xi32, #tpu.memory_space<hbm>>
      %dma_start3A_947 = tpu.memref_slice %arg3[%dma_start3A_944, %add3A_943] : memref<2x320000xi32, #tpu.memory_space<hbm>> -> memref<1x128xi32, #tpu.memory_space<hbm>>
      %dma_start3A_948 = tpu.memref_squeeze %dma_start3A_947 : memref<1x128xi32, #tpu.memory_space<hbm>> -> memref<128xi32, #tpu.memory_space<hbm>>
      tpu.enqueue_dma source(%dma_start3A_948 : memref<128xi32, #tpu.memory_space<hbm>>) target(%arg9 : memref<128xi32, #tpu.memory_space<vmem>>) target_semaphore(%arg25 : memref<!tpu.dma_semaphore, #tpu.memory_space<semaphore_mem>>)
      %dma_start3A_949 = arith.constant 1 : i32
      %dma_start3A_950 = tpu.memref_slice %arg3[%dma_start3A_949, %add3A_943] : memref<2x320000xi32, #tpu.memory_space<hbm>> -> memref<1x128xi32, #tpu.memory_space<hbm>>
      %dma_start3A_951 = tpu.memref_squeeze %dma_start3A_950 : memref<1x128xi32, #tpu.memory_space<hbm>> -> memref<128xi32, #tpu.memory_space<hbm>>
      %dma_start3A_952 = tpu.memref_slice %arg3[%dma_start3A_949, %add3A_943] : memref<2x320000xi32, #tpu.memory_space<hbm>> -> memref<1x128xi32, #tpu.memory_space<hbm>>
      %dma_start3A_953 = tpu.memref_squeeze %dma_start3A_952 : memref<1x128xi32, #tpu.memory_space<hbm>> -> memref<128xi32, #tpu.memory_space<hbm>>
      tpu.enqueue_dma source(%dma_start3A_953 : memref<128xi32, #tpu.memory_space<hbm>>) target(%arg12 : memref<128xi32, #tpu.memory_space<vmem>>) target_semaphore(%arg28 : memref<!tpu.dma_semaphore, #tpu.memory_space<semaphore_mem>>)
      %dma_wait3A_954 = arith.constant 0 : i32
      %dma_wait3A_955 = arith.constant 0 : i32
      %dma_wait3A_956 = tpu.memref_slice %arg3[%dma_wait3A_954, %dma_wait3A_955] : memref<2x320000xi32, #tpu.memory_space<hbm>> -> memref<1x128xi32, #tpu.memory_space<hbm>>
      %dma_wait3A_957 = tpu.memref_squeeze %dma_wait3A_956 : memref<1x128xi32, #tpu.memory_space<hbm>> -> memref<128xi32, #tpu.memory_space<hbm>>
      %dma_wait3A_958 = arith.constant 0 : i32
      %dma_wait3A_959 = tpu.memref_slice %arg3[%dma_wait3A_954, %dma_wait3A_958] : memref<2x320000xi32, #tpu.memory_space<hbm>> -> memref<1x128xi32, #tpu.memory_space<hbm>>
      %dma_wait3A_960 = tpu.memref_squeeze %dma_wait3A_959 : memref<1x128xi32, #tpu.memory_space<hbm>> -> memref<128xi32, #tpu.memory_space<hbm>>
      tpu.wait_dma2 semaphore(%arg24 : memref<!tpu.dma_semaphore, #tpu.memory_space<semaphore_mem>>) src(%dma_wait3A_960 : memref<128xi32, #tpu.memory_space<hbm>>) dst(%arg8 : memref<128xi32, #tpu.memory_space<vmem>>)
      %dma_wait3A_961 = arith.constant 0 : i32
      %dma_wait3A_962 = arith.constant 0 : i32
      %dma_wait3A_963 = tpu.memref_slice %arg3[%dma_wait3A_961, %dma_wait3A_962] : memref<2x320000xi32, #tpu.memory_space<hbm>> -> memref<1x128xi32, #tpu.memory_space<hbm>>
      %dma_wait3A_964 = tpu.memref_squeeze %dma_wait3A_963 : memref<1x128xi32, #tpu.memory_space<hbm>> -> memref<128xi32, #tpu.memory_space<hbm>>
      %dma_wait3A_965 = arith.constant 0 : i32
      %dma_wait3A_966 = tpu.memref_slice %arg3[%dma_wait3A_961, %dma_wait3A_965] : memref<2x320000xi32, #tpu.memory_space<hbm>> -> memref<1x128xi32, #tpu.memory_space<hbm>>
      %dma_wait3A_967 = tpu.memref_squeeze %dma_wait3A_966 : memref<1x128xi32, #tpu.memory_space<hbm>> -> memref<128xi32, #tpu.memory_space<hbm>>
      tpu.wait_dma2 semaphore(%arg27 : memref<!tpu.dma_semaphore, #tpu.memory_space<semaphore_mem>>) src(%dma_wait3A_967 : memref<128xi32, #tpu.memory_space<hbm>>) dst(%arg11 : memref<128xi32, #tpu.memory_space<vmem>>)
      %dma_start3A_968 = arith.constant 0 : i32
      %dma_start3A_969 = arith.constant 0 : i32
      %dma_start3A_970 = tpu.memref_slice %arg15[%dma_start3A_968, %dma_start3A_969] : memref<128x128xf32, #tpu.memory_space<vmem>> -> memref<64x128xf32, #tpu.memory_space<vmem>>
      %dma_start3A_971 = arith.constant 0 : i32
      %dma_start3A_972 = tpu.memref_slice %arg8[%dma_start3A_971] : memref<128xi32, #tpu.memory_space<vmem>> -> memref<64xi32, #tpu.memory_space<vmem>>
      %dma_start3A_973 = arith.constant 0 : i32
      %dma_start3A_974 = arith.constant 0 : i32
      %dma_start3A_975 = tpu.memref_slice %arg2[%dma_start3A_973, %dma_start3A_974] : memref<10000x128xf32, #tpu.memory_space<hbm>> -> memref<10000x128xf32, #tpu.memory_space<hbm>>
      tpu.enqueue_indirect_dma source(%dma_start3A_975 : memref<10000x128xf32, #tpu.memory_space<hbm>>) target(%dma_start3A_970 : memref<64x128xf32, #tpu.memory_space<vmem>>) offsets(%dma_start3A_972 : memref<64xi32, #tpu.memory_space<vmem>>) semaphore(%arg18 : memref<!tpu.dma_semaphore, #tpu.memory_space<semaphore_mem>>)
      %dma_start3A_976 = arith.constant 64 : i32
      %dma_start3A_977 = arith.constant 0 : i32
      %dma_start3A_978 = tpu.memref_slice %arg15[%dma_start3A_976, %dma_start3A_977] : memref<128x128xf32, #tpu.memory_space<vmem>> -> memref<64x128xf32, #tpu.memory_space<vmem>>
      %dma_start3A_979 = arith.constant 64 : i32
      %dma_start3A_980 = tpu.memref_slice %arg8[%dma_start3A_979] : memref<128xi32, #tpu.memory_space<vmem>> -> memref<64xi32, #tpu.memory_space<vmem>>
      %dma_start3A_981 = arith.constant 0 : i32
      %dma_start3A_982 = arith.constant 0 : i32
      %dma_start3A_983 = tpu.memref_slice %arg2[%dma_start3A_981, %dma_start3A_982] : memref<10000x128xf32, #tpu.memory_space<hbm>> -> memref<10000x128xf32, #tpu.memory_space<hbm>>
      tpu.enqueue_indirect_dma source(%dma_start3A_983 : memref<10000x128xf32, #tpu.memory_space<hbm>>) target(%dma_start3A_978 : memref<64x128xf32, #tpu.memory_space<vmem>>) offsets(%dma_start3A_980 : memref<64xi32, #tpu.memory_space<vmem>>) semaphore(%arg18 : memref<!tpu.dma_semaphore, #tpu.memory_space<semaphore_mem>>)
      %dma_wait3A_984 = arith.constant 0 : i32
      %dma_wait3A_985 = arith.constant 0 : i32
      %dma_wait3A_986 = tpu.memref_slice %arg2[%dma_wait3A_984, %dma_wait3A_985] : memref<10000x128xf32, #tpu.memory_space<hbm>> -> memref<128x128xf32, #tpu.memory_space<hbm>>
      %dma_wait3A_987 = arith.constant 0 : i32
      %dma_wait3A_988 = arith.constant 0 : i32
      %dma_wait3A_989 = tpu.memref_slice %arg2[%dma_wait3A_987, %dma_wait3A_988] : memref<10000x128xf32, #tpu.memory_space<hbm>> -> memref<128x128xf32, #tpu.memory_space<hbm>>
      tpu.wait_dma2 semaphore(%arg20 : memref<!tpu.dma_semaphore, #tpu.memory_space<semaphore_mem>>) src(%dma_wait3A_989 : memref<128x128xf32, #tpu.memory_space<hbm>>) dst(%arg17 : memref<128x128xf32, #tpu.memory_space<vmem>>)
      %dma_start3A_990 = arith.constant 0 : i32
      %dma_start3A_991 = arith.constant 0 : i32
      %dma_start3A_992 = tpu.memref_slice %arg7[%dma_start3A_990, %dma_start3A_991] : memref<10112x128xf32, #tpu.memory_space<vmem_shared>> -> memref<10112x128xf32, #tpu.memory_space<vmem_shared>>
      tpu.enqueue_indirect_dma source(%arg17 : memref<128x128xf32, #tpu.memory_space<vmem>>) target(%dma_start3A_992 : memref<10112x128xf32, #tpu.memory_space<vmem_shared>>) offsets(%arg14 : memref<128xi32, #tpu.memory_space<vmem>>) semaphore(%arg23 : memref<!tpu.dma_semaphore, #tpu.memory_space<semaphore_mem>>) {add = true}
      %add3A_993 = arith.constant 10 : i32
      %add3A_994 = arith.addi %add3A_372, %add3A_993 : i32
      %dma_wait3A_995 = arith.constant 0 : i32
      %dma_wait3A_996 = arith.constant 0 : i32
      %dma_wait3A_997 = tpu.memref_slice %arg2[%dma_wait3A_995, %dma_wait3A_996] : memref<10000x128xf32, #tpu.memory_space<hbm>> -> memref<128x128xf32, #tpu.memory_space<hbm>>
      %dma_wait3A_998 = arith.constant 0 : i32
      %dma_wait3A_999 = arith.constant 0 : i32
      %dma_wait3A_1000 = tpu.memref_slice %arg2[%dma_wait3A_998, %dma_wait3A_999] : memref<10000x128xf32, #tpu.memory_space<hbm>> -> memref<128x128xf32, #tpu.memory_space<hbm>>
      tpu.wait_dma2 semaphore(%arg22 : memref<!tpu.dma_semaphore, #tpu.memory_space<semaphore_mem>>) src(%dma_wait3A_1000 : memref<128x128xf32, #tpu.memory_space<hbm>>) dst(%arg16 : memref<128x128xf32, #tpu.memory_space<vmem>>)
      %add3A_1001 = arith.constant 2 : i32
      %add3A_1002 = arith.addi %add3A_994, %add3A_1001 : i32
      %mul3A_1003 = arith.constant 128 : i32
      %mul3A_1004 = arith.muli %add3A_1002, %mul3A_1003 : i32
      %add3A_1005 = arith.addi %mul3A_2, %mul3A_1004 : i32
      %dma_start3A_1006 = arith.constant 0 : i32
      %dma_start3A_1007 = tpu.memref_slice %arg3[%dma_start3A_1006, %add3A_1005] : memref<2x320000xi32, #tpu.memory_space<hbm>> -> memref<1x128xi32, #tpu.memory_space<hbm>>
      %dma_start3A_1008 = tpu.memref_squeeze %dma_start3A_1007 : memref<1x128xi32, #tpu.memory_space<hbm>> -> memref<128xi32, #tpu.memory_space<hbm>>
      %dma_start3A_1009 = tpu.memref_slice %arg3[%dma_start3A_1006, %add3A_1005] : memref<2x320000xi32, #tpu.memory_space<hbm>> -> memref<1x128xi32, #tpu.memory_space<hbm>>
      %dma_start3A_1010 = tpu.memref_squeeze %dma_start3A_1009 : memref<1x128xi32, #tpu.memory_space<hbm>> -> memref<128xi32, #tpu.memory_space<hbm>>
      tpu.enqueue_dma source(%dma_start3A_1010 : memref<128xi32, #tpu.memory_space<hbm>>) target(%arg10 : memref<128xi32, #tpu.memory_space<vmem>>) target_semaphore(%arg26 : memref<!tpu.dma_semaphore, #tpu.memory_space<semaphore_mem>>)
      %dma_start3A_1011 = arith.constant 1 : i32
      %dma_start3A_1012 = tpu.memref_slice %arg3[%dma_start3A_1011, %add3A_1005] : memref<2x320000xi32, #tpu.memory_space<hbm>> -> memref<1x128xi32, #tpu.memory_space<hbm>>
      %dma_start3A_1013 = tpu.memref_squeeze %dma_start3A_1012 : memref<1x128xi32, #tpu.memory_space<hbm>> -> memref<128xi32, #tpu.memory_space<hbm>>
      %dma_start3A_1014 = tpu.memref_slice %arg3[%dma_start3A_1011, %add3A_1005] : memref<2x320000xi32, #tpu.memory_space<hbm>> -> memref<1x128xi32, #tpu.memory_space<hbm>>
      %dma_start3A_1015 = tpu.memref_squeeze %dma_start3A_1014 : memref<1x128xi32, #tpu.memory_space<hbm>> -> memref<128xi32, #tpu.memory_space<hbm>>
      tpu.enqueue_dma source(%dma_start3A_1015 : memref<128xi32, #tpu.memory_space<hbm>>) target(%arg13 : memref<128xi32, #tpu.memory_space<vmem>>) target_semaphore(%arg29 : memref<!tpu.dma_semaphore, #tpu.memory_space<semaphore_mem>>)
      %dma_wait3A_1016 = arith.constant 0 : i32
      %dma_wait3A_1017 = arith.constant 0 : i32
      %dma_wait3A_1018 = tpu.memref_slice %arg3[%dma_wait3A_1016, %dma_wait3A_1017] : memref<2x320000xi32, #tpu.memory_space<hbm>> -> memref<1x128xi32, #tpu.memory_space<hbm>>
      %dma_wait3A_1019 = tpu.memref_squeeze %dma_wait3A_1018 : memref<1x128xi32, #tpu.memory_space<hbm>> -> memref<128xi32, #tpu.memory_space<hbm>>
      %dma_wait3A_1020 = arith.constant 0 : i32
      %dma_wait3A_1021 = tpu.memref_slice %arg3[%dma_wait3A_1016, %dma_wait3A_1020] : memref<2x320000xi32, #tpu.memory_space<hbm>> -> memref<1x128xi32, #tpu.memory_space<hbm>>
      %dma_wait3A_1022 = tpu.memref_squeeze %dma_wait3A_1021 : memref<1x128xi32, #tpu.memory_space<hbm>> -> memref<128xi32, #tpu.memory_space<hbm>>
      tpu.wait_dma2 semaphore(%arg25 : memref<!tpu.dma_semaphore, #tpu.memory_space<semaphore_mem>>) src(%dma_wait3A_1022 : memref<128xi32, #tpu.memory_space<hbm>>) dst(%arg9 : memref<128xi32, #tpu.memory_space<vmem>>)
      %dma_wait3A_1023 = arith.constant 0 : i32
      %dma_wait3A_1024 = arith.constant 0 : i32
      %dma_wait3A_1025 = tpu.memref_slice %arg3[%dma_wait3A_1023, %dma_wait3A_1024] : memref<2x320000xi32, #tpu.memory_space<hbm>> -> memref<1x128xi32, #tpu.memory_space<hbm>>
      %dma_wait3A_1026 = tpu.memref_squeeze %dma_wait3A_1025 : memref<1x128xi32, #tpu.memory_space<hbm>> -> memref<128xi32, #tpu.memory_space<hbm>>
      %dma_wait3A_1027 = arith.constant 0 : i32
      %dma_wait3A_1028 = tpu.memref_slice %arg3[%dma_wait3A_1023, %dma_wait3A_1027] : memref<2x320000xi32, #tpu.memory_space<hbm>> -> memref<1x128xi32, #tpu.memory_space<hbm>>
      %dma_wait3A_1029 = tpu.memref_squeeze %dma_wait3A_1028 : memref<1x128xi32, #tpu.memory_space<hbm>> -> memref<128xi32, #tpu.memory_space<hbm>>
      tpu.wait_dma2 semaphore(%arg28 : memref<!tpu.dma_semaphore, #tpu.memory_space<semaphore_mem>>) src(%dma_wait3A_1029 : memref<128xi32, #tpu.memory_space<hbm>>) dst(%arg12 : memref<128xi32, #tpu.memory_space<vmem>>)
      %dma_start3A_1030 = arith.constant 0 : i32
      %dma_start3A_1031 = arith.constant 0 : i32
      %dma_start3A_1032 = tpu.memref_slice %arg16[%dma_start3A_1030, %dma_start3A_1031] : memref<128x128xf32, #tpu.memory_space<vmem>> -> memref<64x128xf32, #tpu.memory_space<vmem>>
      %dma_start3A_1033 = arith.constant 0 : i32
      %dma_start3A_1034 = tpu.memref_slice %arg9[%dma_start3A_1033] : memref<128xi32, #tpu.memory_space<vmem>> -> memref<64xi32, #tpu.memory_space<vmem>>
      %dma_start3A_1035 = arith.constant 0 : i32
      %dma_start3A_1036 = arith.constant 0 : i32
      %dma_start3A_1037 = tpu.memref_slice %arg2[%dma_start3A_1035, %dma_start3A_1036] : memref<10000x128xf32, #tpu.memory_space<hbm>> -> memref<10000x128xf32, #tpu.memory_space<hbm>>
      tpu.enqueue_indirect_dma source(%dma_start3A_1037 : memref<10000x128xf32, #tpu.memory_space<hbm>>) target(%dma_start3A_1032 : memref<64x128xf32, #tpu.memory_space<vmem>>) offsets(%dma_start3A_1034 : memref<64xi32, #tpu.memory_space<vmem>>) semaphore(%arg19 : memref<!tpu.dma_semaphore, #tpu.memory_space<semaphore_mem>>)
      %dma_start3A_1038 = arith.constant 64 : i32
      %dma_start3A_1039 = arith.constant 0 : i32
      %dma_start3A_1040 = tpu.memref_slice %arg16[%dma_start3A_1038, %dma_start3A_1039] : memref<128x128xf32, #tpu.memory_space<vmem>> -> memref<64x128xf32, #tpu.memory_space<vmem>>
      %dma_start3A_1041 = arith.constant 64 : i32
      %dma_start3A_1042 = tpu.memref_slice %arg9[%dma_start3A_1041] : memref<128xi32, #tpu.memory_space<vmem>> -> memref<64xi32, #tpu.memory_space<vmem>>
      %dma_start3A_1043 = arith.constant 0 : i32
      %dma_start3A_1044 = arith.constant 0 : i32
      %dma_start3A_1045 = tpu.memref_slice %arg2[%dma_start3A_1043, %dma_start3A_1044] : memref<10000x128xf32, #tpu.memory_space<hbm>> -> memref<10000x128xf32, #tpu.memory_space<hbm>>
      tpu.enqueue_indirect_dma source(%dma_start3A_1045 : memref<10000x128xf32, #tpu.memory_space<hbm>>) target(%dma_start3A_1040 : memref<64x128xf32, #tpu.memory_space<vmem>>) offsets(%dma_start3A_1042 : memref<64xi32, #tpu.memory_space<vmem>>) semaphore(%arg19 : memref<!tpu.dma_semaphore, #tpu.memory_space<semaphore_mem>>)
      %dma_wait3A_1046 = arith.constant 0 : i32
      %dma_wait3A_1047 = arith.constant 0 : i32
      %dma_wait3A_1048 = tpu.memref_slice %arg2[%dma_wait3A_1046, %dma_wait3A_1047] : memref<10000x128xf32, #tpu.memory_space<hbm>> -> memref<128x128xf32, #tpu.memory_space<hbm>>
      %dma_wait3A_1049 = arith.constant 0 : i32
      %dma_wait3A_1050 = arith.constant 0 : i32
      %dma_wait3A_1051 = tpu.memref_slice %arg2[%dma_wait3A_1049, %dma_wait3A_1050] : memref<10000x128xf32, #tpu.memory_space<hbm>> -> memref<128x128xf32, #tpu.memory_space<hbm>>
      tpu.wait_dma2 semaphore(%arg18 : memref<!tpu.dma_semaphore, #tpu.memory_space<semaphore_mem>>) src(%dma_wait3A_1051 : memref<128x128xf32, #tpu.memory_space<hbm>>) dst(%arg15 : memref<128x128xf32, #tpu.memory_space<vmem>>)
      %dma_start3A_1052 = arith.constant 0 : i32
      %dma_start3A_1053 = arith.constant 0 : i32
      %dma_start3A_1054 = tpu.memref_slice %arg7[%dma_start3A_1052, %dma_start3A_1053] : memref<10112x128xf32, #tpu.memory_space<vmem_shared>> -> memref<10112x128xf32, #tpu.memory_space<vmem_shared>>
      tpu.enqueue_indirect_dma source(%arg15 : memref<128x128xf32, #tpu.memory_space<vmem>>) target(%dma_start3A_1054 : memref<10112x128xf32, #tpu.memory_space<vmem_shared>>) offsets(%arg11 : memref<128xi32, #tpu.memory_space<vmem>>) semaphore(%arg21 : memref<!tpu.dma_semaphore, #tpu.memory_space<semaphore_mem>>) {add = true}
      %add3A_1055 = arith.constant 11 : i32
      %add3A_1056 = arith.addi %add3A_372, %add3A_1055 : i32
      %dma_wait3A_1057 = arith.constant 0 : i32
      %dma_wait3A_1058 = arith.constant 0 : i32
      %dma_wait3A_1059 = tpu.memref_slice %arg2[%dma_wait3A_1057, %dma_wait3A_1058] : memref<10000x128xf32, #tpu.memory_space<hbm>> -> memref<128x128xf32, #tpu.memory_space<hbm>>
      %dma_wait3A_1060 = arith.constant 0 : i32
      %dma_wait3A_1061 = arith.constant 0 : i32
      %dma_wait3A_1062 = tpu.memref_slice %arg2[%dma_wait3A_1060, %dma_wait3A_1061] : memref<10000x128xf32, #tpu.memory_space<hbm>> -> memref<128x128xf32, #tpu.memory_space<hbm>>
      tpu.wait_dma2 semaphore(%arg23 : memref<!tpu.dma_semaphore, #tpu.memory_space<semaphore_mem>>) src(%dma_wait3A_1062 : memref<128x128xf32, #tpu.memory_space<hbm>>) dst(%arg17 : memref<128x128xf32, #tpu.memory_space<vmem>>)
      %add3A_1063 = arith.constant 2 : i32
      %add3A_1064 = arith.addi %add3A_1056, %add3A_1063 : i32
      %mul3A_1065 = arith.constant 128 : i32
      %mul3A_1066 = arith.muli %add3A_1064, %mul3A_1065 : i32
      %add3A_1067 = arith.addi %mul3A_2, %mul3A_1066 : i32
      %dma_start3A_1068 = arith.constant 0 : i32
      %dma_start3A_1069 = tpu.memref_slice %arg3[%dma_start3A_1068, %add3A_1067] : memref<2x320000xi32, #tpu.memory_space<hbm>> -> memref<1x128xi32, #tpu.memory_space<hbm>>
      %dma_start3A_1070 = tpu.memref_squeeze %dma_start3A_1069 : memref<1x128xi32, #tpu.memory_space<hbm>> -> memref<128xi32, #tpu.memory_space<hbm>>
      %dma_start3A_1071 = tpu.memref_slice %arg3[%dma_start3A_1068, %add3A_1067] : memref<2x320000xi32, #tpu.memory_space<hbm>> -> memref<1x128xi32, #tpu.memory_space<hbm>>
      %dma_start3A_1072 = tpu.memref_squeeze %dma_start3A_1071 : memref<1x128xi32, #tpu.memory_space<hbm>> -> memref<128xi32, #tpu.memory_space<hbm>>
      tpu.enqueue_dma source(%dma_start3A_1072 : memref<128xi32, #tpu.memory_space<hbm>>) target(%arg8 : memref<128xi32, #tpu.memory_space<vmem>>) target_semaphore(%arg24 : memref<!tpu.dma_semaphore, #tpu.memory_space<semaphore_mem>>)
      %dma_start3A_1073 = arith.constant 1 : i32
      %dma_start3A_1074 = tpu.memref_slice %arg3[%dma_start3A_1073, %add3A_1067] : memref<2x320000xi32, #tpu.memory_space<hbm>> -> memref<1x128xi32, #tpu.memory_space<hbm>>
      %dma_start3A_1075 = tpu.memref_squeeze %dma_start3A_1074 : memref<1x128xi32, #tpu.memory_space<hbm>> -> memref<128xi32, #tpu.memory_space<hbm>>
      %dma_start3A_1076 = tpu.memref_slice %arg3[%dma_start3A_1073, %add3A_1067] : memref<2x320000xi32, #tpu.memory_space<hbm>> -> memref<1x128xi32, #tpu.memory_space<hbm>>
      %dma_start3A_1077 = tpu.memref_squeeze %dma_start3A_1076 : memref<1x128xi32, #tpu.memory_space<hbm>> -> memref<128xi32, #tpu.memory_space<hbm>>
      tpu.enqueue_dma source(%dma_start3A_1077 : memref<128xi32, #tpu.memory_space<hbm>>) target(%arg14 : memref<128xi32, #tpu.memory_space<vmem>>) target_semaphore(%arg30 : memref<!tpu.dma_semaphore, #tpu.memory_space<semaphore_mem>>)
      %dma_wait3A_1078 = arith.constant 0 : i32
      %dma_wait3A_1079 = arith.constant 0 : i32
      %dma_wait3A_1080 = tpu.memref_slice %arg3[%dma_wait3A_1078, %dma_wait3A_1079] : memref<2x320000xi32, #tpu.memory_space<hbm>> -> memref<1x128xi32, #tpu.memory_space<hbm>>
      %dma_wait3A_1081 = tpu.memref_squeeze %dma_wait3A_1080 : memref<1x128xi32, #tpu.memory_space<hbm>> -> memref<128xi32, #tpu.memory_space<hbm>>
      %dma_wait3A_1082 = arith.constant 0 : i32
      %dma_wait3A_1083 = tpu.memref_slice %arg3[%dma_wait3A_1078, %dma_wait3A_1082] : memref<2x320000xi32, #tpu.memory_space<hbm>> -> memref<1x128xi32, #tpu.memory_space<hbm>>
      %dma_wait3A_1084 = tpu.memref_squeeze %dma_wait3A_1083 : memref<1x128xi32, #tpu.memory_space<hbm>> -> memref<128xi32, #tpu.memory_space<hbm>>
      tpu.wait_dma2 semaphore(%arg26 : memref<!tpu.dma_semaphore, #tpu.memory_space<semaphore_mem>>) src(%dma_wait3A_1084 : memref<128xi32, #tpu.memory_space<hbm>>) dst(%arg10 : memref<128xi32, #tpu.memory_space<vmem>>)
      %dma_wait3A_1085 = arith.constant 0 : i32
      %dma_wait3A_1086 = arith.constant 0 : i32
      %dma_wait3A_1087 = tpu.memref_slice %arg3[%dma_wait3A_1085, %dma_wait3A_1086] : memref<2x320000xi32, #tpu.memory_space<hbm>> -> memref<1x128xi32, #tpu.memory_space<hbm>>
      %dma_wait3A_1088 = tpu.memref_squeeze %dma_wait3A_1087 : memref<1x128xi32, #tpu.memory_space<hbm>> -> memref<128xi32, #tpu.memory_space<hbm>>
      %dma_wait3A_1089 = arith.constant 0 : i32
      %dma_wait3A_1090 = tpu.memref_slice %arg3[%dma_wait3A_1085, %dma_wait3A_1089] : memref<2x320000xi32, #tpu.memory_space<hbm>> -> memref<1x128xi32, #tpu.memory_space<hbm>>
      %dma_wait3A_1091 = tpu.memref_squeeze %dma_wait3A_1090 : memref<1x128xi32, #tpu.memory_space<hbm>> -> memref<128xi32, #tpu.memory_space<hbm>>
      tpu.wait_dma2 semaphore(%arg29 : memref<!tpu.dma_semaphore, #tpu.memory_space<semaphore_mem>>) src(%dma_wait3A_1091 : memref<128xi32, #tpu.memory_space<hbm>>) dst(%arg13 : memref<128xi32, #tpu.memory_space<vmem>>)
      %dma_start3A_1092 = arith.constant 0 : i32
      %dma_start3A_1093 = arith.constant 0 : i32
      %dma_start3A_1094 = tpu.memref_slice %arg17[%dma_start3A_1092, %dma_start3A_1093] : memref<128x128xf32, #tpu.memory_space<vmem>> -> memref<64x128xf32, #tpu.memory_space<vmem>>
      %dma_start3A_1095 = arith.constant 0 : i32
      %dma_start3A_1096 = tpu.memref_slice %arg10[%dma_start3A_1095] : memref<128xi32, #tpu.memory_space<vmem>> -> memref<64xi32, #tpu.memory_space<vmem>>
      %dma_start3A_1097 = arith.constant 0 : i32
      %dma_start3A_1098 = arith.constant 0 : i32
      %dma_start3A_1099 = tpu.memref_slice %arg2[%dma_start3A_1097, %dma_start3A_1098] : memref<10000x128xf32, #tpu.memory_space<hbm>> -> memref<10000x128xf32, #tpu.memory_space<hbm>>
      tpu.enqueue_indirect_dma source(%dma_start3A_1099 : memref<10000x128xf32, #tpu.memory_space<hbm>>) target(%dma_start3A_1094 : memref<64x128xf32, #tpu.memory_space<vmem>>) offsets(%dma_start3A_1096 : memref<64xi32, #tpu.memory_space<vmem>>) semaphore(%arg20 : memref<!tpu.dma_semaphore, #tpu.memory_space<semaphore_mem>>)
      %dma_start3A_1100 = arith.constant 64 : i32
      %dma_start3A_1101 = arith.constant 0 : i32
      %dma_start3A_1102 = tpu.memref_slice %arg17[%dma_start3A_1100, %dma_start3A_1101] : memref<128x128xf32, #tpu.memory_space<vmem>> -> memref<64x128xf32, #tpu.memory_space<vmem>>
      %dma_start3A_1103 = arith.constant 64 : i32
      %dma_start3A_1104 = tpu.memref_slice %arg10[%dma_start3A_1103] : memref<128xi32, #tpu.memory_space<vmem>> -> memref<64xi32, #tpu.memory_space<vmem>>
      %dma_start3A_1105 = arith.constant 0 : i32
      %dma_start3A_1106 = arith.constant 0 : i32
      %dma_start3A_1107 = tpu.memref_slice %arg2[%dma_start3A_1105, %dma_start3A_1106] : memref<10000x128xf32, #tpu.memory_space<hbm>> -> memref<10000x128xf32, #tpu.memory_space<hbm>>
      tpu.enqueue_indirect_dma source(%dma_start3A_1107 : memref<10000x128xf32, #tpu.memory_space<hbm>>) target(%dma_start3A_1102 : memref<64x128xf32, #tpu.memory_space<vmem>>) offsets(%dma_start3A_1104 : memref<64xi32, #tpu.memory_space<vmem>>) semaphore(%arg20 : memref<!tpu.dma_semaphore, #tpu.memory_space<semaphore_mem>>)
      %dma_wait3A_1108 = arith.constant 0 : i32
      %dma_wait3A_1109 = arith.constant 0 : i32
      %dma_wait3A_1110 = tpu.memref_slice %arg2[%dma_wait3A_1108, %dma_wait3A_1109] : memref<10000x128xf32, #tpu.memory_space<hbm>> -> memref<128x128xf32, #tpu.memory_space<hbm>>
      %dma_wait3A_1111 = arith.constant 0 : i32
      %dma_wait3A_1112 = arith.constant 0 : i32
      %dma_wait3A_1113 = tpu.memref_slice %arg2[%dma_wait3A_1111, %dma_wait3A_1112] : memref<10000x128xf32, #tpu.memory_space<hbm>> -> memref<128x128xf32, #tpu.memory_space<hbm>>
      tpu.wait_dma2 semaphore(%arg19 : memref<!tpu.dma_semaphore, #tpu.memory_space<semaphore_mem>>) src(%dma_wait3A_1113 : memref<128x128xf32, #tpu.memory_space<hbm>>) dst(%arg16 : memref<128x128xf32, #tpu.memory_space<vmem>>)
      %dma_start3A_1114 = arith.constant 0 : i32
      %dma_start3A_1115 = arith.constant 0 : i32
      %dma_start3A_1116 = tpu.memref_slice %arg7[%dma_start3A_1114, %dma_start3A_1115] : memref<10112x128xf32, #tpu.memory_space<vmem_shared>> -> memref<10112x128xf32, #tpu.memory_space<vmem_shared>>
      tpu.enqueue_indirect_dma source(%arg16 : memref<128x128xf32, #tpu.memory_space<vmem>>) target(%dma_start3A_1116 : memref<10112x128xf32, #tpu.memory_space<vmem_shared>>) offsets(%arg12 : memref<128xi32, #tpu.memory_space<vmem>>) semaphore(%arg22 : memref<!tpu.dma_semaphore, #tpu.memory_space<semaphore_mem>>) {add = true}
    }
    %scan3A_169 = arith.constant 6 : i32
    %dma_wait3A_170 = arith.constant 0 : i32
    %dma_wait3A_171 = arith.constant 0 : i32
    %dma_wait3A_172 = tpu.memref_slice %arg2[%dma_wait3A_170, %dma_wait3A_171] : memref<10000x128xf32, #tpu.memory_space<hbm>> -> memref<128x128xf32, #tpu.memory_space<hbm>>
    %dma_wait3A_173 = arith.constant 0 : i32
    %dma_wait3A_174 = arith.constant 0 : i32
    %dma_wait3A_175 = tpu.memref_slice %arg2[%dma_wait3A_173, %dma_wait3A_174] : memref<10000x128xf32, #tpu.memory_space<hbm>> -> memref<128x128xf32, #tpu.memory_space<hbm>>
    tpu.wait_dma2 semaphore(%arg21 : memref<!tpu.dma_semaphore, #tpu.memory_space<semaphore_mem>>) src(%dma_wait3A_175 : memref<128x128xf32, #tpu.memory_space<hbm>>) dst(%arg15 : memref<128x128xf32, #tpu.memory_space<vmem>>)
    %add3A_176 = arith.constant 9728 : i32
    %add3A_177 = arith.addi %mul3A_2, %add3A_176 : i32
    %dma_start3A_178 = arith.constant 0 : i32
    %dma_start3A_179 = tpu.memref_slice %arg3[%dma_start3A_178, %add3A_177] : memref<2x320000xi32, #tpu.memory_space<hbm>> -> memref<1x128xi32, #tpu.memory_space<hbm>>
    %dma_start3A_180 = tpu.memref_squeeze %dma_start3A_179 : memref<1x128xi32, #tpu.memory_space<hbm>> -> memref<128xi32, #tpu.memory_space<hbm>>
    %dma_start3A_181 = tpu.memref_slice %arg3[%dma_start3A_178, %add3A_177] : memref<2x320000xi32, #tpu.memory_space<hbm>> -> memref<1x128xi32, #tpu.memory_space<hbm>>
    %dma_start3A_182 = tpu.memref_squeeze %dma_start3A_181 : memref<1x128xi32, #tpu.memory_space<hbm>> -> memref<128xi32, #tpu.memory_space<hbm>>
    tpu.enqueue_dma source(%dma_start3A_182 : memref<128xi32, #tpu.memory_space<hbm>>) target(%arg9 : memref<128xi32, #tpu.memory_space<vmem>>) target_semaphore(%arg25 : memref<!tpu.dma_semaphore, #tpu.memory_space<semaphore_mem>>)
    %dma_start3A_183 = arith.constant 1 : i32
    %dma_start3A_184 = tpu.memref_slice %arg3[%dma_start3A_183, %add3A_177] : memref<2x320000xi32, #tpu.memory_space<hbm>> -> memref<1x128xi32, #tpu.memory_space<hbm>>
    %dma_start3A_185 = tpu.memref_squeeze %dma_start3A_184 : memref<1x128xi32, #tpu.memory_space<hbm>> -> memref<128xi32, #tpu.memory_space<hbm>>
    %dma_start3A_186 = tpu.memref_slice %arg3[%dma_start3A_183, %add3A_177] : memref<2x320000xi32, #tpu.memory_space<hbm>> -> memref<1x128xi32, #tpu.memory_space<hbm>>
    %dma_start3A_187 = tpu.memref_squeeze %dma_start3A_186 : memref<1x128xi32, #tpu.memory_space<hbm>> -> memref<128xi32, #tpu.memory_space<hbm>>
    tpu.enqueue_dma source(%dma_start3A_187 : memref<128xi32, #tpu.memory_space<hbm>>) target(%arg11 : memref<128xi32, #tpu.memory_space<vmem>>) target_semaphore(%arg27 : memref<!tpu.dma_semaphore, #tpu.memory_space<semaphore_mem>>)
    %dma_wait3A_188 = arith.constant 0 : i32
    %dma_wait3A_189 = arith.constant 0 : i32
    %dma_wait3A_190 = tpu.memref_slice %arg3[%dma_wait3A_188, %dma_wait3A_189] : memref<2x320000xi32, #tpu.memory_space<hbm>> -> memref<1x128xi32, #tpu.memory_space<hbm>>
    %dma_wait3A_191 = tpu.memref_squeeze %dma_wait3A_190 : memref<1x128xi32, #tpu.memory_space<hbm>> -> memref<128xi32, #tpu.memory_space<hbm>>
    %dma_wait3A_192 = arith.constant 0 : i32
    %dma_wait3A_193 = tpu.memref_slice %arg3[%dma_wait3A_188, %dma_wait3A_192] : memref<2x320000xi32, #tpu.memory_space<hbm>> -> memref<1x128xi32, #tpu.memory_space<hbm>>
    %dma_wait3A_194 = tpu.memref_squeeze %dma_wait3A_193 : memref<1x128xi32, #tpu.memory_space<hbm>> -> memref<128xi32, #tpu.memory_space<hbm>>
    tpu.wait_dma2 semaphore(%arg24 : memref<!tpu.dma_semaphore, #tpu.memory_space<semaphore_mem>>) src(%dma_wait3A_194 : memref<128xi32, #tpu.memory_space<hbm>>) dst(%arg8 : memref<128xi32, #tpu.memory_space<vmem>>)
    %dma_wait3A_195 = arith.constant 0 : i32
    %dma_wait3A_196 = arith.constant 0 : i32
    %dma_wait3A_197 = tpu.memref_slice %arg3[%dma_wait3A_195, %dma_wait3A_196] : memref<2x320000xi32, #tpu.memory_space<hbm>> -> memref<1x128xi32, #tpu.memory_space<hbm>>
    %dma_wait3A_198 = tpu.memref_squeeze %dma_wait3A_197 : memref<1x128xi32, #tpu.memory_space<hbm>> -> memref<128xi32, #tpu.memory_space<hbm>>
    %dma_wait3A_199 = arith.constant 0 : i32
    %dma_wait3A_200 = tpu.memref_slice %arg3[%dma_wait3A_195, %dma_wait3A_199] : memref<2x320000xi32, #tpu.memory_space<hbm>> -> memref<1x128xi32, #tpu.memory_space<hbm>>
    %dma_wait3A_201 = tpu.memref_squeeze %dma_wait3A_200 : memref<1x128xi32, #tpu.memory_space<hbm>> -> memref<128xi32, #tpu.memory_space<hbm>>
    tpu.wait_dma2 semaphore(%arg30 : memref<!tpu.dma_semaphore, #tpu.memory_space<semaphore_mem>>) src(%dma_wait3A_201 : memref<128xi32, #tpu.memory_space<hbm>>) dst(%arg14 : memref<128xi32, #tpu.memory_space<vmem>>)
    %dma_start3A_202 = arith.constant 0 : i32
    %dma_start3A_203 = arith.constant 0 : i32
    %dma_start3A_204 = tpu.memref_slice %arg15[%dma_start3A_202, %dma_start3A_203] : memref<128x128xf32, #tpu.memory_space<vmem>> -> memref<64x128xf32, #tpu.memory_space<vmem>>
    %dma_start3A_205 = arith.constant 0 : i32
    %dma_start3A_206 = tpu.memref_slice %arg8[%dma_start3A_205] : memref<128xi32, #tpu.memory_space<vmem>> -> memref<64xi32, #tpu.memory_space<vmem>>
    %dma_start3A_207 = arith.constant 0 : i32
    %dma_start3A_208 = arith.constant 0 : i32
    %dma_start3A_209 = tpu.memref_slice %arg2[%dma_start3A_207, %dma_start3A_208] : memref<10000x128xf32, #tpu.memory_space<hbm>> -> memref<10000x128xf32, #tpu.memory_space<hbm>>
    tpu.enqueue_indirect_dma source(%dma_start3A_209 : memref<10000x128xf32, #tpu.memory_space<hbm>>) target(%dma_start3A_204 : memref<64x128xf32, #tpu.memory_space<vmem>>) offsets(%dma_start3A_206 : memref<64xi32, #tpu.memory_space<vmem>>) semaphore(%arg18 : memref<!tpu.dma_semaphore, #tpu.memory_space<semaphore_mem>>)
    %dma_start3A_210 = arith.constant 64 : i32
    %dma_start3A_211 = arith.constant 0 : i32
    %dma_start3A_212 = tpu.memref_slice %arg15[%dma_start3A_210, %dma_start3A_211] : memref<128x128xf32, #tpu.memory_space<vmem>> -> memref<64x128xf32, #tpu.memory_space<vmem>>
    %dma_start3A_213 = arith.constant 64 : i32
    %dma_start3A_214 = tpu.memref_slice %arg8[%dma_start3A_213] : memref<128xi32, #tpu.memory_space<vmem>> -> memref<64xi32, #tpu.memory_space<vmem>>
    %dma_start3A_215 = arith.constant 0 : i32
    %dma_start3A_216 = arith.constant 0 : i32
    %dma_start3A_217 = tpu.memref_slice %arg2[%dma_start3A_215, %dma_start3A_216] : memref<10000x128xf32, #tpu.memory_space<hbm>> -> memref<10000x128xf32, #tpu.memory_space<hbm>>
    tpu.enqueue_indirect_dma source(%dma_start3A_217 : memref<10000x128xf32, #tpu.memory_space<hbm>>) target(%dma_start3A_212 : memref<64x128xf32, #tpu.memory_space<vmem>>) offsets(%dma_start3A_214 : memref<64xi32, #tpu.memory_space<vmem>>) semaphore(%arg18 : memref<!tpu.dma_semaphore, #tpu.memory_space<semaphore_mem>>)
    %dma_wait3A_218 = arith.constant 0 : i32
    %dma_wait3A_219 = arith.constant 0 : i32
    %dma_wait3A_220 = tpu.memref_slice %arg2[%dma_wait3A_218, %dma_wait3A_219] : memref<10000x128xf32, #tpu.memory_space<hbm>> -> memref<128x128xf32, #tpu.memory_space<hbm>>
    %dma_wait3A_221 = arith.constant 0 : i32
    %dma_wait3A_222 = arith.constant 0 : i32
    %dma_wait3A_223 = tpu.memref_slice %arg2[%dma_wait3A_221, %dma_wait3A_222] : memref<10000x128xf32, #tpu.memory_space<hbm>> -> memref<128x128xf32, #tpu.memory_space<hbm>>
    tpu.wait_dma2 semaphore(%arg20 : memref<!tpu.dma_semaphore, #tpu.memory_space<semaphore_mem>>) src(%dma_wait3A_223 : memref<128x128xf32, #tpu.memory_space<hbm>>) dst(%arg17 : memref<128x128xf32, #tpu.memory_space<vmem>>)
    %dma_start3A_224 = arith.constant 0 : i32
    %dma_start3A_225 = arith.constant 0 : i32
    %dma_start3A_226 = tpu.memref_slice %arg7[%dma_start3A_224, %dma_start3A_225] : memref<10112x128xf32, #tpu.memory_space<vmem_shared>> -> memref<10112x128xf32, #tpu.memory_space<vmem_shared>>
    tpu.enqueue_indirect_dma source(%arg17 : memref<128x128xf32, #tpu.memory_space<vmem>>) target(%dma_start3A_226 : memref<10112x128xf32, #tpu.memory_space<vmem_shared>>) offsets(%arg13 : memref<128xi32, #tpu.memory_space<vmem>>) semaphore(%arg23 : memref<!tpu.dma_semaphore, #tpu.memory_space<semaphore_mem>>) {add = true}
    %dma_wait3A_227 = arith.constant 0 : i32
    %dma_wait3A_228 = arith.constant 0 : i32
    %dma_wait3A_229 = tpu.memref_slice %arg2[%dma_wait3A_227, %dma_wait3A_228] : memref<10000x128xf32, #tpu.memory_space<hbm>> -> memref<128x128xf32, #tpu.memory_space<hbm>>
    %dma_wait3A_230 = arith.constant 0 : i32
    %dma_wait3A_231 = arith.constant 0 : i32
    %dma_wait3A_232 = tpu.memref_slice %arg2[%dma_wait3A_230, %dma_wait3A_231] : memref<10000x128xf32, #tpu.memory_space<hbm>> -> memref<128x128xf32, #tpu.memory_space<hbm>>
    tpu.wait_dma2 semaphore(%arg22 : memref<!tpu.dma_semaphore, #tpu.memory_space<semaphore_mem>>) src(%dma_wait3A_232 : memref<128x128xf32, #tpu.memory_space<hbm>>) dst(%arg16 : memref<128x128xf32, #tpu.memory_space<vmem>>)
    %add3A_233 = arith.constant 9856 : i32
    %add3A_234 = arith.addi %mul3A_2, %add3A_233 : i32
    %dma_start3A_235 = arith.constant 0 : i32
    %dma_start3A_236 = tpu.memref_slice %arg3[%dma_start3A_235, %add3A_234] : memref<2x320000xi32, #tpu.memory_space<hbm>> -> memref<1x128xi32, #tpu.memory_space<hbm>>
    %dma_start3A_237 = tpu.memref_squeeze %dma_start3A_236 : memref<1x128xi32, #tpu.memory_space<hbm>> -> memref<128xi32, #tpu.memory_space<hbm>>
    %dma_start3A_238 = tpu.memref_slice %arg3[%dma_start3A_235, %add3A_234] : memref<2x320000xi32, #tpu.memory_space<hbm>> -> memref<1x128xi32, #tpu.memory_space<hbm>>
    %dma_start3A_239 = tpu.memref_squeeze %dma_start3A_238 : memref<1x128xi32, #tpu.memory_space<hbm>> -> memref<128xi32, #tpu.memory_space<hbm>>
    tpu.enqueue_dma source(%dma_start3A_239 : memref<128xi32, #tpu.memory_space<hbm>>) target(%arg10 : memref<128xi32, #tpu.memory_space<vmem>>) target_semaphore(%arg26 : memref<!tpu.dma_semaphore, #tpu.memory_space<semaphore_mem>>)
    %dma_start3A_240 = arith.constant 1 : i32
    %dma_start3A_241 = tpu.memref_slice %arg3[%dma_start3A_240, %add3A_234] : memref<2x320000xi32, #tpu.memory_space<hbm>> -> memref<1x128xi32, #tpu.memory_space<hbm>>
    %dma_start3A_242 = tpu.memref_squeeze %dma_start3A_241 : memref<1x128xi32, #tpu.memory_space<hbm>> -> memref<128xi32, #tpu.memory_space<hbm>>
    %dma_start3A_243 = tpu.memref_slice %arg3[%dma_start3A_240, %add3A_234] : memref<2x320000xi32, #tpu.memory_space<hbm>> -> memref<1x128xi32, #tpu.memory_space<hbm>>
    %dma_start3A_244 = tpu.memref_squeeze %dma_start3A_243 : memref<1x128xi32, #tpu.memory_space<hbm>> -> memref<128xi32, #tpu.memory_space<hbm>>
    tpu.enqueue_dma source(%dma_start3A_244 : memref<128xi32, #tpu.memory_space<hbm>>) target(%arg12 : memref<128xi32, #tpu.memory_space<vmem>>) target_semaphore(%arg28 : memref<!tpu.dma_semaphore, #tpu.memory_space<semaphore_mem>>)
    %dma_wait3A_245 = arith.constant 0 : i32
    %dma_wait3A_246 = arith.constant 0 : i32
    %dma_wait3A_247 = tpu.memref_slice %arg3[%dma_wait3A_245, %dma_wait3A_246] : memref<2x320000xi32, #tpu.memory_space<hbm>> -> memref<1x128xi32, #tpu.memory_space<hbm>>
    %dma_wait3A_248 = tpu.memref_squeeze %dma_wait3A_247 : memref<1x128xi32, #tpu.memory_space<hbm>> -> memref<128xi32, #tpu.memory_space<hbm>>
    %dma_wait3A_249 = arith.constant 0 : i32
    %dma_wait3A_250 = tpu.memref_slice %arg3[%dma_wait3A_245, %dma_wait3A_249] : memref<2x320000xi32, #tpu.memory_space<hbm>> -> memref<1x128xi32, #tpu.memory_space<hbm>>
    %dma_wait3A_251 = tpu.memref_squeeze %dma_wait3A_250 : memref<1x128xi32, #tpu.memory_space<hbm>> -> memref<128xi32, #tpu.memory_space<hbm>>
    tpu.wait_dma2 semaphore(%arg25 : memref<!tpu.dma_semaphore, #tpu.memory_space<semaphore_mem>>) src(%dma_wait3A_251 : memref<128xi32, #tpu.memory_space<hbm>>) dst(%arg9 : memref<128xi32, #tpu.memory_space<vmem>>)
    %dma_wait3A_252 = arith.constant 0 : i32
    %dma_wait3A_253 = arith.constant 0 : i32
    %dma_wait3A_254 = tpu.memref_slice %arg3[%dma_wait3A_252, %dma_wait3A_253] : memref<2x320000xi32, #tpu.memory_space<hbm>> -> memref<1x128xi32, #tpu.memory_space<hbm>>
    %dma_wait3A_255 = tpu.memref_squeeze %dma_wait3A_254 : memref<1x128xi32, #tpu.memory_space<hbm>> -> memref<128xi32, #tpu.memory_space<hbm>>
    %dma_wait3A_256 = arith.constant 0 : i32
    %dma_wait3A_257 = tpu.memref_slice %arg3[%dma_wait3A_252, %dma_wait3A_256] : memref<2x320000xi32, #tpu.memory_space<hbm>> -> memref<1x128xi32, #tpu.memory_space<hbm>>
    %dma_wait3A_258 = tpu.memref_squeeze %dma_wait3A_257 : memref<1x128xi32, #tpu.memory_space<hbm>> -> memref<128xi32, #tpu.memory_space<hbm>>
    tpu.wait_dma2 semaphore(%arg27 : memref<!tpu.dma_semaphore, #tpu.memory_space<semaphore_mem>>) src(%dma_wait3A_258 : memref<128xi32, #tpu.memory_space<hbm>>) dst(%arg11 : memref<128xi32, #tpu.memory_space<vmem>>)
    %dma_start3A_259 = arith.constant 0 : i32
    %dma_start3A_260 = arith.constant 0 : i32
    %dma_start3A_261 = tpu.memref_slice %arg16[%dma_start3A_259, %dma_start3A_260] : memref<128x128xf32, #tpu.memory_space<vmem>> -> memref<64x128xf32, #tpu.memory_space<vmem>>
    %dma_start3A_262 = arith.constant 0 : i32
    %dma_start3A_263 = tpu.memref_slice %arg9[%dma_start3A_262] : memref<128xi32, #tpu.memory_space<vmem>> -> memref<64xi32, #tpu.memory_space<vmem>>
    %dma_start3A_264 = arith.constant 0 : i32
    %dma_start3A_265 = arith.constant 0 : i32
    %dma_start3A_266 = tpu.memref_slice %arg2[%dma_start3A_264, %dma_start3A_265] : memref<10000x128xf32, #tpu.memory_space<hbm>> -> memref<10000x128xf32, #tpu.memory_space<hbm>>
    tpu.enqueue_indirect_dma source(%dma_start3A_266 : memref<10000x128xf32, #tpu.memory_space<hbm>>) target(%dma_start3A_261 : memref<64x128xf32, #tpu.memory_space<vmem>>) offsets(%dma_start3A_263 : memref<64xi32, #tpu.memory_space<vmem>>) semaphore(%arg19 : memref<!tpu.dma_semaphore, #tpu.memory_space<semaphore_mem>>)
    %dma_start3A_267 = arith.constant 64 : i32
    %dma_start3A_268 = arith.constant 0 : i32
    %dma_start3A_269 = tpu.memref_slice %arg16[%dma_start3A_267, %dma_start3A_268] : memref<128x128xf32, #tpu.memory_space<vmem>> -> memref<64x128xf32, #tpu.memory_space<vmem>>
    %dma_start3A_270 = arith.constant 64 : i32
    %dma_start3A_271 = tpu.memref_slice %arg9[%dma_start3A_270] : memref<128xi32, #tpu.memory_space<vmem>> -> memref<64xi32, #tpu.memory_space<vmem>>
    %dma_start3A_272 = arith.constant 0 : i32
    %dma_start3A_273 = arith.constant 0 : i32
    %dma_start3A_274 = tpu.memref_slice %arg2[%dma_start3A_272, %dma_start3A_273] : memref<10000x128xf32, #tpu.memory_space<hbm>> -> memref<10000x128xf32, #tpu.memory_space<hbm>>
    tpu.enqueue_indirect_dma source(%dma_start3A_274 : memref<10000x128xf32, #tpu.memory_space<hbm>>) target(%dma_start3A_269 : memref<64x128xf32, #tpu.memory_space<vmem>>) offsets(%dma_start3A_271 : memref<64xi32, #tpu.memory_space<vmem>>) semaphore(%arg19 : memref<!tpu.dma_semaphore, #tpu.memory_space<semaphore_mem>>)
    %dma_wait3A_275 = arith.constant 0 : i32
    %dma_wait3A_276 = arith.constant 0 : i32
    %dma_wait3A_277 = tpu.memref_slice %arg2[%dma_wait3A_275, %dma_wait3A_276] : memref<10000x128xf32, #tpu.memory_space<hbm>> -> memref<128x128xf32, #tpu.memory_space<hbm>>
    %dma_wait3A_278 = arith.constant 0 : i32
    %dma_wait3A_279 = arith.constant 0 : i32
    %dma_wait3A_280 = tpu.memref_slice %arg2[%dma_wait3A_278, %dma_wait3A_279] : memref<10000x128xf32, #tpu.memory_space<hbm>> -> memref<128x128xf32, #tpu.memory_space<hbm>>
    tpu.wait_dma2 semaphore(%arg18 : memref<!tpu.dma_semaphore, #tpu.memory_space<semaphore_mem>>) src(%dma_wait3A_280 : memref<128x128xf32, #tpu.memory_space<hbm>>) dst(%arg15 : memref<128x128xf32, #tpu.memory_space<vmem>>)
    %dma_start3A_281 = arith.constant 0 : i32
    %dma_start3A_282 = arith.constant 0 : i32
    %dma_start3A_283 = tpu.memref_slice %arg7[%dma_start3A_281, %dma_start3A_282] : memref<10112x128xf32, #tpu.memory_space<vmem_shared>> -> memref<10112x128xf32, #tpu.memory_space<vmem_shared>>
    tpu.enqueue_indirect_dma source(%arg15 : memref<128x128xf32, #tpu.memory_space<vmem>>) target(%dma_start3A_283 : memref<10112x128xf32, #tpu.memory_space<vmem_shared>>) offsets(%arg14 : memref<128xi32, #tpu.memory_space<vmem>>) semaphore(%arg21 : memref<!tpu.dma_semaphore, #tpu.memory_space<semaphore_mem>>) {add = true}
    %dma_wait3A_284 = arith.constant 0 : i32
    %dma_wait3A_285 = arith.constant 0 : i32
    %dma_wait3A_286 = tpu.memref_slice %arg2[%dma_wait3A_284, %dma_wait3A_285] : memref<10000x128xf32, #tpu.memory_space<hbm>> -> memref<128x128xf32, #tpu.memory_space<hbm>>
    %dma_wait3A_287 = arith.constant 0 : i32
    %dma_wait3A_288 = arith.constant 0 : i32
    %dma_wait3A_289 = tpu.memref_slice %arg2[%dma_wait3A_287, %dma_wait3A_288] : memref<10000x128xf32, #tpu.memory_space<hbm>> -> memref<128x128xf32, #tpu.memory_space<hbm>>
    tpu.wait_dma2 semaphore(%arg23 : memref<!tpu.dma_semaphore, #tpu.memory_space<semaphore_mem>>) src(%dma_wait3A_289 : memref<128x128xf32, #tpu.memory_space<hbm>>) dst(%arg17 : memref<128x128xf32, #tpu.memory_space<vmem>>)
    %dma_wait3A_290 = arith.constant 0 : i32
    %dma_wait3A_291 = arith.constant 0 : i32
    %dma_wait3A_292 = tpu.memref_slice %arg3[%dma_wait3A_290, %dma_wait3A_291] : memref<2x320000xi32, #tpu.memory_space<hbm>> -> memref<1x128xi32, #tpu.memory_space<hbm>>
    %dma_wait3A_293 = tpu.memref_squeeze %dma_wait3A_292 : memref<1x128xi32, #tpu.memory_space<hbm>> -> memref<128xi32, #tpu.memory_space<hbm>>
    %dma_wait3A_294 = arith.constant 0 : i32
    %dma_wait3A_295 = tpu.memref_slice %arg3[%dma_wait3A_290, %dma_wait3A_294] : memref<2x320000xi32, #tpu.memory_space<hbm>> -> memref<1x128xi32, #tpu.memory_space<hbm>>
    %dma_wait3A_296 = tpu.memref_squeeze %dma_wait3A_295 : memref<1x128xi32, #tpu.memory_space<hbm>> -> memref<128xi32, #tpu.memory_space<hbm>>
    tpu.wait_dma2 semaphore(%arg26 : memref<!tpu.dma_semaphore, #tpu.memory_space<semaphore_mem>>) src(%dma_wait3A_296 : memref<128xi32, #tpu.memory_space<hbm>>) dst(%arg10 : memref<128xi32, #tpu.memory_space<vmem>>)
    %dma_wait3A_297 = arith.constant 0 : i32
    %dma_wait3A_298 = arith.constant 0 : i32
    %dma_wait3A_299 = tpu.memref_slice %arg3[%dma_wait3A_297, %dma_wait3A_298] : memref<2x320000xi32, #tpu.memory_space<hbm>> -> memref<1x128xi32, #tpu.memory_space<hbm>>
    %dma_wait3A_300 = tpu.memref_squeeze %dma_wait3A_299 : memref<1x128xi32, #tpu.memory_space<hbm>> -> memref<128xi32, #tpu.memory_space<hbm>>
    %dma_wait3A_301 = arith.constant 0 : i32
    %dma_wait3A_302 = tpu.memref_slice %arg3[%dma_wait3A_297, %dma_wait3A_301] : memref<2x320000xi32, #tpu.memory_space<hbm>> -> memref<1x128xi32, #tpu.memory_space<hbm>>
    %dma_wait3A_303 = tpu.memref_squeeze %dma_wait3A_302 : memref<1x128xi32, #tpu.memory_space<hbm>> -> memref<128xi32, #tpu.memory_space<hbm>>
    tpu.wait_dma2 semaphore(%arg28 : memref<!tpu.dma_semaphore, #tpu.memory_space<semaphore_mem>>) src(%dma_wait3A_303 : memref<128xi32, #tpu.memory_space<hbm>>) dst(%arg12 : memref<128xi32, #tpu.memory_space<vmem>>)
    %dma_start3A_304 = arith.constant 0 : i32
    %dma_start3A_305 = arith.constant 0 : i32
    %dma_start3A_306 = tpu.memref_slice %arg17[%dma_start3A_304, %dma_start3A_305] : memref<128x128xf32, #tpu.memory_space<vmem>> -> memref<64x128xf32, #tpu.memory_space<vmem>>
    %dma_start3A_307 = arith.constant 0 : i32
    %dma_start3A_308 = tpu.memref_slice %arg10[%dma_start3A_307] : memref<128xi32, #tpu.memory_space<vmem>> -> memref<64xi32, #tpu.memory_space<vmem>>
    %dma_start3A_309 = arith.constant 0 : i32
    %dma_start3A_310 = arith.constant 0 : i32
    %dma_start3A_311 = tpu.memref_slice %arg2[%dma_start3A_309, %dma_start3A_310] : memref<10000x128xf32, #tpu.memory_space<hbm>> -> memref<10000x128xf32, #tpu.memory_space<hbm>>
    tpu.enqueue_indirect_dma source(%dma_start3A_311 : memref<10000x128xf32, #tpu.memory_space<hbm>>) target(%dma_start3A_306 : memref<64x128xf32, #tpu.memory_space<vmem>>) offsets(%dma_start3A_308 : memref<64xi32, #tpu.memory_space<vmem>>) semaphore(%arg20 : memref<!tpu.dma_semaphore, #tpu.memory_space<semaphore_mem>>)
    %dma_start3A_312 = arith.constant 64 : i32
    %dma_start3A_313 = arith.constant 0 : i32
    %dma_start3A_314 = tpu.memref_slice %arg17[%dma_start3A_312, %dma_start3A_313] : memref<128x128xf32, #tpu.memory_space<vmem>> -> memref<64x128xf32, #tpu.memory_space<vmem>>
    %dma_start3A_315 = arith.constant 64 : i32
    %dma_start3A_316 = tpu.memref_slice %arg10[%dma_start3A_315] : memref<128xi32, #tpu.memory_space<vmem>> -> memref<64xi32, #tpu.memory_space<vmem>>
    %dma_start3A_317 = arith.constant 0 : i32
    %dma_start3A_318 = arith.constant 0 : i32
    %dma_start3A_319 = tpu.memref_slice %arg2[%dma_start3A_317, %dma_start3A_318] : memref<10000x128xf32, #tpu.memory_space<hbm>> -> memref<10000x128xf32, #tpu.memory_space<hbm>>
    tpu.enqueue_indirect_dma source(%dma_start3A_319 : memref<10000x128xf32, #tpu.memory_space<hbm>>) target(%dma_start3A_314 : memref<64x128xf32, #tpu.memory_space<vmem>>) offsets(%dma_start3A_316 : memref<64xi32, #tpu.memory_space<vmem>>) semaphore(%arg20 : memref<!tpu.dma_semaphore, #tpu.memory_space<semaphore_mem>>)
    %dma_wait3A_320 = arith.constant 0 : i32
    %dma_wait3A_321 = arith.constant 0 : i32
    %dma_wait3A_322 = tpu.memref_slice %arg2[%dma_wait3A_320, %dma_wait3A_321] : memref<10000x128xf32, #tpu.memory_space<hbm>> -> memref<128x128xf32, #tpu.memory_space<hbm>>
    %dma_wait3A_323 = arith.constant 0 : i32
    %dma_wait3A_324 = arith.constant 0 : i32
    %dma_wait3A_325 = tpu.memref_slice %arg2[%dma_wait3A_323, %dma_wait3A_324] : memref<10000x128xf32, #tpu.memory_space<hbm>> -> memref<128x128xf32, #tpu.memory_space<hbm>>
    tpu.wait_dma2 semaphore(%arg19 : memref<!tpu.dma_semaphore, #tpu.memory_space<semaphore_mem>>) src(%dma_wait3A_325 : memref<128x128xf32, #tpu.memory_space<hbm>>) dst(%arg16 : memref<128x128xf32, #tpu.memory_space<vmem>>)
    %dma_start3A_326 = arith.constant 0 : i32
    %dma_start3A_327 = arith.constant 0 : i32
    %dma_start3A_328 = tpu.memref_slice %arg7[%dma_start3A_326, %dma_start3A_327] : memref<10112x128xf32, #tpu.memory_space<vmem_shared>> -> memref<10112x128xf32, #tpu.memory_space<vmem_shared>>
    tpu.enqueue_indirect_dma source(%arg16 : memref<128x128xf32, #tpu.memory_space<vmem>>) target(%dma_start3A_328 : memref<10112x128xf32, #tpu.memory_space<vmem_shared>>) offsets(%arg11 : memref<128xi32, #tpu.memory_space<vmem>>) semaphore(%arg22 : memref<!tpu.dma_semaphore, #tpu.memory_space<semaphore_mem>>) {add = true}
    %dma_wait3A_329 = arith.constant 0 : i32
    %dma_wait3A_330 = arith.constant 0 : i32
    %dma_wait3A_331 = tpu.memref_slice %arg2[%dma_wait3A_329, %dma_wait3A_330] : memref<10000x128xf32, #tpu.memory_space<hbm>> -> memref<128x128xf32, #tpu.memory_space<hbm>>
    %dma_wait3A_332 = arith.constant 0 : i32
    %dma_wait3A_333 = arith.constant 0 : i32
    %dma_wait3A_334 = tpu.memref_slice %arg2[%dma_wait3A_332, %dma_wait3A_333] : memref<10000x128xf32, #tpu.memory_space<hbm>> -> memref<128x128xf32, #tpu.memory_space<hbm>>
    tpu.wait_dma2 semaphore(%arg21 : memref<!tpu.dma_semaphore, #tpu.memory_space<semaphore_mem>>) src(%dma_wait3A_334 : memref<128x128xf32, #tpu.memory_space<hbm>>) dst(%arg15 : memref<128x128xf32, #tpu.memory_space<vmem>>)
    %dma_wait3A_335 = arith.constant 0 : i32
    %dma_wait3A_336 = arith.constant 0 : i32
    %dma_wait3A_337 = tpu.memref_slice %arg2[%dma_wait3A_335, %dma_wait3A_336] : memref<10000x128xf32, #tpu.memory_space<hbm>> -> memref<128x128xf32, #tpu.memory_space<hbm>>
    %dma_wait3A_338 = arith.constant 0 : i32
    %dma_wait3A_339 = arith.constant 0 : i32
    %dma_wait3A_340 = tpu.memref_slice %arg2[%dma_wait3A_338, %dma_wait3A_339] : memref<10000x128xf32, #tpu.memory_space<hbm>> -> memref<128x128xf32, #tpu.memory_space<hbm>>
    tpu.wait_dma2 semaphore(%arg20 : memref<!tpu.dma_semaphore, #tpu.memory_space<semaphore_mem>>) src(%dma_wait3A_340 : memref<128x128xf32, #tpu.memory_space<hbm>>) dst(%arg17 : memref<128x128xf32, #tpu.memory_space<vmem>>)
    %dma_start3A_341 = arith.constant 0 : i32
    %dma_start3A_342 = arith.constant 0 : i32
    %dma_start3A_343 = tpu.memref_slice %arg7[%dma_start3A_341, %dma_start3A_342] : memref<10112x128xf32, #tpu.memory_space<vmem_shared>> -> memref<10112x128xf32, #tpu.memory_space<vmem_shared>>
    tpu.enqueue_indirect_dma source(%arg17 : memref<128x128xf32, #tpu.memory_space<vmem>>) target(%dma_start3A_343 : memref<10112x128xf32, #tpu.memory_space<vmem_shared>>) offsets(%arg12 : memref<128xi32, #tpu.memory_space<vmem>>) semaphore(%arg23 : memref<!tpu.dma_semaphore, #tpu.memory_space<semaphore_mem>>) {add = true}
    %dma_wait3A_344 = arith.constant 0 : i32
    %dma_wait3A_345 = arith.constant 0 : i32
    %dma_wait3A_346 = tpu.memref_slice %arg2[%dma_wait3A_344, %dma_wait3A_345] : memref<10000x128xf32, #tpu.memory_space<hbm>> -> memref<128x128xf32, #tpu.memory_space<hbm>>
    %dma_wait3A_347 = arith.constant 0 : i32
    %dma_wait3A_348 = arith.constant 0 : i32
    %dma_wait3A_349 = tpu.memref_slice %arg2[%dma_wait3A_347, %dma_wait3A_348] : memref<10000x128xf32, #tpu.memory_space<hbm>> -> memref<128x128xf32, #tpu.memory_space<hbm>>
    tpu.wait_dma2 semaphore(%arg22 : memref<!tpu.dma_semaphore, #tpu.memory_space<semaphore_mem>>) src(%dma_wait3A_349 : memref<128x128xf32, #tpu.memory_space<hbm>>) dst(%arg16 : memref<128x128xf32, #tpu.memory_space<vmem>>)
    %dma_wait3A_350 = arith.constant 0 : i32
    %dma_wait3A_351 = arith.constant 0 : i32
    %dma_wait3A_352 = tpu.memref_slice %arg2[%dma_wait3A_350, %dma_wait3A_351] : memref<10000x128xf32, #tpu.memory_space<hbm>> -> memref<128x128xf32, #tpu.memory_space<hbm>>
    %dma_wait3A_353 = arith.constant 0 : i32
    %dma_wait3A_354 = arith.constant 0 : i32
    %dma_wait3A_355 = tpu.memref_slice %arg2[%dma_wait3A_353, %dma_wait3A_354] : memref<10000x128xf32, #tpu.memory_space<hbm>> -> memref<128x128xf32, #tpu.memory_space<hbm>>
    tpu.wait_dma2 semaphore(%arg23 : memref<!tpu.dma_semaphore, #tpu.memory_space<semaphore_mem>>) src(%dma_wait3A_355 : memref<128x128xf32, #tpu.memory_space<hbm>>) dst(%arg17 : memref<128x128xf32, #tpu.memory_space<vmem>>)
    %lt3A = arith.constant 4 : i32
    %lt3A_356 = arith.cmpi slt, %add3A, %lt3A : i32
    %convert_element_type3A = arith.extui %lt3A_356 : i1 to i32
    %cond3A = arith.constant 0 : i32
    %cond3A_357 = arith.cmpi ne, %convert_element_type3A, %cond3A : i32
    scf.if %cond3A_357 {
      %mul3A_368 = arith.constant 128 : i32
      %mul3A_369 = arith.muli %add3A, %mul3A_368 : i32
      %add3A_370 = arith.constant 319488 : i32
      %add3A_371 = arith.addi %add3A_370, %mul3A_369 : i32
      %run_scoped3A = arith.constant 0 : i32
      "tpu.region"() ({
        %run_scoped3A_379 = tpu.sem_alloc : memref<!tpu.dma_semaphore, #tpu.memory_space<semaphore_mem>>
        %dma_start3A_380 = tpu.memref_slice %arg3[%run_scoped3A, %add3A_371] : memref<2x320000xi32, #tpu.memory_space<hbm>> -> memref<1x128xi32, #tpu.memory_space<hbm>>
        %dma_start3A_381 = tpu.memref_squeeze %dma_start3A_380 : memref<1x128xi32, #tpu.memory_space<hbm>> -> memref<128xi32, #tpu.memory_space<hbm>>
        %dma_start3A_382 = tpu.memref_slice %arg3[%run_scoped3A, %add3A_371] : memref<2x320000xi32, #tpu.memory_space<hbm>> -> memref<1x128xi32, #tpu.memory_space<hbm>>
        %dma_start3A_383 = tpu.memref_squeeze %dma_start3A_382 : memref<1x128xi32, #tpu.memory_space<hbm>> -> memref<128xi32, #tpu.memory_space<hbm>>
        tpu.enqueue_dma source(%dma_start3A_383 : memref<128xi32, #tpu.memory_space<hbm>>) target(%arg8 : memref<128xi32, #tpu.memory_space<vmem>>) target_semaphore(%run_scoped3A_379 : memref<!tpu.dma_semaphore, #tpu.memory_space<semaphore_mem>>)
        %dma_wait3A_384 = tpu.memref_slice %arg3[%run_scoped3A, %add3A_371] : memref<2x320000xi32, #tpu.memory_space<hbm>> -> memref<1x128xi32, #tpu.memory_space<hbm>>
        %dma_wait3A_385 = tpu.memref_squeeze %dma_wait3A_384 : memref<1x128xi32, #tpu.memory_space<hbm>> -> memref<128xi32, #tpu.memory_space<hbm>>
        %dma_wait3A_386 = tpu.memref_slice %arg3[%run_scoped3A, %add3A_371] : memref<2x320000xi32, #tpu.memory_space<hbm>> -> memref<1x128xi32, #tpu.memory_space<hbm>>
        %dma_wait3A_387 = tpu.memref_squeeze %dma_wait3A_386 : memref<1x128xi32, #tpu.memory_space<hbm>> -> memref<128xi32, #tpu.memory_space<hbm>>
        tpu.wait_dma2 semaphore(%run_scoped3A_379 : memref<!tpu.dma_semaphore, #tpu.memory_space<semaphore_mem>>) src(%dma_wait3A_387 : memref<128xi32, #tpu.memory_space<hbm>>) dst(%arg8 : memref<128xi32, #tpu.memory_space<vmem>>)
        tpu.yield
      }) : () -> ()
      %run_scoped3A_372 = arith.constant 1 : i32
      "tpu.region"() ({
        %run_scoped3A_379 = tpu.sem_alloc : memref<!tpu.dma_semaphore, #tpu.memory_space<semaphore_mem>>
        %dma_start3A_380 = tpu.memref_slice %arg3[%run_scoped3A_372, %add3A_371] : memref<2x320000xi32, #tpu.memory_space<hbm>> -> memref<1x128xi32, #tpu.memory_space<hbm>>
        %dma_start3A_381 = tpu.memref_squeeze %dma_start3A_380 : memref<1x128xi32, #tpu.memory_space<hbm>> -> memref<128xi32, #tpu.memory_space<hbm>>
        %dma_start3A_382 = tpu.memref_slice %arg3[%run_scoped3A_372, %add3A_371] : memref<2x320000xi32, #tpu.memory_space<hbm>> -> memref<1x128xi32, #tpu.memory_space<hbm>>
        %dma_start3A_383 = tpu.memref_squeeze %dma_start3A_382 : memref<1x128xi32, #tpu.memory_space<hbm>> -> memref<128xi32, #tpu.memory_space<hbm>>
        tpu.enqueue_dma source(%dma_start3A_383 : memref<128xi32, #tpu.memory_space<hbm>>) target(%arg11 : memref<128xi32, #tpu.memory_space<vmem>>) target_semaphore(%run_scoped3A_379 : memref<!tpu.dma_semaphore, #tpu.memory_space<semaphore_mem>>)
        %dma_wait3A_384 = tpu.memref_slice %arg3[%run_scoped3A_372, %add3A_371] : memref<2x320000xi32, #tpu.memory_space<hbm>> -> memref<1x128xi32, #tpu.memory_space<hbm>>
        %dma_wait3A_385 = tpu.memref_squeeze %dma_wait3A_384 : memref<1x128xi32, #tpu.memory_space<hbm>> -> memref<128xi32, #tpu.memory_space<hbm>>
        %dma_wait3A_386 = tpu.memref_slice %arg3[%run_scoped3A_372, %add3A_371] : memref<2x320000xi32, #tpu.memory_space<hbm>> -> memref<1x128xi32, #tpu.memory_space<hbm>>
        %dma_wait3A_387 = tpu.memref_squeeze %dma_wait3A_386 : memref<1x128xi32, #tpu.memory_space<hbm>> -> memref<128xi32, #tpu.memory_space<hbm>>
        tpu.wait_dma2 semaphore(%run_scoped3A_379 : memref<!tpu.dma_semaphore, #tpu.memory_space<semaphore_mem>>) src(%dma_wait3A_387 : memref<128xi32, #tpu.memory_space<hbm>>) dst(%arg11 : memref<128xi32, #tpu.memory_space<vmem>>)
        tpu.yield
      }) : () -> ()
      %dma_start3A_373 = arith.constant 0 : i32
      %dma_start3A_374 = arith.constant 0 : i32
      %dma_start3A_375 = tpu.memref_slice %arg2[%dma_start3A_373, %dma_start3A_374] : memref<10000x128xf32, #tpu.memory_space<hbm>> -> memref<10000x128xf32, #tpu.memory_space<hbm>>
      tpu.enqueue_indirect_dma source(%dma_start3A_375 : memref<10000x128xf32, #tpu.memory_space<hbm>>) target(%arg15 : memref<128x128xf32, #tpu.memory_space<vmem>>) offsets(%arg8 : memref<128xi32, #tpu.memory_space<vmem>>) semaphore(%arg31 : memref<!tpu.dma_semaphore, #tpu.memory_space<semaphore_mem>>)
      %dma_wait3A_376 = arith.constant 0 : i32
      %dma_wait3A_377 = arith.constant 0 : i32
      %dma_wait3A_378 = tpu.memref_slice %arg2[%dma_wait3A_376, %dma_wait3A_377] : memref<10000x128xf32, #tpu.memory_space<hbm>> -> memref<10000x128xf32, #tpu.memory_space<hbm>>
      tpu.wait_indirect_dma semaphore(%arg31 : memref<!tpu.dma_semaphore, #tpu.memory_space<semaphore_mem>>) src(%dma_wait3A_378 : memref<10000x128xf32, #tpu.memory_space<hbm>>) dst(%arg15 : memref<128x128xf32, #tpu.memory_space<vmem>>)
      "tpu.region"() ({
        %run_scoped3A_379 = tpu.sem_alloc : memref<!tpu.dma_semaphore, #tpu.memory_space<semaphore_mem>>
        %dma_start3A_380 = arith.constant 0 : i32
        %dma_start3A_381 = arith.constant 0 : i32
        %dma_start3A_382 = tpu.memref_slice %arg7[%dma_start3A_380, %dma_start3A_381] : memref<10112x128xf32, #tpu.memory_space<vmem_shared>> -> memref<10112x128xf32, #tpu.memory_space<vmem_shared>>
        tpu.enqueue_indirect_dma source(%arg15 : memref<128x128xf32, #tpu.memory_space<vmem>>) target(%dma_start3A_382 : memref<10112x128xf32, #tpu.memory_space<vmem_shared>>) offsets(%arg11 : memref<128xi32, #tpu.memory_space<vmem>>) semaphore(%run_scoped3A_379 : memref<!tpu.dma_semaphore, #tpu.memory_space<semaphore_mem>>) {add = true}
        %dma_wait3A_383 = arith.constant 0 : i32
        %dma_wait3A_384 = arith.constant 0 : i32
        %dma_wait3A_385 = tpu.memref_slice %arg7[%dma_wait3A_383, %dma_wait3A_384] : memref<10112x128xf32, #tpu.memory_space<vmem_shared>> -> memref<10112x128xf32, #tpu.memory_space<vmem_shared>>
        tpu.wait_indirect_dma semaphore(%run_scoped3A_379 : memref<!tpu.dma_semaphore, #tpu.memory_space<semaphore_mem>>) src(%arg15 : memref<128x128xf32, #tpu.memory_space<vmem>>) dst(%dma_wait3A_385 : memref<10112x128xf32, #tpu.memory_space<vmem_shared>>)
        tpu.yield
      }) : () -> ()
    } else {
    }
    %barrier3A_358 = arith.constant 0 : index
    tpu.barrier barrier_id(%barrier3A_358)
    %eq3A = arith.constant 0 : i32
    %eq3A_359 = arith.cmpi eq, %arg0, %eq3A : i32
    %convert_element_type3A_360 = arith.extui %eq3A_359 : i1 to i32
    %cond3A_361 = arith.constant 0 : i32
    %cond3A_362 = arith.cmpi ne, %convert_element_type3A_360, %cond3A_361 : i32
    scf.if %cond3A_362 {
      %mul3A_368 = arith.constant 632 : i32
      %mul3A_369 = arith.muli %arg1, %mul3A_368 : i32
      %mul3A_370 = arith.constant 632 : i32
      %mul3A_371 = arith.muli %arg1, %mul3A_370 : i32
      "tpu.region"() ({
        %run_scoped3A = tpu.sem_alloc : memref<!tpu.dma_semaphore, #tpu.memory_space<semaphore_mem>>
        %dma_start3A_372 = arith.constant 0 : i32
        %dma_start3A_373 = tpu.memref_slice %arg5[%mul3A_371, %dma_start3A_372] : memref<10112x128xf32, #tpu.memory_space<hbm>> -> memref<632x128xf32, #tpu.memory_space<hbm>>
        %dma_start3A_374 = arith.constant 0 : i32
        %dma_start3A_375 = tpu.memref_slice %arg7[%mul3A_369, %dma_start3A_374] : memref<10112x128xf32, #tpu.memory_space<vmem_shared>> -> memref<632x128xf32, #tpu.memory_space<vmem_shared>>
        tpu.enqueue_dma source(%dma_start3A_375 : memref<632x128xf32, #tpu.memory_space<vmem_shared>>) target(%dma_start3A_373 : memref<632x128xf32, #tpu.memory_space<hbm>>) target_semaphore(%run_scoped3A : memref<!tpu.dma_semaphore, #tpu.memory_space<semaphore_mem>>)
        %dma_wait3A_376 = arith.constant 0 : i32
        %dma_wait3A_377 = tpu.memref_slice %arg5[%mul3A_371, %dma_wait3A_376] : memref<10112x128xf32, #tpu.memory_space<hbm>> -> memref<632x128xf32, #tpu.memory_space<hbm>>
        %dma_wait3A_378 = arith.constant 0 : i32
        %dma_wait3A_379 = tpu.memref_slice %arg7[%mul3A_369, %dma_wait3A_378] : memref<10112x128xf32, #tpu.memory_space<vmem_shared>> -> memref<632x128xf32, #tpu.memory_space<vmem_shared>>
        tpu.wait_dma2 semaphore(%run_scoped3A : memref<!tpu.dma_semaphore, #tpu.memory_space<semaphore_mem>>) src(%dma_wait3A_379 : memref<632x128xf32, #tpu.memory_space<vmem_shared>>) dst(%dma_wait3A_377 : memref<632x128xf32, #tpu.memory_space<hbm>>)
        tpu.yield
      }) : () -> ()
    } else {
    }
    %eq3A_363 = arith.constant 1 : i32
    %eq3A_364 = arith.cmpi eq, %arg0, %eq3A_363 : i32
    %convert_element_type3A_365 = arith.extui %eq3A_364 : i1 to i32
    %cond3A_366 = arith.constant 0 : i32
    %cond3A_367 = arith.cmpi ne, %convert_element_type3A_365, %cond3A_366 : i32
    scf.if %cond3A_367 {
      %mul3A_368 = arith.constant 632 : i32
      %mul3A_369 = arith.muli %arg1, %mul3A_368 : i32
      %mul3A_370 = arith.constant 632 : i32
      %mul3A_371 = arith.muli %arg1, %mul3A_370 : i32
      "tpu.region"() ({
        %run_scoped3A = tpu.sem_alloc : memref<!tpu.dma_semaphore, #tpu.memory_space<semaphore_mem>>
        %dma_start3A_372 = arith.constant 0 : i32
        %dma_start3A_373 = tpu.memref_slice %arg6[%mul3A_371, %dma_start3A_372] : memref<10112x128xf32, #tpu.memory_space<hbm>> -> memref<632x128xf32, #tpu.memory_space<hbm>>
        %dma_start3A_374 = arith.constant 0 : i32
        %dma_start3A_375 = tpu.memref_slice %arg7[%mul3A_369, %dma_start3A_374] : memref<10112x128xf32, #tpu.memory_space<vmem_shared>> -> memref<632x128xf32, #tpu.memory_space<vmem_shared>>
        tpu.enqueue_dma source(%dma_start3A_375 : memref<632x128xf32, #tpu.memory_space<vmem_shared>>) target(%dma_start3A_373 : memref<632x128xf32, #tpu.memory_space<hbm>>) target_semaphore(%run_scoped3A : memref<!tpu.dma_semaphore, #tpu.memory_space<semaphore_mem>>)
        %dma_wait3A_376 = arith.constant 0 : i32
        %dma_wait3A_377 = tpu.memref_slice %arg6[%mul3A_371, %dma_wait3A_376] : memref<10112x128xf32, #tpu.memory_space<hbm>> -> memref<632x128xf32, #tpu.memory_space<hbm>>
        %dma_wait3A_378 = arith.constant 0 : i32
        %dma_wait3A_379 = tpu.memref_slice %arg7[%mul3A_369, %dma_wait3A_378] : memref<10112x128xf32, #tpu.memory_space<vmem_shared>> -> memref<632x128xf32, #tpu.memory_space<vmem_shared>>
        tpu.wait_dma2 semaphore(%run_scoped3A : memref<!tpu.dma_semaphore, #tpu.memory_space<semaphore_mem>>) src(%dma_wait3A_379 : memref<632x128xf32, #tpu.memory_space<vmem_shared>>) dst(%dma_wait3A_377 : memref<632x128xf32, #tpu.memory_space<hbm>>)
        tpu.yield
      }) : () -> ()
    } else {
    }
    return
  }
}

#map = affine_map<(d0, d1) -> (0, 0)>
module attributes {stable_mosaic.version = 14 : i64} {
  func.func @_msg_minmax_body(%arg0: i32, %arg1: i32, %arg2: memref<80x128xf32, #tpu.memory_space<hbm>>, %arg3: memref<80x128xf32, #tpu.memory_space<hbm>>, %arg4: memref<2x320000xi32, #tpu.memory_space<hbm>>, %arg5: memref<32x16xf32, #tpu.memory_space<hbm>>, %arg6: memref<32x16xf32, #tpu.memory_space<hbm>>, %arg7: memref<80x128xf32, #tpu.memory_space<vmem>>, %arg8: memref<80x128xf32, #tpu.memory_space<vmem>>, %arg9: memref<9984xi32, #tpu.memory_space<vmem>>, %arg10: memref<128xi32, #tpu.memory_space<vmem>>, %arg11: memref<16xf32, #tpu.memory_space<vmem>>, %arg12: memref<16xf32, #tpu.memory_space<vmem>>) attributes {dimension_semantics = [#tpu.dimension_semantics<core_parallel>, #tpu.dimension_semantics<subcore_parallel>], iteration_bounds = array<i64: 2, 16>, scalar_prefetch = 0 : i64, scratch_operands = 6 : i64, tpu.core_type = #tpu.core_type<sc_vector_subcore>, window_params = [{transform_indices = #map}, {transform_indices = #map}, {transform_indices = #map}, {transform_indices = #map}, {transform_indices = #map}]} {
    %mul3A = arith.constant 2 : i32
    %mul3A_0 = arith.muli %arg1, %mul3A : i32
    %add3A = arith.addi %mul3A_0, %arg0 : i32
    "tpu.region"() ({
      %run_scoped3A_34 = tpu.sem_alloc : memref<!tpu.dma_semaphore, #tpu.memory_space<semaphore_mem>>
      tpu.enqueue_dma source(%arg2 : memref<80x128xf32, #tpu.memory_space<hbm>>) target(%arg7 : memref<80x128xf32, #tpu.memory_space<vmem>>) target_semaphore(%run_scoped3A_34 : memref<!tpu.dma_semaphore, #tpu.memory_space<semaphore_mem>>)
      tpu.wait_dma2 semaphore(%run_scoped3A_34 : memref<!tpu.dma_semaphore, #tpu.memory_space<semaphore_mem>>) src(%arg2 : memref<80x128xf32, #tpu.memory_space<hbm>>) dst(%arg7 : memref<80x128xf32, #tpu.memory_space<vmem>>)
      tpu.yield
    }) : () -> ()
    "tpu.region"() ({
      %run_scoped3A_34 = tpu.sem_alloc : memref<!tpu.dma_semaphore, #tpu.memory_space<semaphore_mem>>
      tpu.enqueue_dma source(%arg3 : memref<80x128xf32, #tpu.memory_space<hbm>>) target(%arg8 : memref<80x128xf32, #tpu.memory_space<vmem>>) target_semaphore(%run_scoped3A_34 : memref<!tpu.dma_semaphore, #tpu.memory_space<semaphore_mem>>)
      tpu.wait_dma2 semaphore(%run_scoped3A_34 : memref<!tpu.dma_semaphore, #tpu.memory_space<semaphore_mem>>) src(%arg3 : memref<80x128xf32, #tpu.memory_space<hbm>>) dst(%arg8 : memref<80x128xf32, #tpu.memory_space<vmem>>)
      tpu.yield
    }) : () -> ()
    %mul3A_1 = arith.constant 9984 : i32
    %mul3A_2 = arith.muli %add3A, %mul3A_1 : i32
    %run_scoped3A = arith.constant 0 : i32
    "tpu.region"() ({
      %run_scoped3A_34 = tpu.sem_alloc : memref<!tpu.dma_semaphore, #tpu.memory_space<semaphore_mem>>
      %dma_start3A = tpu.memref_slice %arg4[%run_scoped3A, %mul3A_2] : memref<2x320000xi32, #tpu.memory_space<hbm>> -> memref<1x9984xi32, #tpu.memory_space<hbm>>
      %dma_start3A_35 = tpu.memref_squeeze %dma_start3A : memref<1x9984xi32, #tpu.memory_space<hbm>> -> memref<9984xi32, #tpu.memory_space<hbm>>
      %dma_start3A_36 = tpu.memref_slice %arg4[%run_scoped3A, %mul3A_2] : memref<2x320000xi32, #tpu.memory_space<hbm>> -> memref<1x9984xi32, #tpu.memory_space<hbm>>
      %dma_start3A_37 = tpu.memref_squeeze %dma_start3A_36 : memref<1x9984xi32, #tpu.memory_space<hbm>> -> memref<9984xi32, #tpu.memory_space<hbm>>
      tpu.enqueue_dma source(%dma_start3A_37 : memref<9984xi32, #tpu.memory_space<hbm>>) target(%arg9 : memref<9984xi32, #tpu.memory_space<vmem>>) target_semaphore(%run_scoped3A_34 : memref<!tpu.dma_semaphore, #tpu.memory_space<semaphore_mem>>)
      %dma_wait3A = tpu.memref_slice %arg4[%run_scoped3A, %mul3A_2] : memref<2x320000xi32, #tpu.memory_space<hbm>> -> memref<1x9984xi32, #tpu.memory_space<hbm>>
      %dma_wait3A_38 = tpu.memref_squeeze %dma_wait3A : memref<1x9984xi32, #tpu.memory_space<hbm>> -> memref<9984xi32, #tpu.memory_space<hbm>>
      %dma_wait3A_39 = tpu.memref_slice %arg4[%run_scoped3A, %mul3A_2] : memref<2x320000xi32, #tpu.memory_space<hbm>> -> memref<1x9984xi32, #tpu.memory_space<hbm>>
      %dma_wait3A_40 = tpu.memref_squeeze %dma_wait3A_39 : memref<1x9984xi32, #tpu.memory_space<hbm>> -> memref<9984xi32, #tpu.memory_space<hbm>>
      tpu.wait_dma2 semaphore(%run_scoped3A_34 : memref<!tpu.dma_semaphore, #tpu.memory_space<semaphore_mem>>) src(%dma_wait3A_40 : memref<9984xi32, #tpu.memory_space<hbm>>) dst(%arg9 : memref<9984xi32, #tpu.memory_space<vmem>>)
      tpu.yield
    }) : () -> ()
    %jit3A = arith.constant 4 : i32
    %eq3A = arith.constant 0 : i32
    %eq3A_3 = arith.cmpi eq, %jit3A, %eq3A : i32
    %jit3A_4 = arith.constant 1 : i32
    %select_n3A = arith.select %eq3A_3, %jit3A_4, %jit3A : i32
    %rem3A = arith.remsi %add3A, %select_n3A : i32
    %ne3A = arith.constant 0 : i32
    %ne3A_5 = arith.cmpi ne, %rem3A, %ne3A : i32
    %lt3A = arith.constant 0 : i32
    %lt3A_6 = arith.cmpi slt, %rem3A, %lt3A : i32
    %lt3A_7 = arith.constant 0 : i32
    %lt3A_8 = arith.cmpi slt, %select_n3A, %lt3A_7 : i32
    %ne3A_9 = arith.xori %lt3A_6, %lt3A_8 : i1
    %and3A = arith.andi %ne3A_9, %ne3A_5 : i1
    %add3A_10 = arith.addi %rem3A, %select_n3A : i32
    %select_n3A_11 = arith.select %and3A, %add3A_10, %rem3A : i32
    %mul3A_12 = arith.constant 128 : i32
    %mul3A_13 = arith.muli %select_n3A_11, %mul3A_12 : i32
    %add3A_14 = arith.constant 319488 : i32
    %add3A_15 = arith.addi %add3A_14, %mul3A_13 : i32
    %run_scoped3A_16 = arith.constant 0 : i32
    "tpu.region"() ({
      %run_scoped3A_34 = tpu.sem_alloc : memref<!tpu.dma_semaphore, #tpu.memory_space<semaphore_mem>>
      %dma_start3A = tpu.memref_slice %arg4[%run_scoped3A_16, %add3A_15] : memref<2x320000xi32, #tpu.memory_space<hbm>> -> memref<1x128xi32, #tpu.memory_space<hbm>>
      %dma_start3A_35 = tpu.memref_squeeze %dma_start3A : memref<1x128xi32, #tpu.memory_space<hbm>> -> memref<128xi32, #tpu.memory_space<hbm>>
      %dma_start3A_36 = tpu.memref_slice %arg4[%run_scoped3A_16, %add3A_15] : memref<2x320000xi32, #tpu.memory_space<hbm>> -> memref<1x128xi32, #tpu.memory_space<hbm>>
      %dma_start3A_37 = tpu.memref_squeeze %dma_start3A_36 : memref<1x128xi32, #tpu.memory_space<hbm>> -> memref<128xi32, #tpu.memory_space<hbm>>
      tpu.enqueue_dma source(%dma_start3A_37 : memref<128xi32, #tpu.memory_space<hbm>>) target(%arg10 : memref<128xi32, #tpu.memory_space<vmem>>) target_semaphore(%run_scoped3A_34 : memref<!tpu.dma_semaphore, #tpu.memory_space<semaphore_mem>>)
      %dma_wait3A = tpu.memref_slice %arg4[%run_scoped3A_16, %add3A_15] : memref<2x320000xi32, #tpu.memory_space<hbm>> -> memref<1x128xi32, #tpu.memory_space<hbm>>
      %dma_wait3A_38 = tpu.memref_squeeze %dma_wait3A : memref<1x128xi32, #tpu.memory_space<hbm>> -> memref<128xi32, #tpu.memory_space<hbm>>
      %dma_wait3A_39 = tpu.memref_slice %arg4[%run_scoped3A_16, %add3A_15] : memref<2x320000xi32, #tpu.memory_space<hbm>> -> memref<1x128xi32, #tpu.memory_space<hbm>>
      %dma_wait3A_40 = tpu.memref_squeeze %dma_wait3A_39 : memref<1x128xi32, #tpu.memory_space<hbm>> -> memref<128xi32, #tpu.memory_space<hbm>>
      tpu.wait_dma2 semaphore(%run_scoped3A_34 : memref<!tpu.dma_semaphore, #tpu.memory_space<semaphore_mem>>) src(%dma_wait3A_40 : memref<128xi32, #tpu.memory_space<hbm>>) dst(%arg10 : memref<128xi32, #tpu.memory_space<vmem>>)
      tpu.yield
    }) : () -> ()
    %broadcast_in_dim3A = arith.constant 0x7F800000 : f32
    %broadcast_in_dim3A_17 = vector.broadcast %broadcast_in_dim3A : f32 to vector<16xf32>
    %broadcast_in_dim3A_18 = arith.constant 0xFF800000 : f32
    %broadcast_in_dim3A_19 = vector.broadcast %broadcast_in_dim3A_18 : f32 to vector<16xf32>
    %scan3A = arith.constant 0 : i32
    %scan3A_20 = arith.constant 624 : i32
    %scan3A_21 = arith.addi %scan3A, %scan3A_20 : i32
    %scan3A_22 = arith.constant 1 : i32
    %scan3A_23:2 = scf.for %scan3A_34 = %scan3A to %scan3A_21 step %scan3A_22 iter_args(%scan3A_35 = %broadcast_in_dim3A_17, %scan3A_36 = %broadcast_in_dim3A_19) -> (vector<16xf32>, vector<16xf32>)  : i32 {
      %mul3A_37 = arith.constant 16 : i32
      %mul3A_38 = arith.muli %scan3A_34, %mul3A_37 : i32
      %get3A = arith.index_cast %mul3A_38 : i32 to index
      %get3A_39 = tpu.vector_load %arg9[%get3A] {strides = array<i32>} : memref<9984xi32, #tpu.memory_space<vmem>>, vector<16xi32>,
      %shift_right_logical3A = arith.constant 7 : i32
      %shift_right_logical3A_40 = vector.broadcast %shift_right_logical3A : i32 to vector<16xi32>
      %shift_right_logical3A_41 = arith.shrui %get3A_39, %shift_right_logical3A_40 : vector<16xi32>
      %and3A_42 = arith.constant 127 : i32
      %and3A_43 = vector.broadcast %and3A_42 : i32 to vector<16xi32>
      %and3A_44 = arith.andi %get3A_39, %and3A_43 : vector<16xi32>
      %gather3A = tpu.vector_load_idx %arg7[%shift_right_logical3A_41, %and3A_44] : memref<80x128xf32, #tpu.memory_space<vmem>>[vector<16xi32>, vector<16xi32>], vector<16xf32>,
      %gather3A_45 = tpu.vector_load_idx %arg8[%shift_right_logical3A_41, %and3A_44] : memref<80x128xf32, #tpu.memory_space<vmem>>[vector<16xi32>, vector<16xi32>], vector<16xf32>,
      %min3A = arith.minimumf %scan3A_35, %gather3A : vector<16xf32>
      %max3A = arith.maximumf %scan3A_36, %gather3A_45 : vector<16xf32>
      scf.yield %min3A, %max3A : vector<16xf32>, vector<16xf32>
    }
    %scan3A_24 = arith.constant 624 : i32
    %scan3A_25 = arith.constant 0 : i32
    %scan3A_26 = arith.constant 8 : i32
    %scan3A_27 = arith.addi %scan3A_25, %scan3A_26 : i32
    %scan3A_28 = arith.constant 1 : i32
    %scan3A_29:2 = scf.for %scan3A_34 = %scan3A_25 to %scan3A_27 step %scan3A_28 iter_args(%scan3A_35 = %scan3A_23#0, %scan3A_36 = %scan3A_23#1) -> (vector<16xf32>, vector<16xf32>)  : i32 {
      %mul3A_37 = arith.constant 16 : i32
      %mul3A_38 = arith.muli %scan3A_34, %mul3A_37 : i32
      %get3A = arith.index_cast %mul3A_38 : i32 to index
      %get3A_39 = tpu.vector_load %arg10[%get3A] {strides = array<i32>} : memref<128xi32, #tpu.memory_space<vmem>>, vector<16xi32>,
      %shift_right_logical3A = arith.constant 7 : i32
      %shift_right_logical3A_40 = vector.broadcast %shift_right_logical3A : i32 to vector<16xi32>
      %shift_right_logical3A_41 = arith.shrui %get3A_39, %shift_right_logical3A_40 : vector<16xi32>
      %and3A_42 = arith.constant 127 : i32
      %and3A_43 = vector.broadcast %and3A_42 : i32 to vector<16xi32>
      %and3A_44 = arith.andi %get3A_39, %and3A_43 : vector<16xi32>
      %gather3A = tpu.vector_load_idx %arg7[%shift_right_logical3A_41, %and3A_44] : memref<80x128xf32, #tpu.memory_space<vmem>>[vector<16xi32>, vector<16xi32>], vector<16xf32>,
      %gather3A_45 = tpu.vector_load_idx %arg8[%shift_right_logical3A_41, %and3A_44] : memref<80x128xf32, #tpu.memory_space<vmem>>[vector<16xi32>, vector<16xi32>], vector<16xf32>,
      %min3A = arith.minimumf %scan3A_35, %gather3A : vector<16xf32>
      %max3A = arith.maximumf %scan3A_36, %gather3A_45 : vector<16xf32>
      scf.yield %min3A, %max3A : vector<16xf32>, vector<16xf32>
    }
    %scan3A_30 = arith.constant 8 : i32
    %swap3A = arith.constant 0 : index
    %swap3A_31 = tpu.vector_load %arg11[%swap3A] {strides = array<i32>} : memref<16xf32, #tpu.memory_space<vmem>>, vector<16xf32>,
    tpu.vector_store %arg11[%swap3A], %scan3A_29#0 {strides = array<i32>} : memref<16xf32, #tpu.memory_space<vmem>>, vector<16xf32>,
    %swap3A_32 = arith.constant 0 : index
    %swap3A_33 = tpu.vector_load %arg12[%swap3A_32] {strides = array<i32>} : memref<16xf32, #tpu.memory_space<vmem>>, vector<16xf32>,
    tpu.vector_store %arg12[%swap3A_32], %scan3A_29#1 {strides = array<i32>} : memref<16xf32, #tpu.memory_space<vmem>>, vector<16xf32>,
    "tpu.region"() ({
      %run_scoped3A_34 = tpu.sem_alloc : memref<!tpu.dma_semaphore, #tpu.memory_space<semaphore_mem>>
      %dma_start3A = arith.constant 0 : i32
      %dma_start3A_35 = tpu.memref_slice %arg5[%add3A, %dma_start3A] : memref<32x16xf32, #tpu.memory_space<hbm>> -> memref<1x16xf32, #tpu.memory_space<hbm>>
      %dma_start3A_36 = tpu.memref_squeeze %dma_start3A_35 : memref<1x16xf32, #tpu.memory_space<hbm>> -> memref<16xf32, #tpu.memory_space<hbm>>
      %dma_start3A_37 = arith.constant 0 : i32
      %dma_start3A_38 = tpu.memref_slice %arg5[%add3A, %dma_start3A_37] : memref<32x16xf32, #tpu.memory_space<hbm>> -> memref<1x16xf32, #tpu.memory_space<hbm>>
      %dma_start3A_39 = tpu.memref_squeeze %dma_start3A_38 : memref<1x16xf32, #tpu.memory_space<hbm>> -> memref<16xf32, #tpu.memory_space<hbm>>
      tpu.enqueue_dma source(%arg11 : memref<16xf32, #tpu.memory_space<vmem>>) target(%dma_start3A_39 : memref<16xf32, #tpu.memory_space<hbm>>) target_semaphore(%run_scoped3A_34 : memref<!tpu.dma_semaphore, #tpu.memory_space<semaphore_mem>>)
      %dma_wait3A = arith.constant 0 : i32
      %dma_wait3A_40 = tpu.memref_slice %arg5[%add3A, %dma_wait3A] : memref<32x16xf32, #tpu.memory_space<hbm>> -> memref<1x16xf32, #tpu.memory_space<hbm>>
      %dma_wait3A_41 = tpu.memref_squeeze %dma_wait3A_40 : memref<1x16xf32, #tpu.memory_space<hbm>> -> memref<16xf32, #tpu.memory_space<hbm>>
      %dma_wait3A_42 = arith.constant 0 : i32
      %dma_wait3A_43 = tpu.memref_slice %arg5[%add3A, %dma_wait3A_42] : memref<32x16xf32, #tpu.memory_space<hbm>> -> memref<1x16xf32, #tpu.memory_space<hbm>>
      %dma_wait3A_44 = tpu.memref_squeeze %dma_wait3A_43 : memref<1x16xf32, #tpu.memory_space<hbm>> -> memref<16xf32, #tpu.memory_space<hbm>>
      tpu.wait_dma2 semaphore(%run_scoped3A_34 : memref<!tpu.dma_semaphore, #tpu.memory_space<semaphore_mem>>) src(%arg11 : memref<16xf32, #tpu.memory_space<vmem>>) dst(%dma_wait3A_44 : memref<16xf32, #tpu.memory_space<hbm>>)
      tpu.yield
    }) : () -> ()
    "tpu.region"() ({
      %run_scoped3A_34 = tpu.sem_alloc : memref<!tpu.dma_semaphore, #tpu.memory_space<semaphore_mem>>
      %dma_start3A = arith.constant 0 : i32
      %dma_start3A_35 = tpu.memref_slice %arg6[%add3A, %dma_start3A] : memref<32x16xf32, #tpu.memory_space<hbm>> -> memref<1x16xf32, #tpu.memory_space<hbm>>
      %dma_start3A_36 = tpu.memref_squeeze %dma_start3A_35 : memref<1x16xf32, #tpu.memory_space<hbm>> -> memref<16xf32, #tpu.memory_space<hbm>>
      %dma_start3A_37 = arith.constant 0 : i32
      %dma_start3A_38 = tpu.memref_slice %arg6[%add3A, %dma_start3A_37] : memref<32x16xf32, #tpu.memory_space<hbm>> -> memref<1x16xf32, #tpu.memory_space<hbm>>
      %dma_start3A_39 = tpu.memref_squeeze %dma_start3A_38 : memref<1x16xf32, #tpu.memory_space<hbm>> -> memref<16xf32, #tpu.memory_space<hbm>>
      tpu.enqueue_dma source(%arg12 : memref<16xf32, #tpu.memory_space<vmem>>) target(%dma_start3A_39 : memref<16xf32, #tpu.memory_space<hbm>>) target_semaphore(%run_scoped3A_34 : memref<!tpu.dma_semaphore, #tpu.memory_space<semaphore_mem>>)
      %dma_wait3A = arith.constant 0 : i32
      %dma_wait3A_40 = tpu.memref_slice %arg6[%add3A, %dma_wait3A] : memref<32x16xf32, #tpu.memory_space<hbm>> -> memref<1x16xf32, #tpu.memory_space<hbm>>
      %dma_wait3A_41 = tpu.memref_squeeze %dma_wait3A_40 : memref<1x16xf32, #tpu.memory_space<hbm>> -> memref<16xf32, #tpu.memory_space<hbm>>
      %dma_wait3A_42 = arith.constant 0 : i32
      %dma_wait3A_43 = tpu.memref_slice %arg6[%add3A, %dma_wait3A_42] : memref<32x16xf32, #tpu.memory_space<hbm>> -> memref<1x16xf32, #tpu.memory_space<hbm>>
      %dma_wait3A_44 = tpu.memref_squeeze %dma_wait3A_43 : memref<1x16xf32, #tpu.memory_space<hbm>> -> memref<16xf32, #tpu.memory_space<hbm>>
      tpu.wait_dma2 semaphore(%run_scoped3A_34 : memref<!tpu.dma_semaphore, #tpu.memory_space<semaphore_mem>>) src(%arg12 : memref<16xf32, #tpu.memory_space<vmem>>) dst(%dma_wait3A_44 : memref<16xf32, #tpu.memory_space<hbm>>)
      tpu.yield
    }) : () -> ()
    return
  }
}

module attributes {stable_mosaic.version = 14 : i64} {
  func.func @_quant_x_body(%arg0: memref<10000x128xf32, #tpu.memory_space<vmem>>, %arg1: memref<32x16xf32, #tpu.memory_space<vmem>>, %arg2: memref<32x16xf32, #tpu.memory_space<vmem>>, %arg3: memref<10000x128xf32, #tpu.memory_space<vmem>>) attributes {dimension_semantics = [], scalar_prefetch = 0 : i64, scratch_operands = 0 : i64, tpu.core_type = #tpu.core_type<tc>} {
    %get3A = arith.constant 0 : index
    %get3A_0 = arith.constant 0 : index
    %get3A_1 = vector.load %arg1[%get3A, %get3A_0] : memref<32x16xf32, #tpu.memory_space<vmem>>, vector<32x16xf32>
    %reduce_min3A = vector.shape_cast %get3A_1 : vector<32x16xf32> to vector<1x32x16xf32>
    %reduce_min3A_2 = arith.constant dense<0x7F800000> : vector<1xf32>
    %reduce_min3A_3 = vector.multi_reduction <minimumf>, %reduce_min3A, %reduce_min3A_2 [1, 2] : vector<1x32x16xf32> to vector<1xf32>
    %reduce_min3A_4 = vector.shape_cast %reduce_min3A_3 : vector<1xf32> to vector<1x1x1xf32>
    %reduce_min3A_5 = vector.extract %reduce_min3A_4[0, 0, 0] : f32 from vector<1x1x1xf32>
    %min3A = arith.constant 0.000000e+00 : f32
    %min3A_6 = arith.minimumf %reduce_min3A_5, %min3A : f32
    %get3A_7 = arith.constant 0 : index
    %get3A_8 = arith.constant 0 : index
    %get3A_9 = vector.load %arg2[%get3A_7, %get3A_8] : memref<32x16xf32, #tpu.memory_space<vmem>>, vector<32x16xf32>
    %reduce_max3A = vector.shape_cast %get3A_9 : vector<32x16xf32> to vector<1x32x16xf32>
    %reduce_max3A_10 = arith.constant dense<0xFF800000> : vector<1xf32>
    %reduce_max3A_11 = vector.multi_reduction <maximumf>, %reduce_max3A, %reduce_max3A_10 [1, 2] : vector<1x32x16xf32> to vector<1xf32>
    %reduce_max3A_12 = vector.shape_cast %reduce_max3A_11 : vector<1xf32> to vector<1x1x1xf32>
    %reduce_max3A_13 = vector.extract %reduce_max3A_12[0, 0, 0] : f32 from vector<1x1x1xf32>
    %max3A = arith.constant 0.000000e+00 : f32
    %max3A_14 = arith.maximumf %reduce_max3A_13, %max3A : f32
    %sub3A = arith.subf %max3A_14, %min3A_6 : f32
    %div3A = arith.constant 2.550000e+02 : f32
    %div3A_15 = arith.divf %sub3A, %div3A : f32
    %max3A_16 = arith.constant 9.99999993E-9 : f32
    %max3A_17 = arith.maximumf %div3A_15, %max3A_16 : f32
    %div3A_18 = arith.divf %min3A_6, %max3A_17 : f32
    %round3A = math.roundeven %div3A_18 : f32
    %sub3A_19 = arith.constant -1.280000e+02 : f32
    %sub3A_20 = arith.subf %sub3A_19, %round3A : f32
    %get3A_21 = arith.constant 0 : index
    %get3A_22 = arith.constant 0 : index
    %get3A_23 = vector.load %arg0[%get3A_21, %get3A_22] : memref<10000x128xf32, #tpu.memory_space<vmem>>, vector<10000x128xf32>
    %div3A_24 = vector.broadcast %max3A_17 : f32 to vector<10000x128xf32>
    %div3A_25 = arith.divf %get3A_23, %div3A_24 : vector<10000x128xf32>
    %round3A_26 = math.roundeven %div3A_25 : vector<10000x128xf32>
    %add3A = vector.broadcast %sub3A_20 : f32 to vector<10000x128xf32>
    %add3A_27 = arith.addf %round3A_26, %add3A : vector<10000x128xf32>
    %jit3A = arith.constant -1.280000e+02 : f32
    %jit3A_28 = arith.constant 1.270000e+02 : f32
    %max3A_29 = vector.broadcast %jit3A : f32 to vector<10000x128xf32>
    %max3A_30 = arith.maximumf %max3A_29, %add3A_27 : vector<10000x128xf32>
    %min3A_31 = vector.broadcast %jit3A_28 : f32 to vector<10000x128xf32>
    %min3A_32 = arith.minimumf %min3A_31, %max3A_30 : vector<10000x128xf32>
    %sub3A_33 = vector.broadcast %sub3A_20 : f32 to vector<10000x128xf32>
    %sub3A_34 = arith.subf %min3A_32, %sub3A_33 : vector<10000x128xf32>
    %mul3A = vector.broadcast %max3A_17 : f32 to vector<10000x128xf32>
    %mul3A_35 = arith.mulf %sub3A_34, %mul3A : vector<10000x128xf32>
    %swap3A = arith.constant 0 : index
    %swap3A_36 = arith.constant 0 : index
    %swap3A_37 = vector.load %arg3[%swap3A, %swap3A_36] : memref<10000x128xf32, #tpu.memory_space<vmem>>, vector<10000x128xf32>
    tpu.vector_store %arg3[%swap3A, %swap3A_36], %mul3A_35 {strides = array<i32>} : memref<10000x128xf32, #tpu.memory_space<vmem>>, vector<10000x128xf32>,
    return
  }
}

module attributes {stable_mosaic.version = 14 : i64} {
  func.func @_finish_body(%arg0: i32, %arg1: i32, %arg2: memref<2000x128xf32, #tpu.memory_space<vmem>>, %arg3: memref<2000x128xf32, #tpu.memory_space<vmem>>, %arg4: memref<2000x128xf32, #tpu.memory_space<vmem>>, %arg5: memref<1xf32, #tpu.memory_space<smem>>, %arg6: memref<1xf32, #tpu.memory_space<smem>>) attributes {dimension_semantics = [#tpu.dimension_semantics<arbitrary>, #tpu.dimension_semantics<arbitrary>], iteration_bounds = array<i64: 2, 5>, scalar_prefetch = 0 : i64, scratch_operands = 2 : i64, tpu.core_type = #tpu.core_type<tc>, window_params = [{transform_indices = @transform_0, window_bounds = array<i64: 2000, 128>}, {transform_indices = @transform_1, window_bounds = array<i64: 2000, 128>}, {transform_indices = @transform_2, window_bounds = array<i64: 2000, 128>}]} {
    %get3A = arith.constant 0 : index
    %get3A_0 = arith.constant 0 : index
    %get3A_1 = vector.load %arg2[%get3A, %get3A_0] : memref<2000x128xf32, #tpu.memory_space<vmem>>, vector<2000x128xf32>
    %get3A_2 = arith.constant 0 : index
    %get3A_3 = arith.constant 0 : index
    %get3A_4 = vector.load %arg3[%get3A_2, %get3A_3] : memref<2000x128xf32, #tpu.memory_space<vmem>>, vector<2000x128xf32>
    %add3A = arith.addf %get3A_1, %get3A_4 : vector<2000x128xf32>
    %eq3A = arith.constant 0 : i32
    %eq3A_5 = arith.cmpi eq, %arg0, %eq3A : i32
    %eq3A_6 = arith.constant 0 : i32
    %eq3A_7 = arith.cmpi eq, %arg1, %eq3A_6 : i32
    %and3A = arith.andi %eq3A_5, %eq3A_7 : i1
    %convert_element_type3A = arith.extui %and3A : i1 to i32
    %cond3A = arith.constant 0 : i32
    %cond3A_8 = arith.cmpi ne, %convert_element_type3A, %cond3A : i32
    scf.if %cond3A_8 {
      %reduce_min3A = vector.shape_cast %add3A : vector<2000x128xf32> to vector<1x2000x128xf32>
      %reduce_min3A_21 = arith.constant dense<0x7F800000> : vector<1xf32>
      %reduce_min3A_22 = vector.multi_reduction <minimumf>, %reduce_min3A, %reduce_min3A_21 [1, 2] : vector<1x2000x128xf32> to vector<1xf32>
      %reduce_min3A_23 = vector.shape_cast %reduce_min3A_22 : vector<1xf32> to vector<1x1x1xf32>
      %reduce_min3A_24 = vector.extract %reduce_min3A_23[0, 0, 0] : f32 from vector<1x1x1xf32>
      %swap3A = arith.constant 0 : index
      %swap3A_25 = memref.load %arg5[%swap3A] : memref<1xf32, #tpu.memory_space<smem>>
      memref.store %reduce_min3A_24, %arg5[%swap3A] : memref<1xf32, #tpu.memory_space<smem>>
      %reduce_max3A = vector.shape_cast %add3A : vector<2000x128xf32> to vector<1x2000x128xf32>
      %reduce_max3A_26 = arith.constant dense<0xFF800000> : vector<1xf32>
      %reduce_max3A_27 = vector.multi_reduction <maximumf>, %reduce_max3A, %reduce_max3A_26 [1, 2] : vector<1x2000x128xf32> to vector<1xf32>
      %reduce_max3A_28 = vector.shape_cast %reduce_max3A_27 : vector<1xf32> to vector<1x1x1xf32>
      %reduce_max3A_29 = vector.extract %reduce_max3A_28[0, 0, 0] : f32 from vector<1x1x1xf32>
      %swap3A_30 = arith.constant 0 : index
      %swap3A_31 = memref.load %arg6[%swap3A_30] : memref<1xf32, #tpu.memory_space<smem>>
      memref.store %reduce_max3A_29, %arg6[%swap3A_30] : memref<1xf32, #tpu.memory_space<smem>>
    } else {
    }
    %eq3A_9 = arith.constant 0 : i32
    %eq3A_10 = arith.cmpi eq, %arg0, %eq3A_9 : i32
    %gt3A = arith.constant 0 : i32
    %gt3A_11 = arith.cmpi sgt, %arg1, %gt3A : i32
    %and3A_12 = arith.andi %eq3A_10, %gt3A_11 : i1
    %convert_element_type3A_13 = arith.extui %and3A_12 : i1 to i32
    %cond3A_14 = arith.constant 0 : i32
    %cond3A_15 = arith.cmpi ne, %convert_element_type3A_13, %cond3A_14 : i32
    scf.if %cond3A_15 {
      %get3A_21 = arith.constant 0 : index
      %get3A_22 = memref.load %arg5[%get3A_21] : memref<1xf32, #tpu.memory_space<smem>>
      %reduce_min3A = vector.shape_cast %add3A : vector<2000x128xf32> to vector<1x2000x128xf32>
      %reduce_min3A_23 = arith.constant dense<0x7F800000> : vector<1xf32>
      %reduce_min3A_24 = vector.multi_reduction <minimumf>, %reduce_min3A, %reduce_min3A_23 [1, 2] : vector<1x2000x128xf32> to vector<1xf32>
      %reduce_min3A_25 = vector.shape_cast %reduce_min3A_24 : vector<1xf32> to vector<1x1x1xf32>
      %reduce_min3A_26 = vector.extract %reduce_min3A_25[0, 0, 0] : f32 from vector<1x1x1xf32>
      %min3A = arith.minimumf %get3A_22, %reduce_min3A_26 : f32
      %swap3A = arith.constant 0 : index
      %swap3A_27 = memref.load %arg5[%swap3A] : memref<1xf32, #tpu.memory_space<smem>>
      memref.store %min3A, %arg5[%swap3A] : memref<1xf32, #tpu.memory_space<smem>>
      %get3A_28 = arith.constant 0 : index
      %get3A_29 = memref.load %arg6[%get3A_28] : memref<1xf32, #tpu.memory_space<smem>>
      %reduce_max3A = vector.shape_cast %add3A : vector<2000x128xf32> to vector<1x2000x128xf32>
      %reduce_max3A_30 = arith.constant dense<0xFF800000> : vector<1xf32>
      %reduce_max3A_31 = vector.multi_reduction <maximumf>, %reduce_max3A, %reduce_max3A_30 [1, 2] : vector<1x2000x128xf32> to vector<1xf32>
      %reduce_max3A_32 = vector.shape_cast %reduce_max3A_31 : vector<1xf32> to vector<1x1x1xf32>
      %reduce_max3A_33 = vector.extract %reduce_max3A_32[0, 0, 0] : f32 from vector<1x1x1xf32>
      %max3A = arith.maximumf %get3A_29, %reduce_max3A_33 : f32
      %swap3A_34 = arith.constant 0 : index
      %swap3A_35 = memref.load %arg6[%swap3A_34] : memref<1xf32, #tpu.memory_space<smem>>
      memref.store %max3A, %arg6[%swap3A_34] : memref<1xf32, #tpu.memory_space<smem>>
    } else {
    }
    %eq3A_16 = arith.constant 1 : i32
    %eq3A_17 = arith.cmpi eq, %arg0, %eq3A_16 : i32
    %convert_element_type3A_18 = arith.extui %eq3A_17 : i1 to i32
    %cond3A_19 = arith.constant 0 : i32
    %cond3A_20 = arith.cmpi ne, %convert_element_type3A_18, %cond3A_19 : i32
    scf.if %cond3A_20 {
      %get3A_21 = arith.constant 0 : index
      %get3A_22 = memref.load %arg5[%get3A_21] : memref<1xf32, #tpu.memory_space<smem>>
      %get3A_23 = arith.constant 0 : index
      %get3A_24 = memref.load %arg6[%get3A_23] : memref<1xf32, #tpu.memory_space<smem>>
      %min3A = arith.constant 0.000000e+00 : f32
      %min3A_25 = arith.minimumf %get3A_22, %min3A : f32
      %max3A = arith.constant 0.000000e+00 : f32
      %max3A_26 = arith.maximumf %get3A_24, %max3A : f32
      %sub3A = arith.subf %max3A_26, %min3A_25 : f32
      %div3A = arith.constant 2.550000e+02 : f32
      %div3A_27 = arith.divf %sub3A, %div3A : f32
      %max3A_28 = arith.constant 9.99999993E-9 : f32
      %max3A_29 = arith.maximumf %div3A_27, %max3A_28 : f32
      %div3A_30 = arith.divf %min3A_25, %max3A_29 : f32
      %round3A = math.roundeven %div3A_30 : f32
      %sub3A_31 = arith.constant -1.280000e+02 : f32
      %sub3A_32 = arith.subf %sub3A_31, %round3A : f32
      %div3A_33 = vector.broadcast %max3A_29 : f32 to vector<2000x128xf32>
      %div3A_34 = arith.divf %add3A, %div3A_33 : vector<2000x128xf32>
      %round3A_35 = math.roundeven %div3A_34 : vector<2000x128xf32>
      %add3A_36 = vector.broadcast %sub3A_32 : f32 to vector<2000x128xf32>
      %add3A_37 = arith.addf %round3A_35, %add3A_36 : vector<2000x128xf32>
      %jit3A = arith.constant -1.280000e+02 : f32
      %jit3A_38 = arith.constant 1.270000e+02 : f32
      %max3A_39 = vector.broadcast %jit3A : f32 to vector<2000x128xf32>
      %max3A_40 = arith.maximumf %max3A_39, %add3A_37 : vector<2000x128xf32>
      %min3A_41 = vector.broadcast %jit3A_38 : f32 to vector<2000x128xf32>
      %min3A_42 = arith.minimumf %min3A_41, %max3A_40 : vector<2000x128xf32>
      %sub3A_43 = vector.broadcast %sub3A_32 : f32 to vector<2000x128xf32>
      %sub3A_44 = arith.subf %min3A_42, %sub3A_43 : vector<2000x128xf32>
      %mul3A = vector.broadcast %max3A_29 : f32 to vector<2000x128xf32>
      %mul3A_45 = arith.mulf %sub3A_44, %mul3A : vector<2000x128xf32>
      %div3A_46 = arith.divf %get3A_22, %max3A_29 : f32
      %round3A_47 = math.roundeven %div3A_46 : f32
      %add3A_48 = arith.addf %round3A_47, %sub3A_32 : f32
      %jit3A_49 = arith.constant -1.280000e+02 : f32
      %jit3A_50 = arith.constant 1.270000e+02 : f32
      %max3A_51 = arith.maximumf %jit3A_49, %add3A_48 : f32
      %min3A_52 = arith.minimumf %jit3A_50, %max3A_51 : f32
      %sub3A_53 = arith.subf %min3A_52, %sub3A_32 : f32
      %mul3A_54 = arith.mulf %sub3A_53, %max3A_29 : f32
      %min3A_55 = arith.constant 0.000000e+00 : f32
      %min3A_56 = arith.minimumf %mul3A_54, %min3A_55 : f32
      %div3A_57 = arith.divf %get3A_24, %max3A_29 : f32
      %round3A_58 = math.roundeven %div3A_57 : f32
      %add3A_59 = arith.addf %round3A_58, %sub3A_32 : f32
      %jit3A_60 = arith.constant -1.280000e+02 : f32
      %jit3A_61 = arith.constant 1.270000e+02 : f32
      %max3A_62 = arith.maximumf %jit3A_60, %add3A_59 : f32
      %min3A_63 = arith.minimumf %jit3A_61, %max3A_62 : f32
      %sub3A_64 = arith.subf %min3A_63, %sub3A_32 : f32
      %mul3A_65 = arith.mulf %sub3A_64, %max3A_29 : f32
      %max3A_66 = arith.constant 0.000000e+00 : f32
      %max3A_67 = arith.maximumf %mul3A_65, %max3A_66 : f32
      %sub3A_68 = arith.subf %max3A_67, %min3A_56 : f32
      %div3A_69 = arith.constant 2.550000e+02 : f32
      %div3A_70 = arith.divf %sub3A_68, %div3A_69 : f32
      %max3A_71 = arith.constant 9.99999993E-9 : f32
      %max3A_72 = arith.maximumf %div3A_70, %max3A_71 : f32
      %div3A_73 = arith.divf %min3A_56, %max3A_72 : f32
      %round3A_74 = math.roundeven %div3A_73 : f32
      %sub3A_75 = arith.constant -1.280000e+02 : f32
      %sub3A_76 = arith.subf %sub3A_75, %round3A_74 : f32
      %div3A_77 = vector.broadcast %max3A_72 : f32 to vector<2000x128xf32>
      %div3A_78 = arith.divf %mul3A_45, %div3A_77 : vector<2000x128xf32>
      %round3A_79 = math.roundeven %div3A_78 : vector<2000x128xf32>
      %add3A_80 = vector.broadcast %sub3A_76 : f32 to vector<2000x128xf32>
      %add3A_81 = arith.addf %round3A_79, %add3A_80 : vector<2000x128xf32>
      %jit3A_82 = arith.constant -1.280000e+02 : f32
      %jit3A_83 = arith.constant 1.270000e+02 : f32
      %max3A_84 = vector.broadcast %jit3A_82 : f32 to vector<2000x128xf32>
      %max3A_85 = arith.maximumf %max3A_84, %add3A_81 : vector<2000x128xf32>
      %min3A_86 = vector.broadcast %jit3A_83 : f32 to vector<2000x128xf32>
      %min3A_87 = arith.minimumf %min3A_86, %max3A_85 : vector<2000x128xf32>
      %sub3A_88 = vector.broadcast %sub3A_76 : f32 to vector<2000x128xf32>
      %sub3A_89 = arith.subf %min3A_87, %sub3A_88 : vector<2000x128xf32>
      %mul3A_90 = vector.broadcast %max3A_72 : f32 to vector<2000x128xf32>
      %mul3A_91 = arith.mulf %sub3A_89, %mul3A_90 : vector<2000x128xf32>
      %swap3A = arith.constant 0 : index
      %swap3A_92 = arith.constant 0 : index
      %swap3A_93 = vector.load %arg4[%swap3A, %swap3A_92] : memref<2000x128xf32, #tpu.memory_space<vmem>>, vector<2000x128xf32>
      tpu.vector_store %arg4[%swap3A, %swap3A_92], %mul3A_91 {strides = array<i32>} : memref<2000x128xf32, #tpu.memory_space<vmem>>, vector<2000x128xf32>,
    } else {
    }
    return
  }
  func.func @transform_0(%arg0: i32, %arg1: i32) -> (i32, i32) {
    %c0_i32 = arith.constant 0 : i32
    %c0_i32_0 = arith.constant 0 : i32
    return %arg1, %c0_i32 : i32, i32
  }
  func.func @transform_1(%arg0: i32, %arg1: i32) -> (i32, i32) {
    %c0_i32 = arith.constant 0 : i32
    %c0_i32_0 = arith.constant 0 : i32
    return %arg1, %c0_i32 : i32, i32
  }
  func.func @transform_2(%arg0: i32, %arg1: i32) -> (i32, i32) {
    %c0_i32 = arith.constant 0 : i32
    %c0_i32_0 = arith.constant 0 : i32
    return %arg1, %c0_i32 : i32, i32
  }
}

module attributes {stable_mosaic.version = 14 : i64} {
  func.func @_rowminmax_body(%arg0: memref<10000x128xf32, #tpu.memory_space<vmem>>, %arg1: memref<80x128xf32, #tpu.memory_space<vmem>>, %arg2: memref<80x128xf32, #tpu.memory_space<vmem>>) attributes {dimension_semantics = [], scalar_prefetch = 0 : i64, scratch_operands = 0 : i64, tpu.core_type = #tpu.core_type<tc>} {
    %broadcast_in_dim3A = arith.constant 0.000000e+00 : f32
    %broadcast_in_dim3A_0 = vector.broadcast %broadcast_in_dim3A : f32 to vector<240xf32>
    %get3A = arith.constant 0 : index
    %get3A_1 = arith.constant 0 : index
    %get3A_2 = vector.load %arg0[%get3A, %get3A_1] : memref<10000x128xf32, #tpu.memory_space<vmem>>, vector<10000x128xf32>
    %reduce_min3A = arith.constant dense<0x7F800000> : vector<10000xf32>
    %reduce_min3A_3 = vector.multi_reduction <minimumf>, %get3A_2, %reduce_min3A [1] : vector<10000x128xf32> to vector<10000xf32>
    %get3A_4 = arith.constant 0 : index
    %get3A_5 = arith.constant 0 : index
    %get3A_6 = vector.load %arg0[%get3A_4, %get3A_5] : memref<10000x128xf32, #tpu.memory_space<vmem>>, vector<10000x128xf32>
    %reduce_max3A = arith.constant dense<0xFF800000> : vector<10000xf32>
    %reduce_max3A_7 = vector.multi_reduction <maximumf>, %get3A_6, %reduce_max3A [1] : vector<10000x128xf32> to vector<10000xf32>
    %concatenate3A = tpu.concatenate %reduce_min3A_3, %broadcast_in_dim3A_0 in 0 : vector<10000xf32>, vector<240xf32> -> vector<10240xf32>
    %reshape3A = vector.shape_cast %concatenate3A : vector<10240xf32> to vector<80x128xf32>
    %swap3A = arith.constant 0 : index
    %swap3A_8 = arith.constant 0 : index
    %swap3A_9 = vector.load %arg1[%swap3A, %swap3A_8] : memref<80x128xf32, #tpu.memory_space<vmem>>, vector<80x128xf32>
    tpu.vector_store %arg1[%swap3A, %swap3A_8], %reshape3A {strides = array<i32>} : memref<80x128xf32, #tpu.memory_space<vmem>>, vector<80x128xf32>,
    %concatenate3A_10 = tpu.concatenate %reduce_max3A_7, %broadcast_in_dim3A_0 in 0 : vector<10000xf32>, vector<240xf32> -> vector<10240xf32>
    %reshape3A_11 = vector.shape_cast %concatenate3A_10 : vector<10240xf32> to vector<80x128xf32>
    %swap3A_12 = arith.constant 0 : index
    %swap3A_13 = arith.constant 0 : index
    %swap3A_14 = vector.load %arg2[%swap3A_12, %swap3A_13] : memref<80x128xf32, #tpu.memory_space<vmem>>, vector<80x128xf32>
    tpu.vector_store %arg2[%swap3A_12, %swap3A_13], %reshape3A_11 {strides = array<i32>} : memref<80x128xf32, #tpu.memory_space<vmem>>, vector<80x128xf32>,
    return
  }
}

</mosaic_0001>

<sc_bundles>
// kernel: kernel.10.cloned.1.call-start
scs
__scs_entry_jumppad:
0x0: {  	(pc) =	sbr.rel $0x88, $3  }
0x1: {  	(tag) =	ssettag $0x0;
	lr =	simm.s32 $0x1  }
0x2: {  	[smem:$0x3F9F] =	sst lr;
	_ =	strace $0xD0000000  }
0x3: {  	_ = 	snop  }
0x4: {  	_ = 	snop  }
0x5: {  	_ = 	snop  }
0x6: {  	_ = 	snop  }
0x7: {  	_ = 	snop  }
__scs_overlays_trampoline_lowered:
0x8: {  	[smem:$0x3FAE] =	sst s0  }
0x9: {  	[smem:$0x3FAF] =	sst s1  }
0xa: {  	[smem:$0x3FB0] =	sst s2  }
0xb: {  	[smem:$0x3FB1] =	sst s3  }
0xc: {  	[smem:$0x3FB2] =	sst s4  }
0xd: {  	[smem:$0x3FB3] =	sst s5  }
0xe: {  	[smem:$0x3FB4] =	sst s6  }
0xf: {  	[smem:$0x3FB5] =	sst s7  }
0x10: {  	[smem:$0x3FB6] =	sst s8  }
0x11: {  	[smem:$0x3FB7] =	sst s9;
	s0 =	simm.s32 @!p0 $0x0  }
0x12: {  	s1 =	sld [smem:$0x3F9D];
	s0 =	simm.s32 @p0 $0x1  }
0x13: {  	[smem:$0x3FB8] =	sst s0;
	s0 =	simm.s32 @!p1 $0x0  }
0x14: {  	s2 =	sld [smem:$0x3F9C];
	s0 =	simm.s32 @p1 $0x1  }
0x15: {  	[smem:$0x3FB9] =	sst s0;
	s0 =	simm.s32 @!p2 $0x0  }
0x16: {  	s3 =	sld [smem:$0x3FDB];
	s0 =	simm.s32 @p2 $0x1  }
0x17: {  	s4 =	simm.s32 $0x1BF5;
	[smem:$0x3FBB] =	sst s0  }
0x18: {  	s0 =	sld [smem:$0x3F9E];
	_ =	swait.ge [sflag:s4], $0x0  }
0x19: {  	s7 =	sld [smem:$0x3F9F]  }
0x1a: {  	s8 =	sadd.s32 $0xFFFFE003, lr  }
0x1b: {  	s9 =	sadd.s32 $0xFFFFFEF7, lr;
	s5 =	simm.s32 $0xFFFFFFFF;
	p2 =	slt.u32 s8, $0xFFFFF086  }
0x1c: {  	p1 =	slt.u32 s9, $0xF7A;
	s5 =	simm.s32 @!p2 $0x0  }
0x1d: {  	s5 =	simm.s32 @p1 $0x1;
	p0 =	seq.s32 s7, s2  }
0x1e: {  	s7 =	smul.u32 @!p0 $0xF7A, s2;
	p2 =	seq.s32 @!p0 s5, $0x0  }
0x1f: {  	s9 =	smul.u32 $0xF7A, s1;
	s8 =	simm.s32 @!p0 $0x1BF5;
	p2 =	por !p2, p0  }
0x20: {  	[sflag:s8] =	ssyncset.s32 @!p0 $0xFFFFF086;
	s6 =	sadd.s32 @!p0 s3, s7;
	s7 =	simm.s32 @!p0 $0x108  }
0x21: {  	s3 =	sadd.s32 s3, s9;
	s6 =	sadd.s32 @!p0 $0x88, s6;
	s7 =	simm.s32 @p2 $0x1082  }
0x22: {  	[simem:s7], [sflag:s8] =	dma.local @!p0 [hbm:s6], $0xF7A  }
0x23: {  	s9 =	sor.u32 $0xD0000000, s2;
	s6 =	simm.s32 $0x108;
	_ =	swait.ge @!p0 [sflag:s8], $0x0  }
0x24: {  	s3 =	sadd.s32 $0x88, s3;
	s6 =	simm.s32 @!p1 $0x1082;
	[sflag:s4] =	ssyncset.s32 $0xFFFFF086  }
0x25: {  	[simem:s6], [sflag:s4] =	dma.local [hbm:s3], $0xF7A  }
0x26: {  	[smem:$0x3F9F] =	sst s1;
	(tag) =	ssettag s2;
	_ =	strace s9  }
0x27: {  	s1 =	sld [smem:$0x3FAF]  }
0x28: {  	s2 =	sld [smem:$0x3FB0]  }
0x29: {  	s4 =	sld [smem:$0x3FB2]  }
0x2a: {  	p0 =	seq.s32 s5, $0x0;
	s5 =	sld [smem:$0x3FB3]  }
0x2b: {  	s6 =	sld [smem:$0x3FB4]  }
0x2c: {  	s7 =	sld [smem:$0x3FB5]  }
0x2d: {  	s3 =	simm.s32 $0x108;
	s8 =	sld [smem:$0x3FB6]  }
0x2e: {  	s3 =	simm.s32 @!p0 $0x1082;
	s9 =	sld [smem:$0x3FB7]  }
0x2f: {  	lr =	sadd.s32 s0, s3;
	s0 =	sld [smem:$0x3FAE]  }
0x30: {  	s3 =	sld [smem:$0x3FB1]  }
0x31: {  	[smem:$0x3FBA] =	sst s10  }
0x32: {  	s10 =	sld [smem:$0x3FB8];
	_ =	sdelay $0x3  }
0x33: {  	p0 =	seq.s32 s10, $0x1;
	s10 =	sld [smem:$0x3FBA];
	_ =	sdelay $0x3  }
0x34: {  	[smem:$0x3FBA] =	sst s10  }
0x35: {  	s10 =	sld [smem:$0x3FB9];
	_ =	sdelay $0x3  }
0x36: {  	p1 =	seq.s32 s10, $0x1;
	s10 =	sld [smem:$0x3FBA];
	_ =	sdelay $0x3  }
0x37: {  	[smem:$0x3FBA] =	sst s10  }
0x38: {  	s10 =	sld [smem:$0x3FBB]  }
0x39: {  	_ = 	snop;
	(pc) =	sbr.ind lr, $3  }
0x3a: {  	_ = 	snop  }
0x3b: {  	_ = 	snop  }
0x3c: {  	p2 =	seq.s32 s10, $0x1;
	s10 =	sld [smem:$0x3FBA]  }
0x3d: {  	_ =	shalt  }
0x3e: {  	_ =	shalt  }
0x3f: {  	_ =	shalt  }
0x40: {  	_ =	shalt  }
0x41: {  	_ =	shalt  }
0x42: {  	_ =	shalt  }
0x43: {  	_ =	shalt  }
0x44: {  	_ =	shalt  }
0x45: {  	_ =	shalt  }
0x46: {  	_ =	shalt  }
0x47: {  	_ =	shalt  }
0x48: {  	_ =	shalt  }
0x49: {  	_ =	shalt  }
0x4a: {  	_ =	shalt  }
0x4b: {  	_ =	shalt  }
0x4c: {  	_ =	shalt  }
0x4d: {  	_ =	shalt  }
0x4e: {  	_ =	shalt  }
0x4f: {  	_ =	shalt  }
0x50: {  	_ =	shalt  }
0x51: {  	_ =	shalt  }
0x52: {  	_ =	shalt  }
0x53: {  	_ =	shalt  }
0x54: {  	_ =	shalt  }
0x55: {  	_ =	shalt  }
0x56: {  	_ =	shalt  }
0x57: {  	_ =	shalt  }
0x58: {  	_ =	shalt  }
0x59: {  	_ =	shalt  }
0x5a: {  	_ =	shalt  }
0x5b: {  	_ =	shalt  }
0x5c: {  	_ =	shalt  }
0x5d: {  	_ =	shalt  }
0x5e: {  	_ =	shalt  }
0x5f: {  	_ =	shalt  }
0x60: {  	_ =	shalt  }
0x61: {  	_ =	shalt  }
0x62: {  	_ =	shalt  }
0x63: {  	_ =	shalt  }
0x64: {  	_ =	shalt  }
0x65: {  	_ =	shalt  }
0x66: {  	_ =	shalt  }
0x67: {  	_ =	shalt  }
0x68: {  	_ =	shalt  }
0x69: {  	_ =	shalt  }
0x6a: {  	_ =	shalt  }
0x6b: {  	_ =	shalt  }
0x6c: {  	_ =	shalt  }
0x6d: {  	_ =	shalt  }
0x6e: {  	_ =	shalt  }
0x6f: {  	_ =	shalt  }
0x70: {  	_ =	shalt  }
0x71: {  	_ =	shalt  }
0x72: {  	_ =	shalt  }
0x73: {  	_ =	shalt  }
0x74: {  	_ =	shalt  }
0x75: {  	_ =	shalt  }
0x76: {  	_ =	shalt  }
0x77: {  	_ =	shalt  }
0x78: {  	_ =	shalt  }
0x79: {  	_ =	shalt  }
0x7a: {  	_ =	shalt  }
0x7b: {  	_ =	shalt  }
0x7c: {  	_ =	shalt  }
0x7d: {  	_ =	shalt  }
0x7e: {  	_ =	shalt  }
0x7f: {  	_ =	shalt  }
0x80: {  	_ =	shalt  }
0x81: {  	_ =	shalt  }
0x82: {  	_ =	shalt  }
0x83: {  	_ =	shalt  }
0x84: {  	_ =	shalt  }
0x85: {  	_ =	shalt  }
0x86: {  	_ =	shalt  }
0x87: {  	_ =	shalt  }
.Lfunc_end0:
.L_simem_size_0:
called_computation.1_lowered:
.L_overlay_start_0:
0x88: {  	s2 =	sld [smem:$0x3FD9]  }
0x89: {  	s3 =	sld [smem:$0x3FFE];
	_ =	sdelay $0x1  }
0x8a: {  	s1 =	srdreg.scid  }
0x8b: {  	s0 =	sand.u32 $0x1, s1  }
0x8c: {  	s17 =	sshll.u32 s0, $0xA;
	s2 =	sadd.s32 s3, s2  }
0x8d: {  	s2 =	sadd.s32 s2, s17  }
0x8e: {  	[smem:$0x3FC6] =	sst s2  }
0x8f: {  	_ = 	snop  }
0x90: {  	s2 =	sld [smem:$0x3FC8]  }
0x91: {  	s18 =	sld [smem:$0x3FD0];
	(tm) =	ssettm $0x1  }
0x92: {  	s4 =	sld [smem:$0x3FFB];
	_ =	sdelay $0x3  }
0x93: {  	_ =	strace s4  }
0x94: {  	s4 =	sld [smem:$0x3FFC];
	_ =	sdelay $0x3  }
0x95: {  	_ =	strace s4  }
0x96: {  	s4 =	sld [smem:$0x3FFD];
	_ =	sdelay $0x3  }
0x97: {  	_ =	strace s4  }
0x98: {  	_ =	strace $0x8FFFFFFF  }
0x99: {  	s19 =	sld [smem:$0x3FDB];
	_ =	sdelay $0x1  }
0x9a: {  	s5 =	simm.s32 $_scs_section_size  }
0x9b: {  	s6 =	simm.s32 $_size__tile_overlayer_lowered;
	s7 =	simm.s32 $_tile_overlayer_lowered  }
0x9c: {  	s22 =	simm.s32 $0x1BFF;
	s21 =	sshll.u32 s7, $0x1;
	s4 =	sadd.s32 s5, s19  }
0x9d: {  	s8 =	simm.s32 $0x0;
	s20 =	sshll.u32 s6, $0x1;
	s6 =	sadd.s32 s21, s4  }
0x9e: {  	[timem:s8], [sflag:s22] =	dma.local [hbm:s6], s20  }
0x9f: {  	_ =	swait.ge [sflag:s22], s20  }
0xa0: {  	s5 =	ssub.s32 $0x0, s20;
	[sflag:s22] =	ssyncset.done $0x0  }
0xa1: {  	[sflag:s22] =	ssyncadd.s32 s5;
	_ =	sdelay $0x1  }
0xa2: {  	s23 =	simm.s32 $0x1B8B  }
0xa3: {  	_ =	swait.ge [sflag:s23], $0x1  }
0xa4: {  	[sflag:s23] =	ssyncset.done $0x0  }
0xa5: {  	s25 =	simm.s32 $0x1B8E;
	s24 =	sld [smem:$0x3FFE];
	[sflag:s23] =	ssyncadd.s32 $0xFFFFFFFF  }
0xa6: {  	s26 =	simm.s32 $execute0_lowered;
	[smem:$0x3FD2] =	sst s25  }
0xa7: {  	s6 =	sshll.u32 s26, $0x1;
	_ =	strace $0x80000049;
	[dreg:$0x1] =	wrdreg $0xFFFFFFFF  }
0xa8: {  	s28 =	simm.s32 $_size_execute0_lowered;
	s4 =	sadd.s32 s4, s6;
	[dreg:$0x0] =	wrdreg $0x0  }
0xa9: {  	s6 =	sshll.u32 s28, $0x1;
	[dreg:$0x2] =	wrdreg s4  }
0xaa: {  	[dreg:$0x3] =	wrdreg s6  }
0xab: {  	[dreg:$0x4] =	wrdreg $0xC0  }
0xac: {  	_ =	task [dreg:s8], $0x5FFFF  }
0xad: {  	[dreg:$0x1] =	wrdreg $0xFFFFFFFF  }
0xae: {  	[dreg:$0x0] =	wrdreg $0x60  }
0xaf: {  	[dreg:$0x2] =	wrdreg s18  }
0xb0: {  	[dreg:$0x3] =	wrdreg s2  }
0xb1: {  	[dreg:$0x4] =	wrdreg s24  }
0xb2: {  	[dreg:$0x5] =	wrdreg $0x0  }
0xb3: {  	[dreg:$0x6] =	wrdreg $0x9  }
0xb4: {  	_ =	task.clear_ibuf [dreg:s8], $0x7FFFF;
	_ =	strace $0x90000049  }
0xb5: {  	s29 =	simm.s32 $0x9;
	_ =	strace $0x8000004B  }
0xb6: {  	_ =	swait.ge [sflag:s29], $0x1  }
0xb7: {  	[sflag:s29] =	ssyncadd.s32 $0xFFFFFFFF  }
0xb8: {  	_ =	strace $0x9000004B  }
0xb9: {  	_ =	sfence  }
0xba: {  	s30 =	sld [smem:$0x0];
	_ =	sdelay $0x2  }
0xbb: {  	s31 =	sshll.u32 s1, $0xD;
	s1 =	sshrl.u32 s1, $0x2  }
0xbc: {  	s3 =	sand.u32 $0x4000, s31;
	s1 =	sadd.s32 s1, s30  }
0xbd: {  	s0 =	sor.u32 s3, s0;
	s1 =	sshll.u32 s1, $0x11  }
0xbe: {  	s0 =	sor.u32 s1, s0  }
0xbf: {  	s0 =	sadd.s32 $0x8F2B, s0  }
0xc0: {  	[sflag:s0] =	ssyncadd.remote.s32 $0x1  }
0xc1: {  	_ =	sfence.sel $0xFFFF  }
0xc2: {  	[dreg:$0x0] =	wrdreg $0xFFFFFFFF;
	(pc) =	sbr.abs _section_cstart, $3  }
0xc3: {  	[dreg:$0x1] =	wrdreg $0xFFFFFFFF  }
0xc4: {  	_ =	task.clear_ibuf [dreg:s8], $0x2FFFF;
	_ =	strace $0x9FFFFFFF  }
0xc5: {  	(tm) =	ssettm $0x7FFFFFFF  }
tec
execute0_lowered:
.L_overlay_start_1:
0x0: {  	(tag) =	ssettag $0x1  }
0x1: {  	s4 =	rddreg [dreg:$0x1]  }
0x2: {  	s3 =	rddreg [dreg:$0x2]  }
0x3: {  	s1 =	rddreg [dreg:$0x3];
	s2 =	simm.s32 $0x0;
	s0 =	srdreg.scid  }
0x4: {  	s10 =	stileid.u32;
	[smem:$0x7FF] =	sst s2;
	s6 =	sand.u32 $0x1, s0  }
0x5: {  	s24 =	sshll.u32 s10, $0x1;
	s8 =	smul.u32 $0x4F000, s10;
	s11 =	sadd.s32 $0x2A00, s3  }
0x6: {  	s28 =	sshll.u32 s10, $0x6;
	s18 =	smul.u32 $0x2780, s10;
	s7 =	ssub.s32 $0x2, s6  }
0x7: {  	s2 =	sor.u32 s6, s24;
	_ =	strace $0x8000004A;
	[dreg:$0x11] =	wrdreg s11  }
0x8: {  	[dreg:$0x13] =	wrdreg s28;
	s14 =	smul.u32 $0x2700, s6;
	p0 =	seq.s32 s6, $0x1  }
0x9: {  	s6 =	simm.s32 $0x2CA00;
	s25 =	sshrl.u32 s7, $0x1;
	s9 =	smul.u32 $0x4E00, s2  }
0xa: {  	s26 =	sshrl.u32 s8, $0x2;
	s8 =	sor.u32 $0x1C0E, s28;
	s6 =	simm.s32 @!p0 $0x5200  }
0xb: {  	s0 =	ssub.s32 s7, s25;
	s7 =	sadd.s32 s26, s1;
	[dreg:$0x14] =	wrdreg s8  }
0xc: {  	s1 =	sadd.s32 $0x10, s4;
	s3 =	sadd.s32 s6, s3;
	[dreg:$0x12] =	wrdreg s7  }
0xd: {  	s3 =	sadd.s32 s3, s18;
	[dreg:$0x10] =	wrdreg s1  }
0xe: {  	s29 =	sshrl.u32 s9, $0x3;
	s0 =	smax.u32 s0, $0x1;
	[dreg:$0x1d] =	wrdreg s3  }
0xf: {  	s7 =	sadd.s32 s29, s1;
	[smem:$0x7FA] =	sst s0  }
0x10: {  	s11 =	sadd.s32 s4, s29;
	[dreg:$0x16] =	wrdreg s7  }
0x11: {  	s30 =	sadd.s32 $0x20, s11;
	[dreg:$0x15] =	wrdreg s11  }
0x12: {  	s12 =	sadd.s32 $0x30, s11;
	[dreg:$0x17] =	wrdreg s30  }
0x13: {  	s13 =	sadd.s32 $0x40, s11;
	[dreg:$0x18] =	wrdreg s12  }
0x14: {  	s5 =	smul.u32 $0x4E00, s10;
	s15 =	sadd.s32 $0x50, s11;
	[dreg:$0x19] =	wrdreg s13  }
0x15: {  	s2 =	sshll.u32 s2, $0x5;
	s16 =	sadd.s32 $0x60, s11;
	[dreg:$0x1a] =	wrdreg s15  }
0x16: {  	s17 =	sadd.s32 $0x70, s11;
	s7 =	sadd.s32 s14, s5;
	[dreg:$0x1b] =	wrdreg s16  }
0x17: {  	[dreg:$0x1c] =	wrdreg s17;
	s19 =	sadd.s32 $0x780, s7;
	s21 =	sadd.s32 $0x700, s7  }
0x18: {  	s25 =	sadd.s32 $0x680, s7;
	s28 =	sadd.s32 $0x580, s7;
	s29 =	sadd.s32 $0x500, s7  }
0x19: {  	s20 =	sshrl.u32 s19, $0x2;
	s23 =	sshrl.u32 s21, $0x2;
	s21 =	sadd.s32 $0x980, s11  }
0x1a: {  	s26 =	sshrl.u32 s25, $0x2;
	s25 =	sadd.s32 $0x990, s11;
	[dreg:$0x1e] =	wrdreg s21  }
0x1b: {  	s6 =	sshrl.u32 s28, $0x2;
	s28 =	sadd.s32 $0x600, s7;
	[dreg:$0x1f] =	wrdreg s25  }
0x1c: {  	s5 =	sshrl.u32 s29, $0x2;
	s29 =	sadd.s32 $0x9A0, s11;
	[smem:$0x7FB] =	sst s28  }
0x1d: {  	s2 =	sadd.s32 s2, s4;
	s22 =	sadd.s32 s20, s4;
	[smem:$0x7FC] =	sst s29  }
0x1e: {  	s9 =	sadd.s32 $0x480, s7;
	s24 =	sadd.s32 s23, s4;
	[dreg:$0x5] =	wrdreg s22  }
0x1f: {  	s13 =	sadd.s32 $0x400, s7;
	s3 =	sadd.s32 s26, s4;
	[dreg:$0x6] =	wrdreg s24  }
0x20: {  	s14 =	sadd.s32 $0x380, s7;
	s30 =	sadd.s32 s6, s4;
	[dreg:$0x7] =	wrdreg s3  }
0x21: {  	s16 =	sshrl.u32 s14, $0x2;
	s8 =	sadd.s32 s5, s4;
	[dreg:$0x8] =	wrdreg s30  }
0x22: {  	s18 =	sadd.s32 $0x300, s7;
	s17 =	sadd.s32 s16, s4;
	[dreg:$0x9] =	wrdreg s8  }
0x23: {  	s12 =	sshrl.u32 s9, $0x2;
	s26 =	sadd.s32 $0x13800, s2;
	[dreg:$0xc] =	wrdreg s17  }
0x24: {  	s19 =	sshrl.u32 s18, $0x2;
	s2 =	sadd.s32 $0x13810, s2;
	[smem:$0x7F8] =	sst s26  }
0x25: {  	s6 =	sshrl.u32 s13, $0x2;
	s3 =	sadd.s32 s12, s4;
	[smem:$0x7F9] =	sst s2  }
0x26: {  	s20 =	sadd.s32 $0x280, s7;
	s15 =	sadd.s32 s6, s4;
	[dreg:$0xa] =	wrdreg s3  }
0x27: {  	s23 =	sadd.s32 $0x200, s7;
	s30 =	sadd.s32 $0x9B0, s11;
	[dreg:$0xb] =	wrdreg s15  }
0x28: {  	s6 =	sshrl.u32 s20, $0x2;
	s3 =	sadd.s32 s19, s4;
	[smem:$0x7FD] =	sst s30  }
0x29: {  	s24 =	sshrl.u32 s23, $0x2;
	s22 =	sadd.s32 s6, s4;
	[dreg:$0xd] =	wrdreg s3  }
0x2a: {  	s31 =	simm.s32 $0x40;
	[dreg:$0xe] =	wrdreg s22;
	s3 =	sadd.s32 s24, s4  }
0x2b: {  	p0 =	sgt.u32 s10, $0x1;
	s2 =	simm.s32 $0x0;
	[dreg:$0xf] =	wrdreg s3  }
.LBB2_1:
0x2c: {  	[smem:$0x7F6] =	sst s2  }
0x2d: {  	s0 =	rddreg [dreg:$0x12]  }
0x2e: {  	s9 =	rddreg [dreg:$0x11]  }
0x2f: {  	s10 =	rddreg [dreg:$0x14];
	s1 =	sshrl.u32 s0, $0x3  }
0x30: {  	[smem:$0x7F7] =	sst s1  }
0x31: {  	[spmem:s1], [sflag:s10] =	dma.local [hbm:s9], $0x2780  }
0x32: {  	s30 =	simm.s32 $0x13C00;
	s7 =	simm.s32 $0x0;
	s0 =	rddreg [dreg:$0x15]  }
0x33: {  	[tilespmem:s30], [sflag:$0x7] =	stream.linear.gather [hbm4b:s0+s7], $0x80, $0x38;
	[tilespmem:$0x1FF80] =	vst v63  }
0x34: {  	s16 =	simm.s32 $0x13D80;
	s11 =	rddreg [dreg:$0x16]  }
0x35: {  	[tilespmem:s16], [sflag:$0xA] =	stream.linear.gather [hbm4b:s11+s7], $0x80, $0x38;
	[tilespmem:$0x1FF80] =	vst v63  }
0x36: {  	s23 =	simm.s32 $0x13C80;
	s12 =	rddreg [dreg:$0x17]  }
0x37: {  	[tilespmem:s23], [sflag:$0x8] =	stream.linear.gather [hbm4b:s12+s7], $0x80, $0x38;
	[tilespmem:$0x1FF80] =	vst v63  }
0x38: {  	s15 =	simm.s32 $0x13E00;
	s17 =	simm.s32 $0x7;
	s13 =	rddreg [dreg:$0x18]  }
0x39: {  	[tilespmem:s15], [sflag:$0xB] =	stream.linear.gather [hbm4b:s13+s7], $0x80, $0x38;
	[tilespmem:$0x1FF80] =	vst v63  }
0x3a: {  	_ =	swait.ge [sflag:s17], $0x80  }
0x3b: {  	[sflag:s17] =	ssyncset.done $0x0  }
0x3c: {  	s18 =	simm.s32 $0xA;
	[sflag:s17] =	ssyncadd.s32 $0xFFFFFF80  }
0x3d: {  	_ =	swait.ge [sflag:s18], $0x80  }
0x3e: {  	[sflag:s18] =	ssyncset.done $0x0  }
0x3f: {  	[sflag:s18] =	ssyncadd.s32 $0xFFFFFF80  }
0x40: {  	s28 =	simm.s32 $0x13F80;
	s5 =	rddreg [dreg:$0x0]  }
0x41: {  	[tilespmem:s28], [sflag:$0x1] =	stream.indirect.gather [hbm4b:s5+s31], $0x80, s30, s31, $0xb8;
	[tilespmem:$0x1FF80] =	vst v63  }
0x42: {  	s14 =	simm.s32 $0x13C40;
	s19 =	simm.s32 $0x15F80;
	s20 =	simm.s32 $0xE  }
0x43: {  	[tilespmem:s19], [sflag:$0x1] =	stream.indirect.gather [hbm4b:s5+s31], $0x80, s14, s31, $0xb8;
	[tilespmem:$0x1FF80] =	vst v63  }
0x44: {  	_ =	swait.ge [sflag:s20], $0x2780  }
0x45: {  	[sflag:s20] =	ssyncset.done $0x0  }
0x46: {  	[sflag:s20] =	ssyncadd.s32 $0xFFFFD880  }
0x47: {  	[bflag:$0x0] =	sbarrier.arrive $0xFFFF  }
0x48: {  	s9 =	simm.s32 $0x13D00;
	s21 =	rddreg [dreg:$0x19]  }
0x49: {  	[tilespmem:s9], [sflag:$0x9] =	stream.linear.gather [hbm4b:s21+s7], $0x80, $0x38;
	[tilespmem:$0x1FF80] =	vst v63  }
0x4a: {  	s6 =	simm.s32 $0x13E80;
	s22 =	rddreg [dreg:$0x1a];
	s21 =	simm.s32 $0x8  }
0x4b: {  	[tilespmem:s6], [sflag:$0xC] =	stream.linear.gather [hbm4b:s22+s7], $0x80, $0x38;
	[tilespmem:$0x1FF80] =	vst v63  }
0x4c: {  	_ =	swait.ge [sflag:s21], $0x80  }
0x4d: {  	[sflag:s21] =	ssyncset.done $0x0  }
0x4e: {  	s26 =	simm.s32 $0xB;
	[sflag:s21] =	ssyncadd.s32 $0xFFFFFF80  }
0x4f: {  	_ =	swait.ge [sflag:s26], $0x80  }
0x50: {  	[sflag:s26] =	ssyncset.done $0x0  }
0x51: {  	s11 =	simm.s32 $0x17F80;
	[sflag:s26] =	ssyncadd.s32 $0xFFFFFF80  }
0x52: {  	[tilespmem:s11], [sflag:$0x2] =	stream.indirect.gather [hbm4b:s5+s31], $0x80, s23, s31, $0xb8;
	[tilespmem:$0x1FF80] =	vst v63  }
0x53: {  	s24 =	simm.s32 $0x13CC0;
	s25 =	simm.s32 $0x19F80;
	s22 =	simm.s32 $0x1  }
0x54: {  	[tilespmem:s25], [sflag:$0x2] =	stream.indirect.gather [hbm4b:s5+s31], $0x80, s24, s31, $0xb8;
	[tilespmem:$0x1FF80] =	vst v63  }
0x55: {  	_ =	swait.ge [sflag:s22], $0x4000  }
0x56: {  	[sflag:s22] =	ssyncset.done $0x0  }
0x57: {  	[sflag:s22] =	ssyncadd.s32 $0xFFFFC000  }
0x58: {  	s24 =	simm.s32 $0x80;
	s3 =	rddreg [dreg:$0x3]  }
0x59: {  	[spmem:s3] =	stream.indirect.scatter.add.f32 [tilespmem:s28], [sflag:$0x4], $0x80, s16, s24, $0xb8;
	[tilespmem:$0x1FF80] =	vst v63  }
0x5a: {  	s2 =	rddreg [dreg:$0x1b]  }
0x5b: {  	[tilespmem:s30], [sflag:$0x7] =	stream.linear.gather [hbm4b:s2+s7], $0x80, $0x38;
	[tilespmem:$0x1FF80] =	vst v63  }
0x5c: {  	s1 =	simm.s32 $0x13F00;
	s25 =	simm.s32 $0x9;
	s4 =	rddreg [dreg:$0x1c]  }
0x5d: {  	[tilespmem:s1], [sflag:$0xD] =	stream.linear.gather [hbm4b:s4+s7], $0x80, $0x38;
	[tilespmem:$0x1FF80] =	vst v63  }
0x5e: {  	_ =	swait.ge [sflag:s25], $0x80  }
0x5f: {  	[sflag:s25] =	ssyncset.done $0x0  }
0x60: {  	s20 =	simm.s32 $0xC;
	[sflag:s25] =	ssyncadd.s32 $0xFFFFFF80  }
0x61: {  	_ =	swait.ge [sflag:s20], $0x80  }
0x62: {  	[sflag:s20] =	ssyncset.done $0x0  }
0x63: {  	s4 =	simm.s32 $0x1BF80;
	[sflag:s20] =	ssyncadd.s32 $0xFFFFFF80  }
0x64: {  	[tilespmem:s4], [sflag:$0x3] =	stream.indirect.gather [hbm4b:s5+s31], $0x80, s9, s31, $0xb8;
	[tilespmem:$0x1FF80] =	vst v63  }
0x65: {  	s10 =	simm.s32 $0x13D40;
	s12 =	simm.s32 $0x1DF80;
	s2 =	simm.s32 $0x2  }
0x66: {  	[tilespmem:s12], [sflag:$0x3] =	stream.indirect.gather [hbm4b:s5+s31], $0x80, s10, s31, $0xb8;
	[tilespmem:$0x1FF80] =	vst v63  }
0x67: {  	_ =	swait.ge [sflag:s2], $0x4000  }
0x68: {  	[sflag:s2] =	ssyncset.done $0x0  }
0x69: {  	s12 =	simm.s32 $0x4;
	[sflag:s2] =	ssyncadd.s32 $0xFFFFC000  }
0x6a: {  	[spmem:s3] =	stream.indirect.scatter.add.f32 [tilespmem:s11], [sflag:$0x5], $0x80, s15, s24, $0xb8;
	[tilespmem:$0x1FF80] =	vst v63  }
0x6b: {  	_ =	swait.ge [sflag:s12], $0x4000  }
0x6c: {  	s13 =	rddreg [dreg:$0xf];
	[sflag:s12] =	ssyncset.done $0x0  }
0x6d: {  	[sflag:s12] =	ssyncadd.s32 $0xFFFFC000;
	s10 =	sadd.s32 $0x0, s13  }
0x6e: {  	[tilespmem:s23], [sflag:$0x8] =	stream.linear.gather [hbm4b:s10+s7], $0x80, $0x38;
	[tilespmem:$0x1FF80] =	vst v63  }
0x6f: {  	s10 =	sadd.s32 $0x10, s10  }
0x70: {  	[tilespmem:s16], [sflag:$0xA] =	stream.linear.gather [hbm4b:s10+s7], $0x80, $0x38;
	[tilespmem:$0x1FF80] =	vst v63  }
0x71: {  	_ =	swait.ge [sflag:s17], $0x80  }
0x72: {  	[sflag:s17] =	ssyncset.done $0x0  }
0x73: {  	s13 =	simm.s32 $0xD;
	[sflag:s17] =	ssyncadd.s32 $0xFFFFFF80  }
0x74: {  	_ =	swait.ge [sflag:s13], $0x80  }
0x75: {  	[sflag:s13] =	ssyncset.done $0x0  }
0x76: {  	[sflag:s13] =	ssyncadd.s32 $0xFFFFFF80  }
0x77: {  	[tilespmem:s28], [sflag:$0x1] =	stream.indirect.gather [hbm4b:s5+s31], $0x80, s30, s31, $0xb8;
	[tilespmem:$0x1FF80] =	vst v63  }
0x78: {  	s29 =	simm.s32 $0x15F80;
	s8 =	simm.s32 $0x13C40  }
0x79: {  	[tilespmem:s29], [sflag:$0x1] =	stream.indirect.gather [hbm4b:s5+s31], $0x80, s8, s31, $0xb8;
	[tilespmem:$0x1FF80] =	vst v63  }
0x7a: {  	s8 =	simm.s32 $0x3  }
0x7b: {  	_ =	swait.ge [sflag:s8], $0x4000  }
0x7c: {  	[sflag:s8] =	ssyncset.done $0x0  }
0x7d: {  	s29 =	simm.s32 $0x5;
	[sflag:s8] =	ssyncadd.s32 $0xFFFFC000  }
0x7e: {  	[spmem:s3] =	stream.indirect.scatter.add.f32 [tilespmem:s4], [sflag:$0x6], $0x80, s6, s24, $0xb8;
	[tilespmem:$0x1FF80] =	vst v63  }
0x7f: {  	_ =	swait.ge [sflag:s29], $0x4000  }
0x80: {  	s0 =	rddreg [dreg:$0xe];
	[sflag:s29] =	ssyncset.done $0x0  }
0x81: {  	[sflag:s29] =	ssyncadd.s32 $0xFFFFC000;
	s10 =	sadd.s32 $0x0, s0  }
0x82: {  	[tilespmem:s9], [sflag:$0x9] =	stream.linear.gather [hbm4b:s10+s7], $0x80, $0x38;
	[tilespmem:$0x1FF80] =	vst v63  }
0x83: {  	s10 =	sadd.s32 $0x10, s10  }
0x84: {  	[tilespmem:s15], [sflag:$0xB] =	stream.linear.gather [hbm4b:s10+s7], $0x80, $0x38;
	[tilespmem:$0x1FF80] =	vst v63  }
0x85: {  	_ =	swait.ge [sflag:s21], $0x80  }
0x86: {  	[sflag:s21] =	ssyncset.done $0x0  }
0x87: {  	[sflag:s21] =	ssyncadd.s32 $0xFFFFFF80  }
0x88: {  	_ =	swait.ge [sflag:s18], $0x80  }
0x89: {  	[sflag:s18] =	ssyncset.done $0x0  }
0x8a: {  	[sflag:s18] =	ssyncadd.s32 $0xFFFFFF80  }
0x8b: {  	[tilespmem:s11], [sflag:$0x2] =	stream.indirect.gather [hbm4b:s5+s31], $0x80, s23, s31, $0xb8;
	[tilespmem:$0x1FF80] =	vst v63  }
0x8c: {  	s19 =	simm.s32 $0x13CC0;
	s0 =	simm.s32 $0x19F80  }
0x8d: {  	[tilespmem:s0], [sflag:$0x2] =	stream.indirect.gather [hbm4b:s5+s31], $0x80, s19, s31, $0xb8;
	[tilespmem:$0x1FF80] =	vst v63  }
0x8e: {  	_ =	swait.ge [sflag:s22], $0x4000  }
0x8f: {  	[sflag:s22] =	ssyncset.done $0x0  }
0x90: {  	s19 =	simm.s32 $0x6;
	[sflag:s22] =	ssyncadd.s32 $0xFFFFC000  }
0x91: {  	[spmem:s3] =	stream.indirect.scatter.add.f32 [tilespmem:s28], [sflag:$0x4], $0x80, s1, s24, $0xb8;
	[tilespmem:$0x1FF80] =	vst v63  }
0x92: {  	_ =	swait.ge [sflag:s19], $0x4000  }
0x93: {  	s10 =	rddreg [dreg:$0xd];
	[sflag:s19] =	ssyncset.done $0x0  }
0x94: {  	[sflag:s19] =	ssyncadd.s32 $0xFFFFC000;
	s10 =	sadd.s32 $0x0, s10  }
0x95: {  	[tilespmem:s30], [sflag:$0x7] =	stream.linear.gather [hbm4b:s10+s7], $0x80, $0x38;
	[tilespmem:$0x1FF80] =	vst v63  }
0x96: {  	s10 =	sadd.s32 $0x10, s10  }
0x97: {  	[tilespmem:s6], [sflag:$0xC] =	stream.linear.gather [hbm4b:s10+s7], $0x80, $0x38;
	[tilespmem:$0x1FF80] =	vst v63  }
0x98: {  	_ =	swait.ge [sflag:s25], $0x80  }
0x99: {  	[sflag:s25] =	ssyncset.done $0x0  }
0x9a: {  	[sflag:s25] =	ssyncadd.s32 $0xFFFFFF80  }
0x9b: {  	_ =	swait.ge [sflag:s26], $0x80  }
0x9c: {  	[sflag:s26] =	ssyncset.done $0x0  }
0x9d: {  	[sflag:s26] =	ssyncadd.s32 $0xFFFFFF80  }
0x9e: {  	[tilespmem:s4], [sflag:$0x3] =	stream.indirect.gather [hbm4b:s5+s31], $0x80, s9, s31, $0xb8;
	[tilespmem:$0x1FF80] =	vst v63  }
0x9f: {  	s14 =	simm.s32 $0x13D40;
	s10 =	simm.s32 $0x1DF80  }
0xa0: {  	[tilespmem:s10], [sflag:$0x3] =	stream.indirect.gather [hbm4b:s5+s31], $0x80, s14, s31, $0xb8;
	[tilespmem:$0x1FF80] =	vst v63  }
0xa1: {  	_ =	swait.ge [sflag:s2], $0x4000  }
0xa2: {  	[sflag:s2] =	ssyncset.done $0x0  }
0xa3: {  	[sflag:s2] =	ssyncadd.s32 $0xFFFFC000  }
0xa4: {  	[spmem:s3] =	stream.indirect.scatter.add.f32 [tilespmem:s11], [sflag:$0x5], $0x80, s16, s24, $0xb8;
	[tilespmem:$0x1FF80] =	vst v63  }
0xa5: {  	_ =	swait.ge [sflag:s12], $0x4000  }
0xa6: {  	s14 =	rddreg [dreg:$0xc];
	[sflag:s12] =	ssyncset.done $0x0  }
0xa7: {  	[sflag:s12] =	ssyncadd.s32 $0xFFFFC000;
	s10 =	sadd.s32 $0x0, s14  }
0xa8: {  	[tilespmem:s23], [sflag:$0x8] =	stream.linear.gather [hbm4b:s10+s7], $0x80, $0x38;
	[tilespmem:$0x1FF80] =	vst v63  }
0xa9: {  	s10 =	sadd.s32 $0x10, s10  }
0xaa: {  	[tilespmem:s1], [sflag:$0xD] =	stream.linear.gather [hbm4b:s10+s7], $0x80, $0x38;
	[tilespmem:$0x1FF80] =	vst v63  }
0xab: {  	_ =	swait.ge [sflag:s17], $0x80  }
0xac: {  	[sflag:s17] =	ssyncset.done $0x0  }
0xad: {  	[sflag:s17] =	ssyncadd.s32 $0xFFFFFF80  }
0xae: {  	_ =	swait.ge [sflag:s20], $0x80  }
0xaf: {  	[sflag:s20] =	ssyncset.done $0x0  }
0xb0: {  	[sflag:s20] =	ssyncadd.s32 $0xFFFFFF80  }
0xb1: {  	[tilespmem:s28], [sflag:$0x1] =	stream.indirect.gather [hbm4b:s5+s31], $0x80, s30, s31, $0xb8;
	[tilespmem:$0x1FF80] =	vst v63  }
0xb2: {  	s14 =	simm.s32 $0x13C40;
	s10 =	simm.s32 $0x15F80  }
0xb3: {  	[tilespmem:s10], [sflag:$0x1] =	stream.indirect.gather [hbm4b:s5+s31], $0x80, s14, s31, $0xb8;
	[tilespmem:$0x1FF80] =	vst v63  }
0xb4: {  	_ =	swait.ge [sflag:s8], $0x4000  }
0xb5: {  	[sflag:s8] =	ssyncset.done $0x0  }
0xb6: {  	[sflag:s8] =	ssyncadd.s32 $0xFFFFC000  }
0xb7: {  	[spmem:s3] =	stream.indirect.scatter.add.f32 [tilespmem:s4], [sflag:$0x6], $0x80, s15, s24, $0xb8;
	[tilespmem:$0x1FF80] =	vst v63  }
0xb8: {  	_ =	swait.ge [sflag:s29], $0x4000  }
0xb9: {  	s14 =	rddreg [dreg:$0xb];
	[sflag:s29] =	ssyncset.done $0x0  }
0xba: {  	[sflag:s29] =	ssyncadd.s32 $0xFFFFC000;
	s10 =	sadd.s32 $0x0, s14  }
0xbb: {  	[tilespmem:s9], [sflag:$0x9] =	stream.linear.gather [hbm4b:s10+s7], $0x80, $0x38;
	[tilespmem:$0x1FF80] =	vst v63  }
0xbc: {  	s10 =	sadd.s32 $0x10, s10  }
0xbd: {  	[tilespmem:s16], [sflag:$0xA] =	stream.linear.gather [hbm4b:s10+s7], $0x80, $0x38;
	[tilespmem:$0x1FF80] =	vst v63  }
0xbe: {  	_ =	swait.ge [sflag:s21], $0x80  }
0xbf: {  	[sflag:s21] =	ssyncset.done $0x0  }
0xc0: {  	[sflag:s21] =	ssyncadd.s32 $0xFFFFFF80  }
0xc1: {  	_ =	swait.ge [sflag:s13], $0x80  }
0xc2: {  	[sflag:s13] =	ssyncset.done $0x0  }
0xc3: {  	[sflag:s13] =	ssyncadd.s32 $0xFFFFFF80  }
0xc4: {  	[tilespmem:s11], [sflag:$0x2] =	stream.indirect.gather [hbm4b:s5+s31], $0x80, s23, s31, $0xb8;
	[tilespmem:$0x1FF80] =	vst v63  }
0xc5: {  	s14 =	simm.s32 $0x13CC0  }
0xc6: {  	[tilespmem:s0], [sflag:$0x2] =	stream.indirect.gather [hbm4b:s5+s31], $0x80, s14, s31, $0xb8;
	[tilespmem:$0x1FF80] =	vst v63  }
0xc7: {  	_ =	swait.ge [sflag:s22], $0x4000  }
0xc8: {  	[sflag:s22] =	ssyncset.done $0x0  }
0xc9: {  	[sflag:s22] =	ssyncadd.s32 $0xFFFFC000  }
0xca: {  	[spmem:s3] =	stream.indirect.scatter.add.f32 [tilespmem:s28], [sflag:$0x4], $0x80, s6, s24, $0xb8;
	[tilespmem:$0x1FF80] =	vst v63  }
0xcb: {  	_ =	swait.ge [sflag:s19], $0x4000  }
0xcc: {  	s0 =	rddreg [dreg:$0xa];
	[sflag:s19] =	ssyncset.done $0x0  }
0xcd: {  	[sflag:s19] =	ssyncadd.s32 $0xFFFFC000;
	s10 =	sadd.s32 $0x0, s0  }
0xce: {  	[tilespmem:s30], [sflag:$0x7] =	stream.linear.gather [hbm4b:s10+s7], $0x80, $0x38;
	[tilespmem:$0x1FF80] =	vst v63  }
0xcf: {  	s10 =	sadd.s32 $0x10, s10  }
0xd0: {  	[tilespmem:s15], [sflag:$0xB] =	stream.linear.gather [hbm4b:s10+s7], $0x80, $0x38;
	[tilespmem:$0x1FF80] =	vst v63  }
0xd1: {  	_ =	swait.ge [sflag:s25], $0x80  }
0xd2: {  	[sflag:s25] =	ssyncset.done $0x0  }
0xd3: {  	[sflag:s25] =	ssyncadd.s32 $0xFFFFFF80  }
0xd4: {  	_ =	swait.ge [sflag:s18], $0x80  }
0xd5: {  	[sflag:s18] =	ssyncset.done $0x0  }
0xd6: {  	[sflag:s18] =	ssyncadd.s32 $0xFFFFFF80  }
0xd7: {  	[tilespmem:s4], [sflag:$0x3] =	stream.indirect.gather [hbm4b:s5+s31], $0x80, s9, s31, $0xb8;
	[tilespmem:$0x1FF80] =	vst v63  }
0xd8: {  	s14 =	simm.s32 $0x13D40;
	s10 =	simm.s32 $0x1DF80  }
0xd9: {  	[tilespmem:s10], [sflag:$0x3] =	stream.indirect.gather [hbm4b:s5+s31], $0x80, s14, s31, $0xb8;
	[tilespmem:$0x1FF80] =	vst v63  }
0xda: {  	_ =	swait.ge [sflag:s2], $0x4000  }
0xdb: {  	[sflag:s2] =	ssyncset.done $0x0  }
0xdc: {  	[sflag:s2] =	ssyncadd.s32 $0xFFFFC000  }
0xdd: {  	[spmem:s3] =	stream.indirect.scatter.add.f32 [tilespmem:s11], [sflag:$0x5], $0x80, s1, s24, $0xb8;
	[tilespmem:$0x1FF80] =	vst v63  }
0xde: {  	_ =	swait.ge [sflag:s12], $0x4000  }
0xdf: {  	s14 =	rddreg [dreg:$0x9];
	[sflag:s12] =	ssyncset.done $0x0  }
0xe0: {  	[sflag:s12] =	ssyncadd.s32 $0xFFFFC000;
	s10 =	sadd.s32 $0x0, s14  }
0xe1: {  	[tilespmem:s23], [sflag:$0x8] =	stream.linear.gather [hbm4b:s10+s7], $0x80, $0x38;
	[tilespmem:$0x1FF80] =	vst v63  }
0xe2: {  	s10 =	sadd.s32 $0x10, s10  }
0xe3: {  	[tilespmem:s6], [sflag:$0xC] =	stream.linear.gather [hbm4b:s10+s7], $0x80, $0x38;
	[tilespmem:$0x1FF80] =	vst v63  }
0xe4: {  	_ =	swait.ge [sflag:s17], $0x80  }
0xe5: {  	[sflag:s17] =	ssyncset.done $0x0  }
0xe6: {  	[sflag:s17] =	ssyncadd.s32 $0xFFFFFF80  }
0xe7: {  	_ =	swait.ge [sflag:s26], $0x80  }
0xe8: {  	[sflag:s26] =	ssyncset.done $0x0  }
0xe9: {  	[sflag:s26] =	ssyncadd.s32 $0xFFFFFF80  }
0xea: {  	[tilespmem:s28], [sflag:$0x1] =	stream.indirect.gather [hbm4b:s5+s31], $0x80, s30, s31, $0xb8;
	[tilespmem:$0x1FF80] =	vst v63  }
0xeb: {  	s0 =	simm.s32 $0x15F80;
	s14 =	simm.s32 $0x13C40  }
0xec: {  	[tilespmem:s0], [sflag:$0x1] =	stream.indirect.gather [hbm4b:s5+s31], $0x80, s14, s31, $0xb8;
	[tilespmem:$0x1FF80] =	vst v63  }
0xed: {  	_ =	swait.ge [sflag:s8], $0x4000  }
0xee: {  	[sflag:s8] =	ssyncset.done $0x0  }
0xef: {  	[sflag:s8] =	ssyncadd.s32 $0xFFFFC000  }
0xf0: {  	[spmem:s3] =	stream.indirect.scatter.add.f32 [tilespmem:s4], [sflag:$0x6], $0x80, s16, s24, $0xb8;
	[tilespmem:$0x1FF80] =	vst v63  }
0xf1: {  	_ =	swait.ge [sflag:s29], $0x4000  }
0xf2: {  	s14 =	rddreg [dreg:$0x8];
	[sflag:s29] =	ssyncset.done $0x0  }
0xf3: {  	[sflag:s29] =	ssyncadd.s32 $0xFFFFC000;
	s10 =	sadd.s32 $0x0, s14  }
0xf4: {  	[tilespmem:s9], [sflag:$0x9] =	stream.linear.gather [hbm4b:s10+s7], $0x80, $0x38;
	[tilespmem:$0x1FF80] =	vst v63  }
0xf5: {  	s10 =	sadd.s32 $0x10, s10  }
0xf6: {  	[tilespmem:s1], [sflag:$0xD] =	stream.linear.gather [hbm4b:s10+s7], $0x80, $0x38;
	[tilespmem:$0x1FF80] =	vst v63  }
0xf7: {  	_ =	swait.ge [sflag:s21], $0x80  }
0xf8: {  	[sflag:s21] =	ssyncset.done $0x0  }
0xf9: {  	[sflag:s21] =	ssyncadd.s32 $0xFFFFFF80  }
0xfa: {  	_ =	swait.ge [sflag:s20], $0x80  }
0xfb: {  	[sflag:s20] =	ssyncset.done $0x0  }
0xfc: {  	[sflag:s20] =	ssyncadd.s32 $0xFFFFFF80  }
0xfd: {  	[tilespmem:s11], [sflag:$0x2] =	stream.indirect.gather [hbm4b:s5+s31], $0x80, s23, s31, $0xb8;
	[tilespmem:$0x1FF80] =	vst v63  }
0xfe: {  	s0 =	simm.s32 $0x13CC0;
	s14 =	simm.s32 $0x19F80  }
0xff: {  	[tilespmem:s14], [sflag:$0x2] =	stream.indirect.gather [hbm4b:s5+s31], $0x80, s0, s31, $0xb8;
	[tilespmem:$0x1FF80] =	vst v63  }
0x100: {  	_ =	swait.ge [sflag:s22], $0x4000  }
0x101: {  	[sflag:s22] =	ssyncset.done $0x0  }
0x102: {  	[sflag:s22] =	ssyncadd.s32 $0xFFFFC000  }
0x103: {  	[spmem:s3] =	stream.indirect.scatter.add.f32 [tilespmem:s28], [sflag:$0x4], $0x80, s15, s24, $0xb8;
	[tilespmem:$0x1FF80] =	vst v63  }
0x104: {  	_ =	swait.ge [sflag:s19], $0x4000  }
0x105: {  	s0 =	sld [smem:$0x7FB]  }
0x106: {  	[sflag:s19] =	ssyncset.done $0x0  }
0x107: {  	[sflag:s19] =	ssyncadd.s32 $0xFFFFC000  }
0x108: {  	s14 =	rddreg [dreg:$0x1];
	s10 =	sshrl.u32 s0, $0x2  }
0x109: {  	s14 =	sadd.s32 s14, s10  }
0x10a: {  	[tilespmem:s30], [sflag:$0x7] =	stream.linear.gather [hbm4b:s14+s7], $0x80, $0x38;
	[tilespmem:$0x1FF80] =	vst v63  }
0x10b: {  	s14 =	rddreg [dreg:$0x10]  }
0x10c: {  	s10 =	sadd.s32 s10, s14  }
0x10d: {  	[tilespmem:s16], [sflag:$0xA] =	stream.linear.gather [hbm4b:s10+s7], $0x80, $0x38;
	[tilespmem:$0x1FF80] =	vst v63  }
0x10e: {  	_ =	swait.ge [sflag:s25], $0x80  }
0x10f: {  	[sflag:s25] =	ssyncset.done $0x0  }
0x110: {  	[sflag:s25] =	ssyncadd.s32 $0xFFFFFF80  }
0x111: {  	_ =	swait.ge [sflag:s13], $0x80  }
0x112: {  	[sflag:s13] =	ssyncset.done $0x0  }
0x113: {  	[sflag:s13] =	ssyncadd.s32 $0xFFFFFF80  }
0x114: {  	[tilespmem:s4], [sflag:$0x3] =	stream.indirect.gather [hbm4b:s5+s31], $0x80, s9, s31, $0xb8;
	[tilespmem:$0x1FF80] =	vst v63  }
0x115: {  	s14 =	simm.s32 $0x1DF80;
	s13 =	simm.s32 $0x13D40  }
0x116: {  	[tilespmem:s14], [sflag:$0x3] =	stream.indirect.gather [hbm4b:s5+s31], $0x80, s13, s31, $0xb8;
	[tilespmem:$0x1FF80] =	vst v63  }
0x117: {  	_ =	swait.ge [sflag:s2], $0x4000  }
0x118: {  	[sflag:s2] =	ssyncset.done $0x0  }
0x119: {  	[sflag:s2] =	ssyncadd.s32 $0xFFFFC000  }
0x11a: {  	[spmem:s3] =	stream.indirect.scatter.add.f32 [tilespmem:s11], [sflag:$0x5], $0x80, s6, s24, $0xb8;
	[tilespmem:$0x1FF80] =	vst v63  }
0x11b: {  	_ =	swait.ge [sflag:s12], $0x4000  }
0x11c: {  	s10 =	rddreg [dreg:$0x7];
	[sflag:s12] =	ssyncset.done $0x0  }
0x11d: {  	[sflag:s12] =	ssyncadd.s32 $0xFFFFC000;
	s10 =	sadd.s32 $0x0, s10  }
0x11e: {  	[tilespmem:s23], [sflag:$0x8] =	stream.linear.gather [hbm4b:s10+s7], $0x80, $0x38;
	[tilespmem:$0x1FF80] =	vst v63  }
0x11f: {  	s10 =	sadd.s32 $0x10, s10  }
0x120: {  	[tilespmem:s15], [sflag:$0xB] =	stream.linear.gather [hbm4b:s10+s7], $0x80, $0x38;
	[tilespmem:$0x1FF80] =	vst v63  }
0x121: {  	_ =	swait.ge [sflag:s17], $0x80  }
0x122: {  	[sflag:s17] =	ssyncset.done $0x0  }
0x123: {  	[sflag:s17] =	ssyncadd.s32 $0xFFFFFF80  }
0x124: {  	_ =	swait.ge [sflag:s18], $0x80  }
0x125: {  	[sflag:s18] =	ssyncset.done $0x0  }
0x126: {  	[sflag:s18] =	ssyncadd.s32 $0xFFFFFF80  }
0x127: {  	[tilespmem:s28], [sflag:$0x1] =	stream.indirect.gather [hbm4b:s5+s31], $0x80, s30, s31, $0xb8;
	[tilespmem:$0x1FF80] =	vst v63  }
0x128: {  	s15 =	simm.s32 $0x13C40;
	s17 =	simm.s32 $0x15F80  }
0x129: {  	[tilespmem:s17], [sflag:$0x1] =	stream.indirect.gather [hbm4b:s5+s31], $0x80, s15, s31, $0xb8;
	[tilespmem:$0x1FF80] =	vst v63  }
0x12a: {  	_ =	swait.ge [sflag:s8], $0x4000  }
0x12b: {  	[sflag:s8] =	ssyncset.done $0x0  }
0x12c: {  	[sflag:s8] =	ssyncadd.s32 $0xFFFFC000  }
0x12d: {  	[spmem:s3] =	stream.indirect.scatter.add.f32 [tilespmem:s4], [sflag:$0x6], $0x80, s1, s24, $0xb8;
	[tilespmem:$0x1FF80] =	vst v63  }
0x12e: {  	_ =	swait.ge [sflag:s29], $0x4000  }
0x12f: {  	s18 =	rddreg [dreg:$0x6];
	[sflag:s29] =	ssyncset.done $0x0  }
0x130: {  	[sflag:s29] =	ssyncadd.s32 $0xFFFFC000;
	s10 =	sadd.s32 $0x0, s18  }
0x131: {  	[tilespmem:s9], [sflag:$0x9] =	stream.linear.gather [hbm4b:s10+s7], $0x80, $0x38;
	[tilespmem:$0x1FF80] =	vst v63  }
0x132: {  	s10 =	sadd.s32 $0x10, s10  }
0x133: {  	[tilespmem:s6], [sflag:$0xC] =	stream.linear.gather [hbm4b:s10+s7], $0x80, $0x38;
	[tilespmem:$0x1FF80] =	vst v63  }
0x134: {  	_ =	swait.ge [sflag:s21], $0x80  }
0x135: {  	[sflag:s21] =	ssyncset.done $0x0  }
0x136: {  	[sflag:s21] =	ssyncadd.s32 $0xFFFFFF80  }
0x137: {  	_ =	swait.ge [sflag:s26], $0x80  }
0x138: {  	[sflag:s26] =	ssyncset.done $0x0  }
0x139: {  	[sflag:s26] =	ssyncadd.s32 $0xFFFFFF80  }
0x13a: {  	[tilespmem:s11], [sflag:$0x2] =	stream.indirect.gather [hbm4b:s5+s31], $0x80, s23, s31, $0xb8;
	[tilespmem:$0x1FF80] =	vst v63  }
0x13b: {  	s26 =	simm.s32 $0x13CC0;
	s23 =	simm.s32 $0x19F80  }
0x13c: {  	[tilespmem:s23], [sflag:$0x2] =	stream.indirect.gather [hbm4b:s5+s31], $0x80, s26, s31, $0xb8;
	[tilespmem:$0x1FF80] =	vst v63  }
0x13d: {  	_ =	swait.ge [sflag:s22], $0x4000  }
0x13e: {  	[sflag:s22] =	ssyncset.done $0x0  }
0x13f: {  	[sflag:s22] =	ssyncadd.s32 $0xFFFFC000  }
0x140: {  	[spmem:s3] =	stream.indirect.scatter.add.f32 [tilespmem:s28], [sflag:$0x4], $0x80, s16, s24, $0xb8;
	[tilespmem:$0x1FF80] =	vst v63  }
0x141: {  	_ =	swait.ge [sflag:s19], $0x4000  }
0x142: {  	s29 =	rddreg [dreg:$0x5];
	[sflag:s19] =	ssyncset.done $0x0  }
0x143: {  	[sflag:s19] =	ssyncadd.s32 $0xFFFFC000;
	s10 =	sadd.s32 $0x0, s29  }
0x144: {  	[tilespmem:s30], [sflag:$0x7] =	stream.linear.gather [hbm4b:s10+s7], $0x80, $0x38;
	[tilespmem:$0x1FF80] =	vst v63  }
0x145: {  	s10 =	sadd.s32 $0x10, s10  }
0x146: {  	[tilespmem:s1], [sflag:$0xD] =	stream.linear.gather [hbm4b:s10+s7], $0x80, $0x38;
	[tilespmem:$0x1FF80] =	vst v63  }
0x147: {  	_ =	swait.ge [sflag:s25], $0x80  }
0x148: {  	[sflag:s25] =	ssyncset.done $0x0  }
0x149: {  	[sflag:s25] =	ssyncadd.s32 $0xFFFFFF80  }
0x14a: {  	_ =	swait.ge [sflag:s20], $0x80  }
0x14b: {  	[sflag:s20] =	ssyncset.done $0x0  }
0x14c: {  	[sflag:s20] =	ssyncadd.s32 $0xFFFFFF80  }
0x14d: {  	[tilespmem:s4], [sflag:$0x3] =	stream.indirect.gather [hbm4b:s5+s31], $0x80, s9, s31, $0xb8;
	[tilespmem:$0x1FF80] =	vst v63  }
0x14e: {  	_ = 	snop  }
0x14f: {  	[tilespmem:s14], [sflag:$0x3] =	stream.indirect.gather [hbm4b:s5+s31], $0x80, s13, s31, $0xb8;
	[tilespmem:$0x1FF80] =	vst v63  }
0x150: {  	_ =	swait.ge [sflag:s2], $0x4000  }
0x151: {  	s10 =	sadd.s32 $0x600, s0;
	[sflag:s2] =	ssyncset.done $0x0  }
0x152: {  	s0 =	simm.s32 $0xC;
	s20 =	simm.s32 $0x180;
	[sflag:s2] =	ssyncadd.s32 $0xFFFFC000  }
.LBB2_2:
0x153: {  	s1 =	simm.s32 $0x13E00;
	s2 =	simm.s32 $0x17F80  }
0x154: {  	s3 =	rddreg [dreg:$0x3];
	s24 =	simm.s32 $0x80;
	s12 =	simm.s32 $0x4  }
0x155: {  	[spmem:s3] =	stream.indirect.scatter.add.f32 [tilespmem:s2], [sflag:$0x5], $0x80, s1, s24, $0xb8;
	[tilespmem:$0x1FF80] =	vst v63  }
0x156: {  	s14 =	smov.u32 s20;
	_ =	swait.ge [sflag:s12], $0x4000  }
0x157: {  	s11 =	simm.s32 $0x13C80;
	s30 =	rddreg [dreg:$0xf];
	[sflag:s12] =	ssyncset.done $0x0  }
0x158: {  	s7 =	simm.s32 $0x0;
	[sflag:s12] =	ssyncadd.s32 $0xFFFFC000;
	s30 =	sadd.s32 s14, s30  }
0x159: {  	[tilespmem:s11], [sflag:$0x8] =	stream.linear.gather [hbm4b:s30+s7], $0x80, $0x38;
	[tilespmem:$0x1FF80] =	vst v63  }
0x15a: {  	s13 =	simm.s32 $0x13D80;
	s17 =	simm.s32 $0x7;
	s30 =	sadd.s32 $0x10, s30  }
0x15b: {  	[tilespmem:s13], [sflag:$0xA] =	stream.linear.gather [hbm4b:s30+s7], $0x80, $0x38;
	[tilespmem:$0x1FF80] =	vst v63  }
0x15c: {  	_ =	swait.ge [sflag:s17], $0x80  }
0x15d: {  	[sflag:s17] =	ssyncset.done $0x0  }
0x15e: {  	s13 =	simm.s32 $0xD;
	[sflag:s17] =	ssyncadd.s32 $0xFFFFFF80  }
0x15f: {  	_ =	swait.ge [sflag:s13], $0x80  }
0x160: {  	[sflag:s13] =	ssyncset.done $0x0  }
0x161: {  	[sflag:s13] =	ssyncadd.s32 $0xFFFFFF80  }
0x162: {  	s15 =	simm.s32 $0x13C00;
	s16 =	simm.s32 $0x13F80;
	s5 =	rddreg [dreg:$0x0]  }
0x163: {  	[tilespmem:s16], [sflag:$0x1] =	stream.indirect.gather [hbm4b:s5+s31], $0x80, s15, s31, $0xb8;
	[tilespmem:$0x1FF80] =	vst v63  }
0x164: {  	s18 =	simm.s32 $0x13C40;
	s19 =	simm.s32 $0x15F80;
	s8 =	simm.s32 $0x3  }
0x165: {  	[tilespmem:s19], [sflag:$0x1] =	stream.indirect.gather [hbm4b:s5+s31], $0x80, s18, s31, $0xb8;
	[tilespmem:$0x1FF80] =	vst v63  }
0x166: {  	_ =	swait.ge [sflag:s8], $0x4000  }
0x167: {  	s21 =	simm.s32 $0x13E80;
	[sflag:s8] =	ssyncset.done $0x0  }
0x168: {  	s22 =	simm.s32 $0x1BF80;
	s1 =	simm.s32 $0x5;
	[sflag:s8] =	ssyncadd.s32 $0xFFFFC000  }
0x169: {  	[spmem:s3] =	stream.indirect.scatter.add.f32 [tilespmem:s22], [sflag:$0x6], $0x80, s21, s24, $0xb8;
	[tilespmem:$0x1FF80] =	vst v63  }
0x16a: {  	_ =	swait.ge [sflag:s1], $0x4000  }
0x16b: {  	s23 =	rddreg [dreg:$0xe];
	[sflag:s1] =	ssyncset.done $0x0  }
0x16c: {  	s29 =	simm.s32 $0x13D00;
	[sflag:s1] =	ssyncadd.s32 $0xFFFFC000;
	s30 =	sadd.s32 s14, s23  }
0x16d: {  	[tilespmem:s29], [sflag:$0x9] =	stream.linear.gather [hbm4b:s30+s7], $0x80, $0x38;
	[tilespmem:$0x1FF80] =	vst v63  }
0x16e: {  	s4 =	simm.s32 $0x13E00;
	s21 =	simm.s32 $0x8;
	s30 =	sadd.s32 $0x10, s30  }
0x16f: {  	[tilespmem:s4], [sflag:$0xB] =	stream.linear.gather [hbm4b:s30+s7], $0x80, $0x38;
	[tilespmem:$0x1FF80] =	vst v63  }
0x170: {  	_ =	swait.ge [sflag:s21], $0x80  }
0x171: {  	[sflag:s21] =	ssyncset.done $0x0  }
0x172: {  	s18 =	simm.s32 $0xA;
	[sflag:s21] =	ssyncadd.s32 $0xFFFFFF80  }
0x173: {  	_ =	swait.ge [sflag:s18], $0x80  }
0x174: {  	[sflag:s18] =	ssyncset.done $0x0  }
0x175: {  	s11 =	simm.s32 $0x13C80;
	s15 =	simm.s32 $0x17F80;
	[sflag:s18] =	ssyncadd.s32 $0xFFFFFF80  }
0x176: {  	[tilespmem:s15], [sflag:$0x2] =	stream.indirect.gather [hbm4b:s5+s31], $0x80, s11, s31, $0xb8;
	[tilespmem:$0x1FF80] =	vst v63  }
0x177: {  	s9 =	simm.s32 $0x19F80;
	s22 =	simm.s32 $0x1;
	s4 =	simm.s32 $0x13CC0  }
0x178: {  	[tilespmem:s9], [sflag:$0x2] =	stream.indirect.gather [hbm4b:s5+s31], $0x80, s4, s31, $0xb8;
	[tilespmem:$0x1FF80] =	vst v63  }
0x179: {  	_ =	swait.ge [sflag:s22], $0x4000  }
0x17a: {  	s16 =	simm.s32 $0x13F80;
	[sflag:s22] =	ssyncset.done $0x0  }
0x17b: {  	s11 =	simm.s32 $0x13F00;
	s4 =	simm.s32 $0x6;
	[sflag:s22] =	ssyncadd.s32 $0xFFFFC000  }
0x17c: {  	[spmem:s3] =	stream.indirect.scatter.add.f32 [tilespmem:s16], [sflag:$0x4], $0x80, s11, s24, $0xb8;
	[tilespmem:$0x1FF80] =	vst v63  }
0x17d: {  	_ =	swait.ge [sflag:s4], $0x4000  }
0x17e: {  	s19 =	rddreg [dreg:$0xd];
	[sflag:s4] =	ssyncset.done $0x0  }
0x17f: {  	s26 =	simm.s32 $0x13C00;
	[sflag:s4] =	ssyncadd.s32 $0xFFFFC000;
	s30 =	sadd.s32 s14, s19  }
0x180: {  	[tilespmem:s26], [sflag:$0x7] =	stream.linear.gather [hbm4b:s30+s7], $0x80, $0x38;
	[tilespmem:$0x1FF80] =	vst v63  }
0x181: {  	s25 =	simm.s32 $0x13E80;
	s30 =	sadd.s32 $0x10, s30  }
0x182: {  	[tilespmem:s25], [sflag:$0xC] =	stream.linear.gather [hbm4b:s30+s7], $0x80, $0x38;
	[tilespmem:$0x1FF80] =	vst v63  }
0x183: {  	s25 =	simm.s32 $0x9  }
0x184: {  	_ =	swait.ge [sflag:s25], $0x80  }
0x185: {  	[sflag:s25] =	ssyncset.done $0x0  }
0x186: {  	s26 =	simm.s32 $0xB;
	[sflag:s25] =	ssyncadd.s32 $0xFFFFFF80  }
0x187: {  	_ =	swait.ge [sflag:s26], $0x80  }
0x188: {  	[sflag:s26] =	ssyncset.done $0x0  }
0x189: {  	s29 =	simm.s32 $0x13D00;
	s11 =	simm.s32 $0x1BF80;
	[sflag:s26] =	ssyncadd.s32 $0xFFFFFF80  }
0x18a: {  	[tilespmem:s11], [sflag:$0x3] =	stream.indirect.gather [hbm4b:s5+s31], $0x80, s29, s31, $0xb8;
	[tilespmem:$0x1FF80] =	vst v63  }
0x18b: {  	s2 =	simm.s32 $0x2;
	s16 =	simm.s32 $0x1DF80;
	s30 =	simm.s32 $0x13D40  }
0x18c: {  	[tilespmem:s16], [sflag:$0x3] =	stream.indirect.gather [hbm4b:s5+s31], $0x80, s30, s31, $0xb8;
	[tilespmem:$0x1FF80] =	vst v63  }
0x18d: {  	_ =	swait.ge [sflag:s2], $0x4000  }
0x18e: {  	[sflag:s2] =	ssyncset.done $0x0  }
0x18f: {  	s29 =	simm.s32 $0x13D80;
	[sflag:s2] =	ssyncadd.s32 $0xFFFFC000  }
0x190: {  	[spmem:s3] =	stream.indirect.scatter.add.f32 [tilespmem:s15], [sflag:$0x5], $0x80, s29, s24, $0xb8;
	[tilespmem:$0x1FF80] =	vst v63  }
0x191: {  	_ =	swait.ge [sflag:s12], $0x4000  }
0x192: {  	s19 =	rddreg [dreg:$0xc];
	[sflag:s12] =	ssyncset.done $0x0  }
0x193: {  	s23 =	simm.s32 $0x13C80;
	[sflag:s12] =	ssyncadd.s32 $0xFFFFC000;
	s30 =	sadd.s32 s14, s19  }
0x194: {  	[tilespmem:s23], [sflag:$0x8] =	stream.linear.gather [hbm4b:s30+s7], $0x80, $0x38;
	[tilespmem:$0x1FF80] =	vst v63  }
0x195: {  	s9 =	simm.s32 $0x13F00;
	s30 =	sadd.s32 $0x10, s30  }
0x196: {  	[tilespmem:s9], [sflag:$0xD] =	stream.linear.gather [hbm4b:s30+s7], $0x80, $0x38;
	[tilespmem:$0x1FF80] =	vst v63  }
0x197: {  	_ =	swait.ge [sflag:s17], $0x80  }
0x198: {  	[sflag:s17] =	ssyncset.done $0x0  }
0x199: {  	[sflag:s17] =	ssyncadd.s32 $0xFFFFFF80  }
0x19a: {  	_ =	swait.ge [sflag:s0], $0x80  }
0x19b: {  	[sflag:s0] =	ssyncset.done $0x0  }
0x19c: {  	s28 =	simm.s32 $0x13C00;
	s23 =	simm.s32 $0x13F80;
	[sflag:s0] =	ssyncadd.s32 $0xFFFFFF80  }
0x19d: {  	[tilespmem:s23], [sflag:$0x1] =	stream.indirect.gather [hbm4b:s5+s31], $0x80, s28, s31, $0xb8;
	[tilespmem:$0x1FF80] =	vst v63  }
0x19e: {  	s6 =	simm.s32 $0x13C40;
	s30 =	simm.s32 $0x15F80  }
0x19f: {  	[tilespmem:s30], [sflag:$0x1] =	stream.indirect.gather [hbm4b:s5+s31], $0x80, s6, s31, $0xb8;
	[tilespmem:$0x1FF80] =	vst v63  }
0x1a0: {  	_ =	swait.ge [sflag:s8], $0x4000  }
0x1a1: {  	[sflag:s8] =	ssyncset.done $0x0  }
0x1a2: {  	s28 =	simm.s32 $0x13E00;
	[sflag:s8] =	ssyncadd.s32 $0xFFFFC000  }
0x1a3: {  	[spmem:s3] =	stream.indirect.scatter.add.f32 [tilespmem:s11], [sflag:$0x6], $0x80, s28, s24, $0xb8;
	[tilespmem:$0x1FF80] =	vst v63  }
0x1a4: {  	_ =	swait.ge [sflag:s1], $0x4000  }
0x1a5: {  	s16 =	rddreg [dreg:$0xb];
	[sflag:s1] =	ssyncset.done $0x0  }
0x1a6: {  	s11 =	simm.s32 $0x13D00;
	[sflag:s1] =	ssyncadd.s32 $0xFFFFC000;
	s30 =	sadd.s32 s14, s16  }
0x1a7: {  	[tilespmem:s11], [sflag:$0x9] =	stream.linear.gather [hbm4b:s30+s7], $0x80, $0x38;
	[tilespmem:$0x1FF80] =	vst v63  }
0x1a8: {  	s30 =	sadd.s32 $0x10, s30  }
0x1a9: {  	[tilespmem:s29], [sflag:$0xA] =	stream.linear.gather [hbm4b:s30+s7], $0x80, $0x38;
	[tilespmem:$0x1FF80] =	vst v63  }
0x1aa: {  	_ =	swait.ge [sflag:s21], $0x80  }
0x1ab: {  	[sflag:s21] =	ssyncset.done $0x0  }
0x1ac: {  	[sflag:s21] =	ssyncadd.s32 $0xFFFFFF80  }
0x1ad: {  	_ =	swait.ge [sflag:s13], $0x80  }
0x1ae: {  	[sflag:s13] =	ssyncset.done $0x0  }
0x1af: {  	s15 =	simm.s32 $0x17F80;
	s19 =	simm.s32 $0x13C80;
	[sflag:s13] =	ssyncadd.s32 $0xFFFFFF80  }
0x1b0: {  	[tilespmem:s15], [sflag:$0x2] =	stream.indirect.gather [hbm4b:s5+s31], $0x80, s19, s31, $0xb8;
	[tilespmem:$0x1FF80] =	vst v63  }
0x1b1: {  	s29 =	simm.s32 $0x19F80;
	s30 =	simm.s32 $0x13CC0  }
0x1b2: {  	[tilespmem:s29], [sflag:$0x2] =	stream.indirect.gather [hbm4b:s5+s31], $0x80, s30, s31, $0xb8;
	[tilespmem:$0x1FF80] =	vst v63  }
0x1b3: {  	_ =	swait.ge [sflag:s22], $0x4000  }
0x1b4: {  	[sflag:s22] =	ssyncset.done $0x0  }
0x1b5: {  	s15 =	simm.s32 $0x13E80;
	[sflag:s22] =	ssyncadd.s32 $0xFFFFC000  }
0x1b6: {  	[spmem:s3] =	stream.indirect.scatter.add.f32 [tilespmem:s23], [sflag:$0x4], $0x80, s15, s24, $0xb8;
	[tilespmem:$0x1FF80] =	vst v63  }
0x1b7: {  	_ =	swait.ge [sflag:s4], $0x4000  }
0x1b8: {  	s29 =	rddreg [dreg:$0xa];
	[sflag:s4] =	ssyncset.done $0x0  }
0x1b9: {  	s9 =	simm.s32 $0x13C00;
	[sflag:s4] =	ssyncadd.s32 $0xFFFFC000;
	s30 =	sadd.s32 s14, s29  }
0x1ba: {  	[tilespmem:s9], [sflag:$0x7] =	stream.linear.gather [hbm4b:s30+s7], $0x80, $0x38;
	[tilespmem:$0x1FF80] =	vst v63  }
0x1bb: {  	s30 =	sadd.s32 $0x10, s30  }
0x1bc: {  	[tilespmem:s28], [sflag:$0xB] =	stream.linear.gather [hbm4b:s30+s7], $0x80, $0x38;
	[tilespmem:$0x1FF80] =	vst v63  }
0x1bd: {  	_ =	swait.ge [sflag:s25], $0x80  }
0x1be: {  	[sflag:s25] =	ssyncset.done $0x0  }
0x1bf: {  	[sflag:s25] =	ssyncadd.s32 $0xFFFFFF80  }
0x1c0: {  	_ =	swait.ge [sflag:s18], $0x80  }
0x1c1: {  	[sflag:s18] =	ssyncset.done $0x0  }
0x1c2: {  	s28 =	simm.s32 $0x1BF80;
	[sflag:s18] =	ssyncadd.s32 $0xFFFFFF80  }
0x1c3: {  	[tilespmem:s28], [sflag:$0x3] =	stream.indirect.gather [hbm4b:s5+s31], $0x80, s11, s31, $0xb8;
	[tilespmem:$0x1FF80] =	vst v63  }
0x1c4: {  	s29 =	simm.s32 $0x1DF80;
	s28 =	simm.s32 $0x13D40  }
0x1c5: {  	[tilespmem:s29], [sflag:$0x3] =	stream.indirect.gather [hbm4b:s5+s31], $0x80, s28, s31, $0xb8;
	[tilespmem:$0x1FF80] =	vst v63  }
0x1c6: {  	_ =	swait.ge [sflag:s2], $0x4000  }
0x1c7: {  	[sflag:s2] =	ssyncset.done $0x0  }
0x1c8: {  	s6 =	simm.s32 $0x17F80;
	s30 =	simm.s32 $0x13F00;
	[sflag:s2] =	ssyncadd.s32 $0xFFFFC000  }
0x1c9: {  	[spmem:s3] =	stream.indirect.scatter.add.f32 [tilespmem:s6], [sflag:$0x5], $0x80, s30, s24, $0xb8;
	[tilespmem:$0x1FF80] =	vst v63  }
0x1ca: {  	_ =	swait.ge [sflag:s12], $0x4000  }
0x1cb: {  	s30 =	rddreg [dreg:$0x9];
	[sflag:s12] =	ssyncset.done $0x0  }
0x1cc: {  	s16 =	simm.s32 $0x13C80;
	[sflag:s12] =	ssyncadd.s32 $0xFFFFC000;
	s30 =	sadd.s32 s14, s30  }
0x1cd: {  	[tilespmem:s16], [sflag:$0x8] =	stream.linear.gather [hbm4b:s30+s7], $0x80, $0x38;
	[tilespmem:$0x1FF80] =	vst v63  }
0x1ce: {  	s30 =	sadd.s32 $0x10, s30  }
0x1cf: {  	[tilespmem:s15], [sflag:$0xC] =	stream.linear.gather [hbm4b:s30+s7], $0x80, $0x38;
	[tilespmem:$0x1FF80] =	vst v63  }
0x1d0: {  	_ =	swait.ge [sflag:s17], $0x80  }
0x1d1: {  	[sflag:s17] =	ssyncset.done $0x0  }
0x1d2: {  	[sflag:s17] =	ssyncadd.s32 $0xFFFFFF80  }
0x1d3: {  	_ =	swait.ge [sflag:s26], $0x80  }
0x1d4: {  	[sflag:s26] =	ssyncset.done $0x0  }
0x1d5: {  	s19 =	simm.s32 $0x13F80;
	s23 =	simm.s32 $0x13C00;
	[sflag:s26] =	ssyncadd.s32 $0xFFFFFF80  }
0x1d6: {  	[tilespmem:s19], [sflag:$0x1] =	stream.indirect.gather [hbm4b:s5+s31], $0x80, s23, s31, $0xb8;
	[tilespmem:$0x1FF80] =	vst v63  }
0x1d7: {  	s16 =	simm.s32 $0x15F80;
	s23 =	simm.s32 $0x13C40  }
0x1d8: {  	[tilespmem:s16], [sflag:$0x1] =	stream.indirect.gather [hbm4b:s5+s31], $0x80, s23, s31, $0xb8;
	[tilespmem:$0x1FF80] =	vst v63  }
0x1d9: {  	_ =	swait.ge [sflag:s8], $0x4000  }
0x1da: {  	[sflag:s8] =	ssyncset.done $0x0  }
0x1db: {  	s9 =	simm.s32 $0x1BF80;
	s15 =	simm.s32 $0x13D80;
	[sflag:s8] =	ssyncadd.s32 $0xFFFFC000  }
0x1dc: {  	[spmem:s3] =	stream.indirect.scatter.add.f32 [tilespmem:s9], [sflag:$0x6], $0x80, s15, s24, $0xb8;
	[tilespmem:$0x1FF80] =	vst v63  }
0x1dd: {  	_ =	swait.ge [sflag:s1], $0x4000  }
0x1de: {  	s9 =	rddreg [dreg:$0x8];
	[sflag:s1] =	ssyncset.done $0x0  }
0x1df: {  	s11 =	simm.s32 $0x13D00;
	[sflag:s1] =	ssyncadd.s32 $0xFFFFC000;
	s30 =	sadd.s32 s14, s9  }
0x1e0: {  	[tilespmem:s11], [sflag:$0x9] =	stream.linear.gather [hbm4b:s30+s7], $0x80, $0x38;
	[tilespmem:$0x1FF80] =	vst v63  }
0x1e1: {  	s6 =	simm.s32 $0x13F00;
	s30 =	sadd.s32 $0x10, s30  }
0x1e2: {  	[tilespmem:s6], [sflag:$0xD] =	stream.linear.gather [hbm4b:s30+s7], $0x80, $0x38;
	[tilespmem:$0x1FF80] =	vst v63  }
0x1e3: {  	_ =	swait.ge [sflag:s21], $0x80  }
0x1e4: {  	[sflag:s21] =	ssyncset.done $0x0  }
0x1e5: {  	[sflag:s21] =	ssyncadd.s32 $0xFFFFFF80  }
0x1e6: {  	_ =	swait.ge [sflag:s0], $0x80  }
0x1e7: {  	[sflag:s0] =	ssyncset.done $0x0  }
0x1e8: {  	s23 =	simm.s32 $0x13C80;
	s6 =	simm.s32 $0x17F80;
	[sflag:s0] =	ssyncadd.s32 $0xFFFFFF80  }
0x1e9: {  	[tilespmem:s6], [sflag:$0x2] =	stream.indirect.gather [hbm4b:s5+s31], $0x80, s23, s31, $0xb8;
	[tilespmem:$0x1FF80] =	vst v63  }
0x1ea: {  	s16 =	simm.s32 $0x13CC0;
	s11 =	simm.s32 $0x19F80  }
0x1eb: {  	[tilespmem:s11], [sflag:$0x2] =	stream.indirect.gather [hbm4b:s5+s31], $0x80, s16, s31, $0xb8;
	[tilespmem:$0x1FF80] =	vst v63  }
0x1ec: {  	_ =	swait.ge [sflag:s22], $0x4000  }
0x1ed: {  	[sflag:s22] =	ssyncset.done $0x0  }
0x1ee: {  	s16 =	simm.s32 $0x13E00;
	[sflag:s22] =	ssyncadd.s32 $0xFFFFC000  }
0x1ef: {  	[spmem:s3] =	stream.indirect.scatter.add.f32 [tilespmem:s19], [sflag:$0x4], $0x80, s16, s24, $0xb8;
	[tilespmem:$0x1FF80] =	vst v63  }
0x1f0: {  	_ =	swait.ge [sflag:s4], $0x4000  }
0x1f1: {  	[sflag:s4] =	ssyncset.done $0x0  }
0x1f2: {  	[sflag:s4] =	ssyncadd.s32 $0xFFFFC000  }
0x1f3: {  	s30 =	sshrl.u32 s10, $0x2;
	s19 =	rddreg [dreg:$0x1]  }
0x1f4: {  	s11 =	simm.s32 $0x13C00;
	s9 =	rddreg [dreg:$0x10];
	s0 =	sadd.s32 s19, s30  }
0x1f5: {  	[tilespmem:s11], [sflag:$0x7] =	stream.linear.gather [hbm4b:s0+s7], $0x80, $0x38;
	[tilespmem:$0x1FF80] =	vst v63  }
0x1f6: {  	s0 =	sadd.s32 s30, s9  }
0x1f7: {  	[tilespmem:s15], [sflag:$0xA] =	stream.linear.gather [hbm4b:s0+s7], $0x80, $0x38;
	[tilespmem:$0x1FF80] =	vst v63  }
0x1f8: {  	_ =	swait.ge [sflag:s25], $0x80  }
0x1f9: {  	[sflag:s25] =	ssyncset.done $0x0  }
0x1fa: {  	[sflag:s25] =	ssyncadd.s32 $0xFFFFFF80  }
0x1fb: {  	_ =	swait.ge [sflag:s13], $0x80  }
0x1fc: {  	[sflag:s13] =	ssyncset.done $0x0  }
0x1fd: {  	s19 =	simm.s32 $0x13D00;
	[sflag:s13] =	ssyncadd.s32 $0xFFFFFF80;
	s13 =	simm.s32 $0x1BF80  }
0x1fe: {  	[tilespmem:s13], [sflag:$0x3] =	stream.indirect.gather [hbm4b:s5+s31], $0x80, s19, s31, $0xb8;
	[tilespmem:$0x1FF80] =	vst v63  }
0x1ff: {  	_ = 	snop  }
0x200: {  	[tilespmem:s29], [sflag:$0x3] =	stream.indirect.gather [hbm4b:s5+s31], $0x80, s28, s31, $0xb8;
	[tilespmem:$0x1FF80] =	vst v63  }
0x201: {  	_ =	swait.ge [sflag:s2], $0x4000  }
0x202: {  	[sflag:s2] =	ssyncset.done $0x0  }
0x203: {  	s30 =	simm.s32 $0x13E80;
	[sflag:s2] =	ssyncadd.s32 $0xFFFFC000  }
0x204: {  	[spmem:s3] =	stream.indirect.scatter.add.f32 [tilespmem:s6], [sflag:$0x5], $0x80, s30, s24, $0xb8;
	[tilespmem:$0x1FF80] =	vst v63  }
0x205: {  	_ =	swait.ge [sflag:s12], $0x4000  }
0x206: {  	s15 =	rddreg [dreg:$0x7];
	[sflag:s12] =	ssyncset.done $0x0  }
0x207: {  	[sflag:s12] =	ssyncadd.s32 $0xFFFFC000;
	s0 =	sadd.s32 s14, s15  }
0x208: {  	[tilespmem:s23], [sflag:$0x8] =	stream.linear.gather [hbm4b:s0+s7], $0x80, $0x38;
	[tilespmem:$0x1FF80] =	vst v63  }
0x209: {  	s0 =	sadd.s32 $0x10, s0  }
0x20a: {  	[tilespmem:s16], [sflag:$0xB] =	stream.linear.gather [hbm4b:s0+s7], $0x80, $0x38;
	[tilespmem:$0x1FF80] =	vst v63  }
0x20b: {  	_ =	swait.ge [sflag:s17], $0x80  }
0x20c: {  	[sflag:s17] =	ssyncset.done $0x0  }
0x20d: {  	[sflag:s17] =	ssyncadd.s32 $0xFFFFFF80  }
0x20e: {  	_ =	swait.ge [sflag:s18], $0x80  }
0x20f: {  	[sflag:s18] =	ssyncset.done $0x0  }
0x210: {  	s16 =	simm.s32 $0x13F80;
	[sflag:s18] =	ssyncadd.s32 $0xFFFFFF80  }
0x211: {  	[tilespmem:s16], [sflag:$0x1] =	stream.indirect.gather [hbm4b:s5+s31], $0x80, s11, s31, $0xb8;
	[tilespmem:$0x1FF80] =	vst v63  }
0x212: {  	s29 =	simm.s32 $0x15F80;
	s18 =	simm.s32 $0x13C40  }
0x213: {  	[tilespmem:s29], [sflag:$0x1] =	stream.indirect.gather [hbm4b:s5+s31], $0x80, s18, s31, $0xb8;
	[tilespmem:$0x1FF80] =	vst v63  }
0x214: {  	_ =	swait.ge [sflag:s8], $0x4000  }
0x215: {  	[sflag:s8] =	ssyncset.done $0x0  }
0x216: {  	s15 =	simm.s32 $0x13F00;
	[sflag:s8] =	ssyncadd.s32 $0xFFFFC000  }
0x217: {  	[spmem:s3] =	stream.indirect.scatter.add.f32 [tilespmem:s13], [sflag:$0x6], $0x80, s15, s24, $0xb8;
	[tilespmem:$0x1FF80] =	vst v63  }
0x218: {  	_ =	swait.ge [sflag:s1], $0x4000  }
0x219: {  	s11 =	rddreg [dreg:$0x6];
	[sflag:s1] =	ssyncset.done $0x0  }
0x21a: {  	[sflag:s1] =	ssyncadd.s32 $0xFFFFC000;
	s0 =	sadd.s32 s14, s11  }
0x21b: {  	[tilespmem:s19], [sflag:$0x9] =	stream.linear.gather [hbm4b:s0+s7], $0x80, $0x38;
	[tilespmem:$0x1FF80] =	vst v63  }
0x21c: {  	s0 =	sadd.s32 $0x10, s0  }
0x21d: {  	[tilespmem:s30], [sflag:$0xC] =	stream.linear.gather [hbm4b:s0+s7], $0x80, $0x38;
	[tilespmem:$0x1FF80] =	vst v63  }
0x21e: {  	_ =	swait.ge [sflag:s21], $0x80  }
0x21f: {  	[sflag:s21] =	ssyncset.done $0x0  }
0x220: {  	[sflag:s21] =	ssyncadd.s32 $0xFFFFFF80  }
0x221: {  	_ =	swait.ge [sflag:s26], $0x80  }
0x222: {  	[sflag:s26] =	ssyncset.done $0x0  }
0x223: {  	s6 =	simm.s32 $0x17F80;
	s23 =	simm.s32 $0x13C80;
	[sflag:s26] =	ssyncadd.s32 $0xFFFFFF80  }
0x224: {  	[tilespmem:s6], [sflag:$0x2] =	stream.indirect.gather [hbm4b:s5+s31], $0x80, s23, s31, $0xb8;
	[tilespmem:$0x1FF80] =	vst v63  }
0x225: {  	s21 =	simm.s32 $0x13CC0;
	s23 =	simm.s32 $0x19F80  }
0x226: {  	[tilespmem:s23], [sflag:$0x2] =	stream.indirect.gather [hbm4b:s5+s31], $0x80, s21, s31, $0xb8;
	[tilespmem:$0x1FF80] =	vst v63  }
0x227: {  	_ =	swait.ge [sflag:s22], $0x4000  }
0x228: {  	[sflag:s22] =	ssyncset.done $0x0  }
0x229: {  	s26 =	simm.s32 $0x13D80;
	[sflag:s22] =	ssyncadd.s32 $0xFFFFC000  }
0x22a: {  	[spmem:s3] =	stream.indirect.scatter.add.f32 [tilespmem:s16], [sflag:$0x4], $0x80, s26, s24, $0xb8;
	[tilespmem:$0x1FF80] =	vst v63  }
0x22b: {  	_ =	swait.ge [sflag:s4], $0x4000  }
0x22c: {  	s29 =	rddreg [dreg:$0x5];
	[sflag:s4] =	ssyncset.done $0x0  }
0x22d: {  	s17 =	simm.s32 $0x13C00;
	[sflag:s4] =	ssyncadd.s32 $0xFFFFC000;
	s0 =	sadd.s32 s14, s29  }
0x22e: {  	[tilespmem:s17], [sflag:$0x7] =	stream.linear.gather [hbm4b:s0+s7], $0x80, $0x38;
	[tilespmem:$0x1FF80] =	vst v63  }
0x22f: {  	s0 =	sadd.s32 $0x10, s0  }
0x230: {  	[tilespmem:s15], [sflag:$0xD] =	stream.linear.gather [hbm4b:s0+s7], $0x80, $0x38;
	[tilespmem:$0x1FF80] =	vst v63  }
0x231: {  	_ =	swait.ge [sflag:s25], $0x80  }
0x232: {  	p1 =	sne.s32 s20, $0x780;
	[sflag:s25] =	ssyncset.done $0x0  }
0x233: {  	s20 =	sadd.s32 $0x180, s20;
	s0 =	simm.s32 $0xC;
	[sflag:s25] =	ssyncadd.s32 $0xFFFFFF80  }
0x234: {  	s10 =	sadd.s32 $0x600, s10;
	s9 =	simm.s32 $0x1DF80;
	_ =	swait.ge [sflag:s0], $0x80  }
0x235: {  	s28 =	simm.s32 $0x15F80;
	s12 =	simm.s32 $0x13C40;
	[sflag:s0] =	ssyncset.done $0x0  }
0x236: {  	s8 =	simm.s32 $0x1BF80;
	s13 =	simm.s32 $0x13D00;
	[sflag:s0] =	ssyncadd.s32 $0xFFFFFF80  }
0x237: {  	[tilespmem:s8], [sflag:$0x3] =	stream.indirect.gather [hbm4b:s5+s31], $0x80, s13, s31, $0xb8;
	[tilespmem:$0x1FF80] =	vst v63  }
.Ltmp0:
0x238: {  	s18 =	simm.s32 $0x19F80;
	s30 =	simm.s32 $0x13D40;
	(pc) =	sbr.rel @p1 .LBB2_2-.Ltmp0, $4  }
0x239: {  	[tilespmem:s9], [sflag:$0x3] =	stream.indirect.gather [hbm4b:s5+s31], $0x80, s30, s31, $0xb8;
	[tilespmem:$0x1FF80] =	vst v63  }
0x23a: {  	s11 =	simm.s32 $0x13CC0;
	s19 =	simm.s32 $0x13E80;
	_ =	swait.ge [sflag:s2], $0x4000  }
0x23b: {  	s21 =	simm.s32 $0x13D40;
	s22 =	simm.s32 $0x1DF80;
	[sflag:s2] =	ssyncset.done $0x0  }
0x23c: {  	s16 =	simm.s32 $0x13C00;
	s26 =	simm.s32 $0x13F00;
	[sflag:s2] =	ssyncadd.s32 $0xFFFFC000  }
0x23d: {  	s14 =	simm.s32 $0x13E00;
	s6 =	simm.s32 $0x17F80  }
0x23e: {  	s3 =	rddreg [dreg:$0x3];
	s17 =	simm.s32 $0x80;
	s2 =	simm.s32 $0x4  }
0x23f: {  	[spmem:s3] =	stream.indirect.scatter.add.f32 [tilespmem:s6], [sflag:$0x5], $0x80, s14, s17, $0xb8;
	[tilespmem:$0x1FF80] =	vst v63  }
0x240: {  	_ =	swait.ge [sflag:s2], $0x4000  }
0x241: {  	s7 =	simm.s32 $0x13C80;
	[sflag:s2] =	ssyncset.done $0x0  }
0x242: {  	s13 =	simm.s32 $0x0;
	s0 =	rddreg [dreg:$0x1e];
	[sflag:s2] =	ssyncadd.s32 $0xFFFFC000  }
0x243: {  	[tilespmem:s7], [sflag:$0x8] =	stream.linear.gather [hbm4b:s0+s13], $0x80, $0x38;
	[tilespmem:$0x1FF80] =	vst v63  }
0x244: {  	s10 =	simm.s32 $0x13D80;
	s23 =	simm.s32 $0x7;
	s20 =	rddreg [dreg:$0x1f]  }
0x245: {  	[tilespmem:s10], [sflag:$0xA] =	stream.linear.gather [hbm4b:s20+s13], $0x80, $0x38;
	[tilespmem:$0x1FF80] =	vst v63  }
0x246: {  	_ =	swait.ge [sflag:s23], $0x80  }
0x247: {  	[sflag:s23] =	ssyncset.done $0x0  }
0x248: {  	s24 =	simm.s32 $0xD;
	[sflag:s23] =	ssyncadd.s32 $0xFFFFFF80  }
0x249: {  	_ =	swait.ge [sflag:s24], $0x80  }
0x24a: {  	[sflag:s24] =	ssyncset.done $0x0  }
0x24b: {  	[sflag:s24] =	ssyncadd.s32 $0xFFFFFF80  }
0x24c: {  	s4 =	simm.s32 $0x13F80;
	s5 =	rddreg [dreg:$0x0]  }
0x24d: {  	[tilespmem:s4], [sflag:$0x1] =	stream.indirect.gather [hbm4b:s5+s31], $0x80, s16, s31, $0xb8;
	[tilespmem:$0x1FF80] =	vst v63  }
0x24e: {  	s8 =	simm.s32 $0x3  }
0x24f: {  	[tilespmem:s28], [sflag:$0x1] =	stream.indirect.gather [hbm4b:s5+s31], $0x80, s12, s31, $0xb8;
	[tilespmem:$0x1FF80] =	vst v63  }
0x250: {  	_ =	swait.ge [sflag:s8], $0x4000  }
0x251: {  	[sflag:s8] =	ssyncset.done $0x0  }
0x252: {  	s1 =	simm.s32 $0x1BF80;
	s25 =	simm.s32 $0x5;
	[sflag:s8] =	ssyncadd.s32 $0xFFFFC000  }
0x253: {  	[spmem:s3] =	stream.indirect.scatter.add.f32 [tilespmem:s1], [sflag:$0x6], $0x80, s19, s17, $0xb8;
	[tilespmem:$0x1FF80] =	vst v63  }
0x254: {  	_ =	swait.ge [sflag:s25], $0x4000  }
0x255: {  	s28 =	sld [smem:$0x7FC]  }
0x256: {  	[sflag:s25] =	ssyncset.done $0x0  }
0x257: {  	s29 =	simm.s32 $0x13D00;
	s30 =	sld [smem:$0x7FD];
	[sflag:s25] =	ssyncadd.s32 $0xFFFFC000  }
0x258: {  	[tilespmem:s29], [sflag:$0x9] =	stream.linear.gather [hbm4b:s28+s13], $0x80, $0x38;
	[tilespmem:$0x1FF80] =	vst v63  }
0x259: {  	s9 =	simm.s32 $0x8  }
0x25a: {  	[tilespmem:s14], [sflag:$0xB] =	stream.linear.gather [hbm4b:s30+s13], $0x80, $0x38;
	[tilespmem:$0x1FF80] =	vst v63  }
0x25b: {  	_ =	swait.ge [sflag:s9], $0x80  }
0x25c: {  	[sflag:s9] =	ssyncset.done $0x0  }
0x25d: {  	s13 =	simm.s32 $0xA;
	[sflag:s9] =	ssyncadd.s32 $0xFFFFFF80  }
0x25e: {  	_ =	swait.ge [sflag:s13], $0x80  }
0x25f: {  	[sflag:s13] =	ssyncset.done $0x0  }
0x260: {  	[sflag:s13] =	ssyncadd.s32 $0xFFFFFF80  }
0x261: {  	[tilespmem:s6], [sflag:$0x2] =	stream.indirect.gather [hbm4b:s5+s31], $0x80, s7, s31, $0xb8;
	[tilespmem:$0x1FF80] =	vst v63  }
0x262: {  	s15 =	simm.s32 $0x1  }
0x263: {  	[tilespmem:s18], [sflag:$0x2] =	stream.indirect.gather [hbm4b:s5+s31], $0x80, s11, s31, $0xb8;
	[tilespmem:$0x1FF80] =	vst v63  }
0x264: {  	_ =	swait.ge [sflag:s15], $0x4000  }
0x265: {  	[sflag:s15] =	ssyncset.done $0x0  }
0x266: {  	s18 =	simm.s32 $0x6;
	[sflag:s15] =	ssyncadd.s32 $0xFFFFC000  }
0x267: {  	[spmem:s3] =	stream.indirect.scatter.add.f32 [tilespmem:s4], [sflag:$0x4], $0x80, s26, s17, $0xb8;
	[tilespmem:$0x1FF80] =	vst v63  }
0x268: {  	_ =	swait.ge [sflag:s18], $0x4000  }
0x269: {  	[sflag:s18] =	ssyncset.done $0x0  }
0x26a: {  	s19 =	simm.s32 $0x9;
	[sflag:s18] =	ssyncadd.s32 $0xFFFFC000  }
0x26b: {  	_ =	swait.ge [sflag:s19], $0x80  }
0x26c: {  	[sflag:s19] =	ssyncset.done $0x0  }
0x26d: {  	s20 =	simm.s32 $0xB;
	[sflag:s19] =	ssyncadd.s32 $0xFFFFFF80  }
0x26e: {  	_ =	swait.ge [sflag:s20], $0x80  }
0x26f: {  	[sflag:s20] =	ssyncset.done $0x0  }
0x270: {  	[sflag:s20] =	ssyncadd.s32 $0xFFFFFF80  }
0x271: {  	[tilespmem:s1], [sflag:$0x3] =	stream.indirect.gather [hbm4b:s5+s31], $0x80, s29, s31, $0xb8;
	[tilespmem:$0x1FF80] =	vst v63  }
0x272: {  	s23 =	simm.s32 $0x2  }
0x273: {  	[tilespmem:s22], [sflag:$0x3] =	stream.indirect.gather [hbm4b:s5+s31], $0x80, s21, s31, $0xb8;
	[tilespmem:$0x1FF80] =	vst v63  }
0x274: {  	_ =	swait.ge [sflag:s23], $0x4000  }
0x275: {  	[sflag:s23] =	ssyncset.done $0x0  }
0x276: {  	[sflag:s23] =	ssyncadd.s32 $0xFFFFC000  }
0x277: {  	[spmem:s3] =	stream.indirect.scatter.add.f32 [tilespmem:s6], [sflag:$0x5], $0x80, s10, s17, $0xb8;
	[tilespmem:$0x1FF80] =	vst v63  }
0x278: {  	_ =	swait.ge [sflag:s2], $0x4000  }
0x279: {  	[sflag:s2] =	ssyncset.done $0x0  }
0x27a: {  	[sflag:s2] =	ssyncadd.s32 $0xFFFFC000  }
0x27b: {  	_ =	swait.ge [sflag:s8], $0x4000  }
0x27c: {  	[sflag:s8] =	ssyncset.done $0x0  }
0x27d: {  	[sflag:s8] =	ssyncadd.s32 $0xFFFFC000  }
0x27e: {  	[spmem:s3] =	stream.indirect.scatter.add.f32 [tilespmem:s1], [sflag:$0x6], $0x80, s14, s17, $0xb8;
	[tilespmem:$0x1FF80] =	vst v63  }
0x27f: {  	_ =	swait.ge [sflag:s25], $0x4000  }
0x280: {  	[sflag:s25] =	ssyncset.done $0x0  }
0x281: {  	[sflag:s25] =	ssyncadd.s32 $0xFFFFC000  }
0x282: {  	_ =	swait.ge [sflag:s18], $0x4000  }
0x283: {  	s14 =	sld [smem:$0x7F8]  }
0x284: {  	[sflag:s18] =	ssyncset.done $0x0  }
0x285: {  	s0 =	simm.s32 @!p0 $0x0;
	s10 =	simm.s32 @!p0 $0x13C00;
	[sflag:s18] =	ssyncadd.s32 $0xFFFFC000  }
0x286: {  	[tilespmem:s10], [sflag:$0xF] =	stream.linear.gather @!p0 [hbm4b:s14+s0], $0x80, $0x38;
	[tilespmem:$0x1FF80] =	vst v63  }
0x287: {  	s14 =	simm.s32 @!p0 $0xF  }
0x288: {  	_ =	swait.ge @!p0 [sflag:s14], $0x80  }
0x289: {  	s30 =	sld [smem:$0x7F9]  }
0x28a: {  	[sflag:s14] =	ssyncset.done @!p0 $0x0  }
0x28b: {  	s20 =	simm.s32 @!p0 $0x13D80;
	[sflag:s14] =	ssyncadd.s32 @!p0 $0xFFFFFF80  }
0x28c: {  	[tilespmem:s20], [sflag:$0xF] =	stream.linear.gather @!p0 [hbm4b:s30+s0], $0x80, $0x38;
	[tilespmem:$0x1FF80] =	vst v63  }
0x28d: {  	_ =	swait.ge @!p0 [sflag:s14], $0x80  }
0x28e: {  	[sflag:s14] =	ssyncset.done @!p0 $0x0  }
0x28f: {  	s0 =	simm.s32 @!p0 $0x80;
	s30 =	simm.s32 @!p0 $0x13F80;
	[sflag:s14] =	ssyncadd.s32 @!p0 $0xFFFFFF80  }
0x290: {  	[tilespmem:s30], [sflag:$0xE] =	stream.indirect.gather @!p0 [hbm4b:s5+s0], $0x80, s10, s0, $0xb8;
	[tilespmem:$0x1FF80] =	vst v63  }
0x291: {  	s10 =	simm.s32 @!p0 $0xE  }
0x292: {  	_ =	swait.ge @!p0 [sflag:s10], $0x4000  }
0x293: {  	[sflag:s10] =	ssyncset.done @!p0 $0x0  }
0x294: {  	[sflag:s10] =	ssyncadd.s32 @!p0 $0xFFFFC000  }
0x295: {  	[spmem:s3] =	stream.indirect.scatter.add.f32 @!p0 [tilespmem:s30], [sflag:$0xF], $0x80, s20, s0, $0xb8;
	[tilespmem:$0x1FF80] =	vst v63  }
0x296: {  	_ =	swait.ge @!p0 [sflag:s14], $0x4000  }
0x297: {  	[sflag:s14] =	ssyncset.done @!p0 $0x0  }
0x298: {  	[sflag:s14] =	ssyncadd.s32 @!p0 $0xFFFFC000  }
0x299: {  	[bflag:$0x0] =	sbarrier.arrive $0xFFFF  }
0x29a: {  	s26 =	sld [smem:$0x7F7]  }
0x29b: {  	s24 =	rddreg [dreg:$0x13]  }
0x29c: {  	s28 =	simm.s32 $0xF;
	s25 =	rddreg [dreg:$0x1d];
	s0 =	sor.u32 $0x1C0F, s24  }
0x29d: {  	[hbm:s25], [sflag:s0] =	dma.local [spmem:s26], $0x2780  }
0x29e: {  	_ =	swait.ge [sflag:s28], $0x2780  }
0x29f: {  	s29 =	sld [smem:$0x7F6]  }
0x2a0: {  	s30 =	sld [smem:$0x7FA];
	_ =	sdelay $0x1  }
0x2a1: {  	s2 =	sadd.s32 $0x1, s29  }
0x2a2: {  	p1 =	sne.s32 s2, s30  }
.Ltmp1:
0x2a3: {  	_ = 	snop;
	(pc) =	sbr.rel @p1 .LBB2_1-.Ltmp1, $3  }
0x2a4: {  	_ =	sdelay $0x1  }
0x2a5: {  	[sflag:s28] =	ssyncset.done $0x0  }
0x2a6: {  	[sflag:s28] =	ssyncadd.s32 $0xFFFFD880  }
0x2a7: {  	_ =	sfence.sel $0x180000  }
0x2a8: {  	[bflag:$0x0] =	sbarrier.arrive $0xFFFF  }
0x2a9: {  	_ =	strace $0x9000004A  }
0x2aa: {  	s0 =	stileid.u32;
	[bflag:$0x2] =	sbarrier.arrive $0xFFFF  }
0x2ab: {  	p0 =	sne.s32 s0, $0x0;
	s0 =	rddreg [dreg:$0x4]  }
0x2ac: {  	s0 =	sadd.s32 @!p0 $0x100000, s0  }
0x2ad: {  	[sflag:s0] =	ssyncadd.tile.s32 @!p0 $0x1;
	_ =	shalt  }
.Lfunc_end2:
_tile_overlayer_lowered:
.L_overlay_start_2:
0x2ae: {  	(tag) =	ssettag $0x2  }
0x2af: {  	s0 =	rddreg [dreg:$0x0];
	s2 =	stileid.u32  }
0x2b0: {  	s1 =	rddreg [dreg:$0x1];
	p0 =	sne.s32 s2, $0x0  }
0x2b1: {  	s3 =	rddreg [dreg:$0x2];
	[bflag:$0x3] =	sbarrier.arrive $0xFFFF;
	s2 =	simm.s32 @!p0 $0x1C0F  }
0x2b2: {  	[timem:s3], [sflag:s2] =	dma.local @!p0 [hbm:s0], s1  }
0x2b3: {  	s0 =	simm.s32 @!p0 $0xF  }
0x2b4: {  	_ =	swait.ge @!p0 [sflag:s0], s1  }
0x2b5: {  	s1 =	ssub.s32 @!p0 $0x0, s1;
	[sflag:s0] =	ssyncset.done @!p0 $0x0  }
0x2b6: {  	[sflag:s0] =	ssyncadd.s32 @!p0 s1  }
0x2b7: {  	[bflag:$0x3] =	sbarrier.arrive $0xFFFF  }
0x2b8: {  	_ =	shalt  }

// kernel: kernel.7.cloned.1.call-start
scs
__scs_entry_jumppad:
0x0: {  	(pc) =	sbr.rel $0x88, $3  }
0x1: {  	(tag) =	ssettag $0x0;
	lr =	simm.s32 $0x1  }
0x2: {  	[smem:$0x3F9F] =	sst lr;
	_ =	strace $0xD0000000  }
0x3: {  	_ = 	snop  }
0x4: {  	_ = 	snop  }
0x5: {  	_ = 	snop  }
0x6: {  	_ = 	snop  }
0x7: {  	_ = 	snop  }
__scs_overlays_trampoline_lowered:
0x8: {  	[smem:$0x3FAE] =	sst s0  }
0x9: {  	[smem:$0x3FAF] =	sst s1  }
0xa: {  	[smem:$0x3FB0] =	sst s2  }
0xb: {  	[smem:$0x3FB1] =	sst s3  }
0xc: {  	[smem:$0x3FB2] =	sst s4  }
0xd: {  	[smem:$0x3FB3] =	sst s5  }
0xe: {  	[smem:$0x3FB4] =	sst s6  }
0xf: {  	[smem:$0x3FB5] =	sst s7  }
0x10: {  	[smem:$0x3FB6] =	sst s8  }
0x11: {  	[smem:$0x3FB7] =	sst s9;
	s0 =	simm.s32 @!p0 $0x0  }
0x12: {  	s1 =	sld [smem:$0x3F9D];
	s0 =	simm.s32 @p0 $0x1  }
0x13: {  	[smem:$0x3FB8] =	sst s0;
	s0 =	simm.s32 @!p1 $0x0  }
0x14: {  	s2 =	sld [smem:$0x3F9C];
	s0 =	simm.s32 @p1 $0x1  }
0x15: {  	[smem:$0x3FB9] =	sst s0;
	s0 =	simm.s32 @!p2 $0x0  }
0x16: {  	s3 =	sld [smem:$0x3FDB];
	s0 =	simm.s32 @p2 $0x1  }
0x17: {  	s4 =	simm.s32 $0x1BF5;
	[smem:$0x3FBB] =	sst s0  }
0x18: {  	s0 =	sld [smem:$0x3F9E];
	_ =	swait.ge [sflag:s4], $0x0  }
0x19: {  	s7 =	sld [smem:$0x3F9F]  }
0x1a: {  	s8 =	sadd.s32 $0xFFFFE003, lr  }
0x1b: {  	s9 =	sadd.s32 $0xFFFFFEF7, lr;
	s5 =	simm.s32 $0xFFFFFFFF;
	p2 =	slt.u32 s8, $0xFFFFF086  }
0x1c: {  	p1 =	slt.u32 s9, $0xF7A;
	s5 =	simm.s32 @!p2 $0x0  }
0x1d: {  	s5 =	simm.s32 @p1 $0x1;
	p0 =	seq.s32 s7, s2  }
0x1e: {  	s7 =	smul.u32 @!p0 $0xF7A, s2;
	p2 =	seq.s32 @!p0 s5, $0x0  }
0x1f: {  	s9 =	smul.u32 $0xF7A, s1;
	s8 =	simm.s32 @!p0 $0x1BF5;
	p2 =	por !p2, p0  }
0x20: {  	[sflag:s8] =	ssyncset.s32 @!p0 $0xFFFFF086;
	s6 =	sadd.s32 @!p0 s3, s7;
	s7 =	simm.s32 @!p0 $0x108  }
0x21: {  	s3 =	sadd.s32 s3, s9;
	s6 =	sadd.s32 @!p0 $0x88, s6;
	s7 =	simm.s32 @p2 $0x1082  }
0x22: {  	[simem:s7], [sflag:s8] =	dma.local @!p0 [hbm:s6], $0xF7A  }
0x23: {  	s9 =	sor.u32 $0xD0000000, s2;
	s6 =	simm.s32 $0x108;
	_ =	swait.ge @!p0 [sflag:s8], $0x0  }
0x24: {  	s3 =	sadd.s32 $0x88, s3;
	s6 =	simm.s32 @!p1 $0x1082;
	[sflag:s4] =	ssyncset.s32 $0xFFFFF086  }
0x25: {  	[simem:s6], [sflag:s4] =	dma.local [hbm:s3], $0xF7A  }
0x26: {  	[smem:$0x3F9F] =	sst s1;
	(tag) =	ssettag s2;
	_ =	strace s9  }
0x27: {  	s1 =	sld [smem:$0x3FAF]  }
0x28: {  	s2 =	sld [smem:$0x3FB0]  }
0x29: {  	s4 =	sld [smem:$0x3FB2]  }
0x2a: {  	p0 =	seq.s32 s5, $0x0;
	s5 =	sld [smem:$0x3FB3]  }
0x2b: {  	s6 =	sld [smem:$0x3FB4]  }
0x2c: {  	s7 =	sld [smem:$0x3FB5]  }
0x2d: {  	s3 =	simm.s32 $0x108;
	s8 =	sld [smem:$0x3FB6]  }
0x2e: {  	s3 =	simm.s32 @!p0 $0x1082;
	s9 =	sld [smem:$0x3FB7]  }
0x2f: {  	lr =	sadd.s32 s0, s3;
	s0 =	sld [smem:$0x3FAE]  }
0x30: {  	s3 =	sld [smem:$0x3FB1]  }
0x31: {  	[smem:$0x3FBA] =	sst s10  }
0x32: {  	s10 =	sld [smem:$0x3FB8];
	_ =	sdelay $0x3  }
0x33: {  	p0 =	seq.s32 s10, $0x1;
	s10 =	sld [smem:$0x3FBA];
	_ =	sdelay $0x3  }
0x34: {  	[smem:$0x3FBA] =	sst s10  }
0x35: {  	s10 =	sld [smem:$0x3FB9];
	_ =	sdelay $0x3  }
0x36: {  	p1 =	seq.s32 s10, $0x1;
	s10 =	sld [smem:$0x3FBA];
	_ =	sdelay $0x3  }
0x37: {  	[smem:$0x3FBA] =	sst s10  }
0x38: {  	s10 =	sld [smem:$0x3FBB]  }
0x39: {  	_ = 	snop;
	(pc) =	sbr.ind lr, $3  }
0x3a: {  	_ = 	snop  }
0x3b: {  	_ = 	snop  }
0x3c: {  	p2 =	seq.s32 s10, $0x1;
	s10 =	sld [smem:$0x3FBA]  }
0x3d: {  	_ =	shalt  }
0x3e: {  	_ =	shalt  }
0x3f: {  	_ =	shalt  }
0x40: {  	_ =	shalt  }
0x41: {  	_ =	shalt  }
0x42: {  	_ =	shalt  }
0x43: {  	_ =	shalt  }
0x44: {  	_ =	shalt  }
0x45: {  	_ =	shalt  }
0x46: {  	_ =	shalt  }
0x47: {  	_ =	shalt  }
0x48: {  	_ =	shalt  }
0x49: {  	_ =	shalt  }
0x4a: {  	_ =	shalt  }
0x4b: {  	_ =	shalt  }
0x4c: {  	_ =	shalt  }
0x4d: {  	_ =	shalt  }
0x4e: {  	_ =	shalt  }
0x4f: {  	_ =	shalt  }
0x50: {  	_ =	shalt  }
0x51: {  	_ =	shalt  }
0x52: {  	_ =	shalt  }
0x53: {  	_ =	shalt  }
0x54: {  	_ =	shalt  }
0x55: {  	_ =	shalt  }
0x56: {  	_ =	shalt  }
0x57: {  	_ =	shalt  }
0x58: {  	_ =	shalt  }
0x59: {  	_ =	shalt  }
0x5a: {  	_ =	shalt  }
0x5b: {  	_ =	shalt  }
0x5c: {  	_ =	shalt  }
0x5d: {  	_ =	shalt  }
0x5e: {  	_ =	shalt  }
0x5f: {  	_ =	shalt  }
0x60: {  	_ =	shalt  }
0x61: {  	_ =	shalt  }
0x62: {  	_ =	shalt  }
0x63: {  	_ =	shalt  }
0x64: {  	_ =	shalt  }
0x65: {  	_ =	shalt  }
0x66: {  	_ =	shalt  }
0x67: {  	_ =	shalt  }
0x68: {  	_ =	shalt  }
0x69: {  	_ =	shalt  }
0x6a: {  	_ =	shalt  }
0x6b: {  	_ =	shalt  }
0x6c: {  	_ =	shalt  }
0x6d: {  	_ =	shalt  }
0x6e: {  	_ =	shalt  }
0x6f: {  	_ =	shalt  }
0x70: {  	_ =	shalt  }
0x71: {  	_ =	shalt  }
0x72: {  	_ =	shalt  }
0x73: {  	_ =	shalt  }
0x74: {  	_ =	shalt  }
0x75: {  	_ =	shalt  }
0x76: {  	_ =	shalt  }
0x77: {  	_ =	shalt  }
0x78: {  	_ =	shalt  }
0x79: {  	_ =	shalt  }
0x7a: {  	_ =	shalt  }
0x7b: {  	_ =	shalt  }
0x7c: {  	_ =	shalt  }
0x7d: {  	_ =	shalt  }
0x7e: {  	_ =	shalt  }
0x7f: {  	_ =	shalt  }
0x80: {  	_ =	shalt  }
0x81: {  	_ =	shalt  }
0x82: {  	_ =	shalt  }
0x83: {  	_ =	shalt  }
0x84: {  	_ =	shalt  }
0x85: {  	_ =	shalt  }
0x86: {  	_ =	shalt  }
0x87: {  	_ =	shalt  }
.Lfunc_end0:
.L_simem_size_0:
called_computation_lowered:
.L_overlay_start_0:
0x88: {  	s2 =	sld [smem:$0x3FD9]  }
0x89: {  	s3 =	sld [smem:$0x3FFE];
	_ =	sdelay $0x1  }
0x8a: {  	s1 =	srdreg.scid  }
0x8b: {  	s0 =	sand.u32 $0x1, s1  }
0x8c: {  	s17 =	sshll.u32 s0, $0xA;
	s2 =	sadd.s32 s3, s2  }
0x8d: {  	s2 =	sadd.s32 s2, s17  }
0x8e: {  	[smem:$0x3FC6] =	sst s2  }
0x8f: {  	_ = 	snop  }
0x90: {  	s2 =	sld [smem:$0x3FC8]  }
0x91: {  	s18 =	sld [smem:$0x3FD0];
	(tm) =	ssettm $0x1  }
0x92: {  	s4 =	sld [smem:$0x3FFB];
	_ =	sdelay $0x3  }
0x93: {  	_ =	strace s4  }
0x94: {  	s4 =	sld [smem:$0x3FFC];
	_ =	sdelay $0x3  }
0x95: {  	_ =	strace s4  }
0x96: {  	s4 =	sld [smem:$0x3FFD];
	_ =	sdelay $0x3  }
0x97: {  	_ =	strace s4  }
0x98: {  	_ =	strace $0x8FFFFFFF  }
0x99: {  	s19 =	sld [smem:$0x3FDB];
	_ =	sdelay $0x1  }
0x9a: {  	s5 =	simm.s32 $_scs_section_size  }
0x9b: {  	s6 =	simm.s32 $_size__tile_overlayer_lowered;
	s7 =	simm.s32 $_tile_overlayer_lowered  }
0x9c: {  	s22 =	simm.s32 $0x1BFF;
	s21 =	sshll.u32 s7, $0x1;
	s4 =	sadd.s32 s5, s19  }
0x9d: {  	s8 =	simm.s32 $0x0;
	s20 =	sshll.u32 s6, $0x1;
	s6 =	sadd.s32 s21, s4  }
0x9e: {  	[timem:s8], [sflag:s22] =	dma.local [hbm:s6], s20  }
0x9f: {  	_ =	swait.ge [sflag:s22], s20  }
0xa0: {  	s5 =	ssub.s32 $0x0, s20;
	[sflag:s22] =	ssyncset.done $0x0  }
0xa1: {  	[sflag:s22] =	ssyncadd.s32 s5;
	_ =	sdelay $0x1  }
0xa2: {  	s23 =	simm.s32 $0x1B8B  }
0xa3: {  	_ =	swait.ge [sflag:s23], $0x1  }
0xa4: {  	[sflag:s23] =	ssyncset.done $0x0  }
0xa5: {  	s25 =	simm.s32 $0x1B8E;
	s24 =	sld [smem:$0x3FFE];
	[sflag:s23] =	ssyncadd.s32 $0xFFFFFFFF  }
0xa6: {  	s26 =	simm.s32 $execute0_lowered;
	[smem:$0x3FD2] =	sst s25  }
0xa7: {  	s6 =	sshll.u32 s26, $0x1;
	_ =	strace $0x80000046;
	[dreg:$0x1] =	wrdreg $0xFFFFFFFF  }
0xa8: {  	s28 =	simm.s32 $_size_execute0_lowered;
	s4 =	sadd.s32 s4, s6;
	[dreg:$0x0] =	wrdreg $0x0  }
0xa9: {  	s6 =	sshll.u32 s28, $0x1;
	[dreg:$0x2] =	wrdreg s4  }
0xaa: {  	[dreg:$0x3] =	wrdreg s6  }
0xab: {  	[dreg:$0x4] =	wrdreg $0xC0  }
0xac: {  	_ =	task [dreg:s8], $0x5FFFF  }
0xad: {  	[dreg:$0x1] =	wrdreg $0xFFFFFFFF  }
0xae: {  	[dreg:$0x0] =	wrdreg $0x60  }
0xaf: {  	[dreg:$0x2] =	wrdreg s18  }
0xb0: {  	[dreg:$0x3] =	wrdreg s24  }
0xb1: {  	[dreg:$0x4] =	wrdreg s2  }
0xb2: {  	[dreg:$0x5] =	wrdreg $0x9  }
0xb3: {  	_ =	task.clear_ibuf [dreg:s8], $0x6FFFF;
	_ =	strace $0x90000046  }
0xb4: {  	s29 =	simm.s32 $0x9;
	_ =	strace $0x80000048  }
0xb5: {  	_ =	swait.ge [sflag:s29], $0x1  }
0xb6: {  	[sflag:s29] =	ssyncadd.s32 $0xFFFFFFFF  }
0xb7: {  	_ =	strace $0x90000048  }
0xb8: {  	_ =	sfence  }
0xb9: {  	s30 =	sld [smem:$0x0];
	_ =	sdelay $0x2  }
0xba: {  	s31 =	sshll.u32 s1, $0xD;
	s1 =	sshrl.u32 s1, $0x2  }
0xbb: {  	s3 =	sand.u32 $0x4000, s31;
	s1 =	sadd.s32 s1, s30  }
0xbc: {  	s0 =	sor.u32 s3, s0;
	s1 =	sshll.u32 s1, $0x11  }
0xbd: {  	s0 =	sor.u32 s1, s0  }
0xbe: {  	s0 =	sadd.s32 $0x8F2B, s0  }
0xbf: {  	[sflag:s0] =	ssyncadd.remote.s32 $0x1  }
0xc0: {  	_ =	sfence.sel $0xFFFF  }
0xc1: {  	[dreg:$0x0] =	wrdreg $0xFFFFFFFF;
	(pc) =	sbr.abs _section_cstart, $3  }
0xc2: {  	[dreg:$0x1] =	wrdreg $0xFFFFFFFF  }
0xc3: {  	_ =	task.clear_ibuf [dreg:s8], $0x2FFFF;
	_ =	strace $0x9FFFFFFF  }
0xc4: {  	(tm) =	ssettm $0x7FFFFFFF  }
0xc5: {  	_ =	shalt  }
tec
execute0_lowered:
.L_overlay_start_1:
0x0: {  	(tag) =	ssettag $0x1  }
0x1: {  	s1 =	rddreg [dreg:$0x0]  }
0x2: {  	s5 =	rddreg [dreg:$0x1]  }
0x3: {  	s6 =	rddreg [dreg:$0x2]  }
0x4: {  	s0 =	rddreg [dreg:$0x3];
	s3 =	simm.s32 $0x0;
	s4 =	srdreg.scid  }
0x5: {  	s2 =	stileid.u32;
	s12 =	simm.s32 $0x80;
	s13 =	simm.s32 $0x100  }
0x6: {  	s14 =	simm.s32 $0x5000;
	s15 =	simm.s32 $0x7700;
	s16 =	simm.s32 $0x7780  }
0x7: {  	s17 =	simm.s32 $0x7800;
	s18 =	simm.s32 $0x0;
	[smem:$0x7FF] =	sst s3  }
0x8: {  	s7 =	sand.u32 $0x1, s4;
	s30 =	sshll.u32 s2, $0x1;
	s4 =	sadd.s32 $0x2A00, s5  }
0x9: {  	_ =	strace $0x80000047;
	s8 =	sor.u32 s7, s30;
	s7 =	ssub.s32 $0x2, s7  }
0xa: {  	s9 =	sshll.u32 s8, $0x4;
	s10 =	sshll.u32 s8, $0x5;
	s8 =	smul.u32 $0x9C0, s8  }
0xb: {  	s31 =	sshrl.u32 s7, $0x1;
	s10 =	sand.u32 $0x60, s10;
	s9 =	sadd.s32 s9, s5  }
0xc: {  	s11 =	ssub.s32 s7, s31;
	s10 =	sadd.s32 s10, s6;
	s5 =	sadd.s32 s6, s8  }
0xd: {  	s7 =	sadd.s32 $0x3000, s9;
	s8 =	sadd.s32 $0x3200, s9;
	s9 =	smax.u32 s11, $0x1  }
0xe: {  	s11 =	simm.s32 $0x2800;
	s6 =	sadd.s32 $0x13800, s10;
	s10 =	simm.s32 $0x1  }
.LBB2_1:
0xf: {  	[tilespmem:s3], [sflag:$0x1] =	stream.linear.gather [hbm4b:s1+s3], $0x2800, $0x38;
	[tilespmem:$0x7880] =	vst v63  }
0x10: {  	_ =	swait.ge [sflag:s10], $0x2800  }
0x11: {  	[sflag:s10] =	ssyncset.done $0x0  }
0x12: {  	[sflag:s10] =	ssyncadd.s32 $0xFFFFD800  }
0x13: {  	[tilespmem:s11], [sflag:$0x1] =	stream.linear.gather [hbm4b:s4+s3], $0x2800, $0x38;
	[tilespmem:$0x7880] =	vst v63  }
0x14: {  	_ =	swait.ge [sflag:s10], $0x2800  }
0x15: {  	[sflag:s10] =	ssyncset.done $0x0  }
0x16: {  	[sflag:s10] =	ssyncadd.s32 $0xFFFFD800  }
0x17: {  	[tilespmem:s14], [sflag:$0x1] =	stream.strided.gather [hbm4b:s5+s12], $0x2700, s13, s12, $0x38;
	[tilespmem:$0x7880] =	vst v63  }
0x18: {  	_ =	swait.ge [sflag:s10], $0x2700  }
0x19: {  	[sflag:s10] =	ssyncset.done $0x0  }
0x1a: {  	[sflag:s10] =	ssyncadd.s32 $0xFFFFD900  }
0x1b: {  	[tilespmem:s15], [sflag:$0x1] =	stream.linear.gather [hbm4b:s6+s3], $0x80, $0x38;
	[tilespmem:$0x7880] =	vst v63  }
0x1c: {  	_ =	swait.ge [sflag:s10], $0x80  }
0x1d: {  	[sflag:s10] =	ssyncset.done $0x0  }
0x1e: {  	s19 =	simm.s32 $0x0;
	[sflag:s10] =	ssyncadd.s32 $0xFFFFFF80  }
0x1f: {  	v3 =	vld [tilespmem:s19+$0x5000];
	_ =	sdelay $0x7  }
0x20: {  	v1 =	vimm.f32 $+Inf;
	v0 =	vimm.f32 $-Inf;
	s20 =	simm.s32 $0x10;
	s19 =	simm.s32 $0x80;
	v2 =	vld.idx.msk [tilespmem:v3+s11+$0x0], $0xffff  }
.LBB2_2:
0x21: {  	p0 =	sne.s32 s19, $0x9BC0;
	v4 =	vld [tilespmem:s20+$0x5000]  }
0x22: {  	v5 =	vld.idx.msk [tilespmem:v3+s3+$0x0], $0xffff;
	_ =	sdelay $0x2  }
.Ltmp0:
0x23: {  	(pc) =	sbr.rel @p0 .LBB2_2-.Ltmp0, $3  }
0x24: {  	v0 =	vmax.f32 v0, v2;
	v3 =	vmov v4;
	_ =	sdelay $0x1  }
0x25: {  	v1 =	vmin.f32 v1, v5  }
0x26: {  	s20 =	sshra.s32 s19, $0x2;
	s19 =	sadd.s32 $0x40, s19;
	v2 =	vld.idx.msk [tilespmem:v4+s11+$0x0], $0xffff  }
0x27: {  	_ = 	snop  }
0x28: {  	v4 =	vld [tilespmem:s20+$0x5000]  }
0x29: {  	v5 =	vld [tilespmem:$0x7700]  }
0x2a: {  	v6 =	vld [tilespmem:$0x7710]  }
0x2b: {  	v3 =	vld.idx.msk [tilespmem:v3+s3+$0x0], $0xffff  }
0x2c: {  	v8 =	vld [tilespmem:$0x7720]  }
0x2d: {  	v10 =	vld [tilespmem:$0x7730]  }
0x2e: {  	v12 =	vld [tilespmem:$0x7740]  }
0x2f: {  	v14 =	vld [tilespmem:$0x7750]  }
0x30: {  	v15 =	vld [tilespmem:$0x7760]  }
0x31: {  	v17 =	vld [tilespmem:$0x7770]  }
0x32: {  	v7 =	vld.idx.msk [tilespmem:v4+s11+$0x0], $0xffff  }
0x33: {  	v4 =	vld.idx.msk [tilespmem:v4+s3+$0x0], $0xffff  }
0x34: {  	v9 =	vld.idx.msk [tilespmem:v5+s3+$0x0], $0xffff  }
0x35: {  	v5 =	vld.idx.msk [tilespmem:v5+s11+$0x0], $0xffff  }
0x36: {  	v11 =	vld.idx.msk [tilespmem:v6+s3+$0x0], $0xffff  }
0x37: {  	v6 =	vld.idx.msk [tilespmem:v6+s11+$0x0], $0xffff  }
0x38: {  	v13 =	vld.idx.msk [tilespmem:v8+s3+$0x0], $0xffff  }
0x39: {  	v8 =	vld.idx.msk [tilespmem:v8+s11+$0x0], $0xffff  }
0x3a: {  	v16 =	vld.idx.msk [tilespmem:v10+s3+$0x0], $0xffff  }
0x3b: {  	v10 =	vld.idx.msk [tilespmem:v10+s11+$0x0], $0xffff  }
0x3c: {  	v18 =	vld.idx.msk [tilespmem:v12+s3+$0x0], $0xffff  }
0x3d: {  	v12 =	vld.idx.msk [tilespmem:v12+s11+$0x0], $0xffff  }
0x3e: {  	v1 =	vmin.f32 v1, v3;
	v58 =	vld.idx.msk [tilespmem:v14+s3+$0x0], $0xffff  }
0x3f: {  	v0 =	vmax.f32 v0, v2;
	v59 =	vld.idx.msk [tilespmem:v14+s11+$0x0], $0xffff;
	v1 =	vmin.f32 v1, v4  }
0x40: {  	v60 =	vld.idx.msk [tilespmem:v15+s3+$0x0], $0xffff;
	v0 =	vmax.f32 v0, v7;
	v1 =	vmin.f32 v1, v9  }
0x41: {  	v61 =	vld.idx.msk [tilespmem:v15+s11+$0x0], $0xffff;
	v0 =	vmax.f32 v0, v5;
	v1 =	vmin.f32 v1, v11  }
0x42: {  	v62 =	vld.idx.msk [tilespmem:v17+s3+$0x0], $0xffff;
	v0 =	vmax.f32 v0, v6;
	v1 =	vmin.f32 v1, v13  }
0x43: {  	v63 =	vld.idx.msk [tilespmem:v17+s11+$0x0], $0xffff;
	v0 =	vmax.f32 v0, v8;
	v1 =	vmin.f32 v1, v16  }
0x44: {  	v0 =	vmax.f32 v0, v10;
	v1 =	vmin.f32 v1, v18  }
0x45: {  	v0 =	vmax.f32 v0, v12;
	v1 =	vmin.f32 v1, v58  }
0x46: {  	v0 =	vmax.f32 v0, v59;
	v1 =	vmin.f32 v1, v60  }
0x47: {  	v0 =	vmax.f32 v0, v61;
	v1 =	vmin.f32 v1, v62  }
0x48: {  	v0 =	vmax.f32 v0, v63;
	[tilespmem:$0x7780] =	vst v1  }
0x49: {  	[tilespmem:$0x7800] =	vst v0  }
0x4a: {  	[hbm4b:s7+s3] =	stream.linear.scatter [tilespmem:s16], [sflag:$0x1], $0x80, $0x38;
	[tilespmem:$0x7880] =	vst v63  }
0x4b: {  	s18 =	sadd.s32 $0x1, s18;
	_ =	swait.ge [sflag:s10], $0x80  }
0x4c: {  	p0 =	sne.s32 s18, s9;
	[sflag:s10] =	ssyncset.done $0x0  }
.Ltmp1:
0x4d: {  	[sflag:s10] =	ssyncadd.s32 $0xFFFFFF80;
	(pc) =	sbr.rel @p0 .LBB2_1-.Ltmp1, $4  }
0x4e: {  	[hbm4b:s8+s3] =	stream.linear.scatter [tilespmem:s17], [sflag:$0x1], $0x80, $0x38;
	[tilespmem:$0x7880] =	vst v63  }
0x4f: {  	_ =	swait.ge [sflag:s10], $0x80  }
0x50: {  	[sflag:s10] =	ssyncset.done $0x0  }
0x51: {  	[sflag:s10] =	ssyncadd.s32 $0xFFFFFF80  }
0x52: {  	_ =	sfence.sel $0x180000  }
0x53: {  	[bflag:$0x0] =	sbarrier.arrive $0xFFFF  }
0x54: {  	p0 =	sne.s32 s2, $0x0;
	_ =	strace $0x90000047  }
0x55: {  	s0 =	sadd.s32 @!p0 $0x100000, s0;
	[bflag:$0x2] =	sbarrier.arrive $0xFFFF  }
0x56: {  	[sflag:s0] =	ssyncadd.tile.s32 @!p0 $0x1;
	_ =	shalt  }
.Lfunc_end2:
_tile_overlayer_lowered:
.L_overlay_start_2:
0x57: {  	(tag) =	ssettag $0x2  }
0x58: {  	s0 =	rddreg [dreg:$0x0];
	s2 =	stileid.u32  }
0x59: {  	s1 =	rddreg [dreg:$0x1];
	p0 =	sne.s32 s2, $0x0  }
0x5a: {  	s3 =	rddreg [dreg:$0x2];
	[bflag:$0x3] =	sbarrier.arrive $0xFFFF;
	s2 =	simm.s32 @!p0 $0x1C01  }
0x5b: {  	[timem:s3], [sflag:s2] =	dma.local @!p0 [hbm:s0], s1  }
0x5c: {  	s0 =	simm.s32 @!p0 $0x1  }
0x5d: {  	_ =	swait.ge @!p0 [sflag:s0], s1  }
0x5e: {  	s1 =	ssub.s32 @!p0 $0x0, s1;
	[sflag:s0] =	ssyncset.done @!p0 $0x0  }
0x5f: {  	[sflag:s0] =	ssyncadd.s32 @!p0 s1  }
0x60: {  	[bflag:$0x3] =	sbarrier.arrive $0xFFFF  }
0x61: {  	_ =	shalt  }

</sc_bundles>
